<compile_context>
chip_gen: v7x
topology: tpu7x:2x2x1
jax: 0.10.2.dev20260603
libtpu: 0.0.44.dev20260713+nightly
codegen_flags: <defaults>
</compile_context>

<pallas_src>
import functools

import jax
import jax.numpy as jnp
from jax import lax
from jax.experimental import pallas as pl
from jax.experimental.pallas import tpu as pltpu
from jax.experimental.pallas import tpu_sc as plsc

NC = 2
NS = 16
NW = NC * NS
LANES = 16

DIM = 64
BB = 128
SUB = 8
TILE_WORDS = SUB * BB
CW = BB * DIM

NBUF = 6
DEPTH = 5
TBUF = 3


def _make_gather(batch: int, seq: int):
  assert batch == NW * BB and DIM == SUB * SUB
  n_ti = DIM // SUB

  mesh = plsc.VectorSubcoreMesh(core_axis_name="c", subcore_axis_name="s")

  @functools.partial(
      pl.kernel,
      out_type=jax.ShapeDtypeStruct((seq, n_ti, NW, TILE_WORDS), jnp.float32),
      mesh=mesh,
      scratch_types=[
          pltpu.VMEM((seq, BB), jnp.int32),
          pltpu.VMEM((NBUF, BB, DIM), jnp.float32),
          pltpu.VMEM((TBUF * DIM * BB,), jnp.float32),
          pltpu.SemaphoreType.DMA((NBUF,)),
          pltpu.SemaphoreType.DMA((TBUF,)),
      ],
      compiler_params=pltpu.CompilerParams(
          use_tc_tiling_on_sc=False, needs_layout_passes=False,
          disable_bounds_checks=True),
  )
  def gather_kernel(table_hbm, idx_hbm, out_hbm, idx_v, rows_v, tile_v,
                    gsem, osem):
    wid = lax.axis_index("s") * NC + lax.axis_index("c")
    pltpu.sync_copy(idx_hbm.at[wid], idx_v)

    def gather_copy(l, slot):
      return pltpu.make_async_copy(
          table_hbm.at[idx_v.at[l]], rows_v.at[slot], gsem.at[slot])

    def out_copy(l, tslot, ti):
      return pltpu.make_async_copy(
          tile_v.at[pl.ds(tslot * DIM * BB + ti * TILE_WORDS, TILE_WORDS)],
          out_hbm.at[l, ti, wid],
          osem.at[tslot])

    for l in range(DEPTH):
      gather_copy(l, l).start()

    iota = lax.iota(jnp.int32, LANES)
    perms = [lax.rem(iota + t, LANES) for t in range(LANES)]
    dst_vecs = [iota * BB + perms[t] for t in range(LANES)]
    col_vecs = [iota + dblk * LANES for dblk in range(DIM // LANES)]

    def transpose_rows(slot, tslot):
      dst_base0 = tslot * DIM * BB
      src2 = rows_v.at[slot]

      for dblk in range(DIM // LANES):
        @plsc.parallel_loop(0, BB // LANES, 1, unroll=4)
        def _(g):
          bb0 = g * LANES
          d_base = dst_base0 + dblk * (LANES * BB) + bb0
          for t in range(LANES):
            v = plsc.load_gather(src2, [perms[t] + bb0, col_vecs[dblk]])
            plsc.store_scatter(tile_v, [dst_vecs[t] + d_base], v)

    def step(l, carry):
      slot = lax.rem(l, NBUF)
      tslot = lax.rem(l, TBUF)
      gather_copy(l, slot).wait()

      @pl.when(l >= TBUF)
      def _():
        for ti in range(n_ti):
          out_copy(l - TBUF, tslot, ti).wait()

      transpose_rows(slot, tslot)
      for ti in range(n_ti):
        out_copy(l, tslot, ti).start()

      ln = l + DEPTH

      @pl.when(ln < seq)
      def _():
        gather_copy(ln, lax.rem(ln, NBUF)).start()

      return carry

    lax.fori_loop(0, seq, step, 0)

    for t in range(TBUF):
      l = seq - TBUF + t
      for ti in range(n_ti):
        out_copy(l, lax.rem(l, TBUF), ti).wait()

  return gather_kernel


def kernel(x, table):
  b, l = x.shape
  idx3 = x.reshape(NW, BB, l).transpose(0, 2, 1).astype(jnp.int32)
  table_flat = jax.lax.optimization_barrier(table.reshape(-1))
  table_lin = table_flat.reshape(table.shape)
  out = _make_gather(b, l)(table_lin, idx3)
  out5 = out.reshape(l, DIM // SUB, NW, SUB, BB)
  return out5.transpose(2, 4, 0, 1, 3).reshape(b, l, DIM)

# --- scband reference (transcript-rebuilt; emitter-appended) ---
"""Pipeline reference for scband-embedding-layer-37795712205366 (READ-ONLY COPY).

The authoritative reference and input builder live on the scoring server;
editing this copy changes nothing except your own understanding.
"""

import jax, jax.numpy as jnp
import numpy as np

VOCAB = 1000000
EMBED = 64
B = 4096
L = 200

def setup_inputs(seed: int = 0) -> dict:
    key = jax.random.key(seed)
    k1, k2 = jax.random.split(key)
    x = jax.random.randint(k1, (B, L), 0, VOCAB, dtype=jnp.int64)
    table = jax.random.normal(k2, (VOCAB, EMBED), dtype=jnp.float32)
    return {"x": x, "table": table}

def reference(x, table):
    # nn.Embedding lookup
    x_embed = jnp.take(table, x, axis=0)
    # Dropout(0.5) in eval mode is identity (inference reference)
    x_output = x_embed
    return x_output

if __name__ == "__main__":
    import jax
    _d = setup_inputs()
    print(jax.jit(kernel)(*tuple(_d.values())))

</pallas_src>

<mosaic_0001>
#map = affine_map<(d0, d1) -> (0, 0)>
#map1 = affine_map<(d0, d1) -> (0, 0, 0)>
#map2 = affine_map<(d0, d1) -> (0, 0, 0, 0)>
module attributes {stable_mosaic.version = 14 : i64} {
  func.func @gather_kernel(%arg0: i32, %arg1: i32, %arg2: memref<1000000x64xf32, #tpu.memory_space<hbm>>, %arg3: memref<32x200x128xi32, #tpu.memory_space<hbm>>, %arg4: memref<200x8x32x1024xf32, #tpu.memory_space<hbm>>, %arg5: memref<200x128xi32, #tpu.memory_space<vmem>>, %arg6: memref<6x128x64xf32, #tpu.memory_space<vmem>>, %arg7: memref<24576xf32, #tpu.memory_space<vmem>>, %arg8: memref<6x!tpu.dma_semaphore, #tpu.memory_space<semaphore_mem>>, %arg9: memref<3x!tpu.dma_semaphore, #tpu.memory_space<semaphore_mem>>) attributes {dimension_semantics = [#tpu.dimension_semantics<core_parallel>, #tpu.dimension_semantics<subcore_parallel>], iteration_bounds = array<i64: 2, 16>, scalar_prefetch = 0 : i64, scratch_operands = 5 : i64, tpu.core_type = #tpu.core_type<sc_vector_subcore>, window_params = [{transform_indices = #map}, {transform_indices = #map1}, {transform_indices = #map2}]} {
    %mul3A = arith.constant 2 : i32
    %mul3A_0 = arith.muli %arg1, %mul3A : i32
    %add3A = arith.addi %mul3A_0, %arg0 : i32
    "tpu.region"() ({
      %run_scoped3A = tpu.sem_alloc : memref<!tpu.dma_semaphore, #tpu.memory_space<semaphore_mem>>
      %dma_start3A_754 = arith.constant 0 : i32
      %dma_start3A_755 = arith.constant 0 : i32
      %dma_start3A_756 = tpu.memref_slice %arg3[%add3A, %dma_start3A_754, %dma_start3A_755] : memref<32x200x128xi32, #tpu.memory_space<hbm>> -> memref<1x200x128xi32, #tpu.memory_space<hbm>>
      %dma_start3A_757 = tpu.memref_squeeze %dma_start3A_756 : memref<1x200x128xi32, #tpu.memory_space<hbm>> -> memref<200x128xi32, #tpu.memory_space<hbm>>
      %dma_start3A_758 = arith.constant 0 : i32
      %dma_start3A_759 = arith.constant 0 : i32
      %dma_start3A_760 = tpu.memref_slice %arg3[%add3A, %dma_start3A_758, %dma_start3A_759] : memref<32x200x128xi32, #tpu.memory_space<hbm>> -> memref<1x200x128xi32, #tpu.memory_space<hbm>>
      %dma_start3A_761 = tpu.memref_squeeze %dma_start3A_760 : memref<1x200x128xi32, #tpu.memory_space<hbm>> -> memref<200x128xi32, #tpu.memory_space<hbm>>
      tpu.enqueue_dma source(%dma_start3A_761 : memref<200x128xi32, #tpu.memory_space<hbm>>) target(%arg5 : memref<200x128xi32, #tpu.memory_space<vmem>>) target_semaphore(%run_scoped3A : memref<!tpu.dma_semaphore, #tpu.memory_space<semaphore_mem>>)
      %dma_wait3A_762 = arith.constant 0 : i32
      %dma_wait3A_763 = arith.constant 0 : i32
      %dma_wait3A_764 = tpu.memref_slice %arg3[%add3A, %dma_wait3A_762, %dma_wait3A_763] : memref<32x200x128xi32, #tpu.memory_space<hbm>> -> memref<1x200x128xi32, #tpu.memory_space<hbm>>
      %dma_wait3A_765 = tpu.memref_squeeze %dma_wait3A_764 : memref<1x200x128xi32, #tpu.memory_space<hbm>> -> memref<200x128xi32, #tpu.memory_space<hbm>>
      %dma_wait3A_766 = arith.constant 0 : i32
      %dma_wait3A_767 = arith.constant 0 : i32
      %dma_wait3A_768 = tpu.memref_slice %arg3[%add3A, %dma_wait3A_766, %dma_wait3A_767] : memref<32x200x128xi32, #tpu.memory_space<hbm>> -> memref<1x200x128xi32, #tpu.memory_space<hbm>>
      %dma_wait3A_769 = tpu.memref_squeeze %dma_wait3A_768 : memref<1x200x128xi32, #tpu.memory_space<hbm>> -> memref<200x128xi32, #tpu.memory_space<hbm>>
      tpu.wait_dma2 semaphore(%run_scoped3A : memref<!tpu.dma_semaphore, #tpu.memory_space<semaphore_mem>>) src(%dma_wait3A_769 : memref<200x128xi32, #tpu.memory_space<hbm>>) dst(%arg5 : memref<200x128xi32, #tpu.memory_space<vmem>>)
      tpu.yield
    }) : () -> ()
    %dma_start3A = arith.constant 0 : i32
    %dma_start3A_1 = arith.constant 0 : i32
    %dma_start3A_2 = arith.constant 0 : i32
    %dma_start3A_3 = arith.constant 0 : i32
    %dma_start3A_4 = arith.constant 0 : i32
    %dma_start3A_5 = tpu.memref_slice %arg6[%dma_start3A_1, %dma_start3A_3, %dma_start3A_4] : memref<6x128x64xf32, #tpu.memory_space<vmem>> -> memref<1x128x64xf32, #tpu.memory_space<vmem>>
    %dma_start3A_6 = tpu.memref_squeeze %dma_start3A_5 : memref<1x128x64xf32, #tpu.memory_space<vmem>> -> memref<128x64xf32, #tpu.memory_space<vmem>>
    %dma_start3A_7 = arith.constant 0 : i32
    %dma_start3A_8 = tpu.memref_slice %arg5[%dma_start3A, %dma_start3A_7] : memref<200x128xi32, #tpu.memory_space<vmem>> -> memref<1x128xi32, #tpu.memory_space<vmem>>
    %dma_start3A_9 = tpu.memref_squeeze %dma_start3A_8 : memref<1x128xi32, #tpu.memory_space<vmem>> -> memref<128xi32, #tpu.memory_space<vmem>>
    %dma_start3A_10 = arith.constant 0 : i32
    %dma_start3A_11 = arith.constant 0 : i32
    %dma_start3A_12 = tpu.memref_slice %arg2[%dma_start3A_10, %dma_start3A_11] : memref<1000000x64xf32, #tpu.memory_space<hbm>> -> memref<1000000x64xf32, #tpu.memory_space<hbm>>
    %dma_start3A_13 = tpu.memref_slice %arg8[%dma_start3A_2] : memref<6x!tpu.dma_semaphore, #tpu.memory_space<semaphore_mem>> -> memref<1x!tpu.dma_semaphore, #tpu.memory_space<semaphore_mem>>
    %dma_start3A_14 = tpu.memref_squeeze %dma_start3A_13 : memref<1x!tpu.dma_semaphore, #tpu.memory_space<semaphore_mem>> -> memref<!tpu.dma_semaphore, #tpu.memory_space<semaphore_mem>>
    tpu.enqueue_indirect_dma source(%dma_start3A_12 : memref<1000000x64xf32, #tpu.memory_space<hbm>>) target(%dma_start3A_6 : memref<128x64xf32, #tpu.memory_space<vmem>>) offsets(%dma_start3A_9 : memref<128xi32, #tpu.memory_space<vmem>>) semaphore(%dma_start3A_14 : memref<!tpu.dma_semaphore, #tpu.memory_space<semaphore_mem>>)
    %dma_start3A_15 = arith.constant 1 : i32
    %dma_start3A_16 = arith.constant 1 : i32
    %dma_start3A_17 = arith.constant 1 : i32
    %dma_start3A_18 = arith.constant 0 : i32
    %dma_start3A_19 = arith.constant 0 : i32
    %dma_start3A_20 = tpu.memref_slice %arg6[%dma_start3A_16, %dma_start3A_18, %dma_start3A_19] : memref<6x128x64xf32, #tpu.memory_space<vmem>> -> memref<1x128x64xf32, #tpu.memory_space<vmem>>
    %dma_start3A_21 = tpu.memref_squeeze %dma_start3A_20 : memref<1x128x64xf32, #tpu.memory_space<vmem>> -> memref<128x64xf32, #tpu.memory_space<vmem>>
    %dma_start3A_22 = arith.constant 0 : i32
    %dma_start3A_23 = tpu.memref_slice %arg5[%dma_start3A_15, %dma_start3A_22] : memref<200x128xi32, #tpu.memory_space<vmem>> -> memref<1x128xi32, #tpu.memory_space<vmem>>
    %dma_start3A_24 = tpu.memref_squeeze %dma_start3A_23 : memref<1x128xi32, #tpu.memory_space<vmem>> -> memref<128xi32, #tpu.memory_space<vmem>>
    %dma_start3A_25 = arith.constant 0 : i32
    %dma_start3A_26 = arith.constant 0 : i32
    %dma_start3A_27 = tpu.memref_slice %arg2[%dma_start3A_25, %dma_start3A_26] : memref<1000000x64xf32, #tpu.memory_space<hbm>> -> memref<1000000x64xf32, #tpu.memory_space<hbm>>
    %dma_start3A_28 = tpu.memref_slice %arg8[%dma_start3A_17] : memref<6x!tpu.dma_semaphore, #tpu.memory_space<semaphore_mem>> -> memref<1x!tpu.dma_semaphore, #tpu.memory_space<semaphore_mem>>
    %dma_start3A_29 = tpu.memref_squeeze %dma_start3A_28 : memref<1x!tpu.dma_semaphore, #tpu.memory_space<semaphore_mem>> -> memref<!tpu.dma_semaphore, #tpu.memory_space<semaphore_mem>>
    tpu.enqueue_indirect_dma source(%dma_start3A_27 : memref<1000000x64xf32, #tpu.memory_space<hbm>>) target(%dma_start3A_21 : memref<128x64xf32, #tpu.memory_space<vmem>>) offsets(%dma_start3A_24 : memref<128xi32, #tpu.memory_space<vmem>>) semaphore(%dma_start3A_29 : memref<!tpu.dma_semaphore, #tpu.memory_space<semaphore_mem>>)
    %dma_start3A_30 = arith.constant 2 : i32
    %dma_start3A_31 = arith.constant 2 : i32
    %dma_start3A_32 = arith.constant 2 : i32
    %dma_start3A_33 = arith.constant 0 : i32
    %dma_start3A_34 = arith.constant 0 : i32
    %dma_start3A_35 = tpu.memref_slice %arg6[%dma_start3A_31, %dma_start3A_33, %dma_start3A_34] : memref<6x128x64xf32, #tpu.memory_space<vmem>> -> memref<1x128x64xf32, #tpu.memory_space<vmem>>
    %dma_start3A_36 = tpu.memref_squeeze %dma_start3A_35 : memref<1x128x64xf32, #tpu.memory_space<vmem>> -> memref<128x64xf32, #tpu.memory_space<vmem>>
    %dma_start3A_37 = arith.constant 0 : i32
    %dma_start3A_38 = tpu.memref_slice %arg5[%dma_start3A_30, %dma_start3A_37] : memref<200x128xi32, #tpu.memory_space<vmem>> -> memref<1x128xi32, #tpu.memory_space<vmem>>
    %dma_start3A_39 = tpu.memref_squeeze %dma_start3A_38 : memref<1x128xi32, #tpu.memory_space<vmem>> -> memref<128xi32, #tpu.memory_space<vmem>>
    %dma_start3A_40 = arith.constant 0 : i32
    %dma_start3A_41 = arith.constant 0 : i32
    %dma_start3A_42 = tpu.memref_slice %arg2[%dma_start3A_40, %dma_start3A_41] : memref<1000000x64xf32, #tpu.memory_space<hbm>> -> memref<1000000x64xf32, #tpu.memory_space<hbm>>
    %dma_start3A_43 = tpu.memref_slice %arg8[%dma_start3A_32] : memref<6x!tpu.dma_semaphore, #tpu.memory_space<semaphore_mem>> -> memref<1x!tpu.dma_semaphore, #tpu.memory_space<semaphore_mem>>
    %dma_start3A_44 = tpu.memref_squeeze %dma_start3A_43 : memref<1x!tpu.dma_semaphore, #tpu.memory_space<semaphore_mem>> -> memref<!tpu.dma_semaphore, #tpu.memory_space<semaphore_mem>>
    tpu.enqueue_indirect_dma source(%dma_start3A_42 : memref<1000000x64xf32, #tpu.memory_space<hbm>>) target(%dma_start3A_36 : memref<128x64xf32, #tpu.memory_space<vmem>>) offsets(%dma_start3A_39 : memref<128xi32, #tpu.memory_space<vmem>>) semaphore(%dma_start3A_44 : memref<!tpu.dma_semaphore, #tpu.memory_space<semaphore_mem>>)
    %dma_start3A_45 = arith.constant 3 : i32
    %dma_start3A_46 = arith.constant 3 : i32
    %dma_start3A_47 = arith.constant 3 : i32
    %dma_start3A_48 = arith.constant 0 : i32
    %dma_start3A_49 = arith.constant 0 : i32
    %dma_start3A_50 = tpu.memref_slice %arg6[%dma_start3A_46, %dma_start3A_48, %dma_start3A_49] : memref<6x128x64xf32, #tpu.memory_space<vmem>> -> memref<1x128x64xf32, #tpu.memory_space<vmem>>
    %dma_start3A_51 = tpu.memref_squeeze %dma_start3A_50 : memref<1x128x64xf32, #tpu.memory_space<vmem>> -> memref<128x64xf32, #tpu.memory_space<vmem>>
    %dma_start3A_52 = arith.constant 0 : i32
    %dma_start3A_53 = tpu.memref_slice %arg5[%dma_start3A_45, %dma_start3A_52] : memref<200x128xi32, #tpu.memory_space<vmem>> -> memref<1x128xi32, #tpu.memory_space<vmem>>
    %dma_start3A_54 = tpu.memref_squeeze %dma_start3A_53 : memref<1x128xi32, #tpu.memory_space<vmem>> -> memref<128xi32, #tpu.memory_space<vmem>>
    %dma_start3A_55 = arith.constant 0 : i32
    %dma_start3A_56 = arith.constant 0 : i32
    %dma_start3A_57 = tpu.memref_slice %arg2[%dma_start3A_55, %dma_start3A_56] : memref<1000000x64xf32, #tpu.memory_space<hbm>> -> memref<1000000x64xf32, #tpu.memory_space<hbm>>
    %dma_start3A_58 = tpu.memref_slice %arg8[%dma_start3A_47] : memref<6x!tpu.dma_semaphore, #tpu.memory_space<semaphore_mem>> -> memref<1x!tpu.dma_semaphore, #tpu.memory_space<semaphore_mem>>
    %dma_start3A_59 = tpu.memref_squeeze %dma_start3A_58 : memref<1x!tpu.dma_semaphore, #tpu.memory_space<semaphore_mem>> -> memref<!tpu.dma_semaphore, #tpu.memory_space<semaphore_mem>>
    tpu.enqueue_indirect_dma source(%dma_start3A_57 : memref<1000000x64xf32, #tpu.memory_space<hbm>>) target(%dma_start3A_51 : memref<128x64xf32, #tpu.memory_space<vmem>>) offsets(%dma_start3A_54 : memref<128xi32, #tpu.memory_space<vmem>>) semaphore(%dma_start3A_59 : memref<!tpu.dma_semaphore, #tpu.memory_space<semaphore_mem>>)
    %dma_start3A_60 = arith.constant 4 : i32
    %dma_start3A_61 = arith.constant 4 : i32
    %dma_start3A_62 = arith.constant 4 : i32
    %dma_start3A_63 = arith.constant 0 : i32
    %dma_start3A_64 = arith.constant 0 : i32
    %dma_start3A_65 = tpu.memref_slice %arg6[%dma_start3A_61, %dma_start3A_63, %dma_start3A_64] : memref<6x128x64xf32, #tpu.memory_space<vmem>> -> memref<1x128x64xf32, #tpu.memory_space<vmem>>
    %dma_start3A_66 = tpu.memref_squeeze %dma_start3A_65 : memref<1x128x64xf32, #tpu.memory_space<vmem>> -> memref<128x64xf32, #tpu.memory_space<vmem>>
    %dma_start3A_67 = arith.constant 0 : i32
    %dma_start3A_68 = tpu.memref_slice %arg5[%dma_start3A_60, %dma_start3A_67] : memref<200x128xi32, #tpu.memory_space<vmem>> -> memref<1x128xi32, #tpu.memory_space<vmem>>
    %dma_start3A_69 = tpu.memref_squeeze %dma_start3A_68 : memref<1x128xi32, #tpu.memory_space<vmem>> -> memref<128xi32, #tpu.memory_space<vmem>>
    %dma_start3A_70 = arith.constant 0 : i32
    %dma_start3A_71 = arith.constant 0 : i32
    %dma_start3A_72 = tpu.memref_slice %arg2[%dma_start3A_70, %dma_start3A_71] : memref<1000000x64xf32, #tpu.memory_space<hbm>> -> memref<1000000x64xf32, #tpu.memory_space<hbm>>
    %dma_start3A_73 = tpu.memref_slice %arg8[%dma_start3A_62] : memref<6x!tpu.dma_semaphore, #tpu.memory_space<semaphore_mem>> -> memref<1x!tpu.dma_semaphore, #tpu.memory_space<semaphore_mem>>
    %dma_start3A_74 = tpu.memref_squeeze %dma_start3A_73 : memref<1x!tpu.dma_semaphore, #tpu.memory_space<semaphore_mem>> -> memref<!tpu.dma_semaphore, #tpu.memory_space<semaphore_mem>>
    tpu.enqueue_indirect_dma source(%dma_start3A_72 : memref<1000000x64xf32, #tpu.memory_space<hbm>>) target(%dma_start3A_66 : memref<128x64xf32, #tpu.memory_space<vmem>>) offsets(%dma_start3A_69 : memref<128xi32, #tpu.memory_space<vmem>>) semaphore(%dma_start3A_74 : memref<!tpu.dma_semaphore, #tpu.memory_space<semaphore_mem>>)
    %iota3A = tpu.iota {dimensions = array<i32: 0>} : vector<16xi32>
    %add3A_75 = arith.constant 0 : i32
    %add3A_76 = vector.broadcast %add3A_75 : i32 to vector<16xi32>
    %add3A_77 = arith.addi %iota3A, %add3A_76 : vector<16xi32>
    %rem3A = arith.constant 16 : i32
    %rem3A_78 = vector.broadcast %rem3A : i32 to vector<16xi32>
    %rem3A_79 = arith.remsi %add3A_77, %rem3A_78 : vector<16xi32>
    %add3A_80 = arith.constant 1 : i32
    %add3A_81 = vector.broadcast %add3A_80 : i32 to vector<16xi32>
    %add3A_82 = arith.addi %iota3A, %add3A_81 : vector<16xi32>
    %rem3A_83 = arith.constant 16 : i32
    %rem3A_84 = vector.broadcast %rem3A_83 : i32 to vector<16xi32>
    %rem3A_85 = arith.remsi %add3A_82, %rem3A_84 : vector<16xi32>
    %add3A_86 = arith.constant 2 : i32
    %add3A_87 = vector.broadcast %add3A_86 : i32 to vector<16xi32>
    %add3A_88 = arith.addi %iota3A, %add3A_87 : vector<16xi32>
    %rem3A_89 = arith.constant 16 : i32
    %rem3A_90 = vector.broadcast %rem3A_89 : i32 to vector<16xi32>
    %rem3A_91 = arith.remsi %add3A_88, %rem3A_90 : vector<16xi32>
    %add3A_92 = arith.constant 3 : i32
    %add3A_93 = vector.broadcast %add3A_92 : i32 to vector<16xi32>
    %add3A_94 = arith.addi %iota3A, %add3A_93 : vector<16xi32>
    %rem3A_95 = arith.constant 16 : i32
    %rem3A_96 = vector.broadcast %rem3A_95 : i32 to vector<16xi32>
    %rem3A_97 = arith.remsi %add3A_94, %rem3A_96 : vector<16xi32>
    %add3A_98 = arith.constant 4 : i32
    %add3A_99 = vector.broadcast %add3A_98 : i32 to vector<16xi32>
    %add3A_100 = arith.addi %iota3A, %add3A_99 : vector<16xi32>
    %rem3A_101 = arith.constant 16 : i32
    %rem3A_102 = vector.broadcast %rem3A_101 : i32 to vector<16xi32>
    %rem3A_103 = arith.remsi %add3A_100, %rem3A_102 : vector<16xi32>
    %add3A_104 = arith.constant 5 : i32
    %add3A_105 = vector.broadcast %add3A_104 : i32 to vector<16xi32>
    %add3A_106 = arith.addi %iota3A, %add3A_105 : vector<16xi32>
    %rem3A_107 = arith.constant 16 : i32
    %rem3A_108 = vector.broadcast %rem3A_107 : i32 to vector<16xi32>
    %rem3A_109 = arith.remsi %add3A_106, %rem3A_108 : vector<16xi32>
    %add3A_110 = arith.constant 6 : i32
    %add3A_111 = vector.broadcast %add3A_110 : i32 to vector<16xi32>
    %add3A_112 = arith.addi %iota3A, %add3A_111 : vector<16xi32>
    %rem3A_113 = arith.constant 16 : i32
    %rem3A_114 = vector.broadcast %rem3A_113 : i32 to vector<16xi32>
    %rem3A_115 = arith.remsi %add3A_112, %rem3A_114 : vector<16xi32>
    %add3A_116 = arith.constant 7 : i32
    %add3A_117 = vector.broadcast %add3A_116 : i32 to vector<16xi32>
    %add3A_118 = arith.addi %iota3A, %add3A_117 : vector<16xi32>
    %rem3A_119 = arith.constant 16 : i32
    %rem3A_120 = vector.broadcast %rem3A_119 : i32 to vector<16xi32>
    %rem3A_121 = arith.remsi %add3A_118, %rem3A_120 : vector<16xi32>
    %add3A_122 = arith.constant 8 : i32
    %add3A_123 = vector.broadcast %add3A_122 : i32 to vector<16xi32>
    %add3A_124 = arith.addi %iota3A, %add3A_123 : vector<16xi32>
    %rem3A_125 = arith.constant 16 : i32
    %rem3A_126 = vector.broadcast %rem3A_125 : i32 to vector<16xi32>
    %rem3A_127 = arith.remsi %add3A_124, %rem3A_126 : vector<16xi32>
    %add3A_128 = arith.constant 9 : i32
    %add3A_129 = vector.broadcast %add3A_128 : i32 to vector<16xi32>
    %add3A_130 = arith.addi %iota3A, %add3A_129 : vector<16xi32>
    %rem3A_131 = arith.constant 16 : i32
    %rem3A_132 = vector.broadcast %rem3A_131 : i32 to vector<16xi32>
    %rem3A_133 = arith.remsi %add3A_130, %rem3A_132 : vector<16xi32>
    %add3A_134 = arith.constant 10 : i32
    %add3A_135 = vector.broadcast %add3A_134 : i32 to vector<16xi32>
    %add3A_136 = arith.addi %iota3A, %add3A_135 : vector<16xi32>
    %rem3A_137 = arith.constant 16 : i32
    %rem3A_138 = vector.broadcast %rem3A_137 : i32 to vector<16xi32>
    %rem3A_139 = arith.remsi %add3A_136, %rem3A_138 : vector<16xi32>
    %add3A_140 = arith.constant 11 : i32
    %add3A_141 = vector.broadcast %add3A_140 : i32 to vector<16xi32>
    %add3A_142 = arith.addi %iota3A, %add3A_141 : vector<16xi32>
    %rem3A_143 = arith.constant 16 : i32
    %rem3A_144 = vector.broadcast %rem3A_143 : i32 to vector<16xi32>
    %rem3A_145 = arith.remsi %add3A_142, %rem3A_144 : vector<16xi32>
    %add3A_146 = arith.constant 12 : i32
    %add3A_147 = vector.broadcast %add3A_146 : i32 to vector<16xi32>
    %add3A_148 = arith.addi %iota3A, %add3A_147 : vector<16xi32>
    %rem3A_149 = arith.constant 16 : i32
    %rem3A_150 = vector.broadcast %rem3A_149 : i32 to vector<16xi32>
    %rem3A_151 = arith.remsi %add3A_148, %rem3A_150 : vector<16xi32>
    %add3A_152 = arith.constant 13 : i32
    %add3A_153 = vector.broadcast %add3A_152 : i32 to vector<16xi32>
    %add3A_154 = arith.addi %iota3A, %add3A_153 : vector<16xi32>
    %rem3A_155 = arith.constant 16 : i32
    %rem3A_156 = vector.broadcast %rem3A_155 : i32 to vector<16xi32>
    %rem3A_157 = arith.remsi %add3A_154, %rem3A_156 : vector<16xi32>
    %add3A_158 = arith.constant 14 : i32
    %add3A_159 = vector.broadcast %add3A_158 : i32 to vector<16xi32>
    %add3A_160 = arith.addi %iota3A, %add3A_159 : vector<16xi32>
    %rem3A_161 = arith.constant 16 : i32
    %rem3A_162 = vector.broadcast %rem3A_161 : i32 to vector<16xi32>
    %rem3A_163 = arith.remsi %add3A_160, %rem3A_162 : vector<16xi32>
    %add3A_164 = arith.constant 15 : i32
    %add3A_165 = vector.broadcast %add3A_164 : i32 to vector<16xi32>
    %add3A_166 = arith.addi %iota3A, %add3A_165 : vector<16xi32>
    %rem3A_167 = arith.constant 16 : i32
    %rem3A_168 = vector.broadcast %rem3A_167 : i32 to vector<16xi32>
    %rem3A_169 = arith.remsi %add3A_166, %rem3A_168 : vector<16xi32>
    %mul3A_170 = arith.constant 128 : i32
    %mul3A_171 = vector.broadcast %mul3A_170 : i32 to vector<16xi32>
    %mul3A_172 = arith.muli %iota3A, %mul3A_171 : vector<16xi32>
    %add3A_173 = arith.addi %mul3A_172, %rem3A_79 : vector<16xi32>
    %mul3A_174 = arith.constant 128 : i32
    %mul3A_175 = vector.broadcast %mul3A_174 : i32 to vector<16xi32>
    %mul3A_176 = arith.muli %iota3A, %mul3A_175 : vector<16xi32>
    %add3A_177 = arith.addi %mul3A_176, %rem3A_85 : vector<16xi32>
    %mul3A_178 = arith.constant 128 : i32
    %mul3A_179 = vector.broadcast %mul3A_178 : i32 to vector<16xi32>
    %mul3A_180 = arith.muli %iota3A, %mul3A_179 : vector<16xi32>
    %add3A_181 = arith.addi %mul3A_180, %rem3A_91 : vector<16xi32>
    %mul3A_182 = arith.constant 128 : i32
    %mul3A_183 = vector.broadcast %mul3A_182 : i32 to vector<16xi32>
    %mul3A_184 = arith.muli %iota3A, %mul3A_183 : vector<16xi32>
    %add3A_185 = arith.addi %mul3A_184, %rem3A_97 : vector<16xi32>
    %mul3A_186 = arith.constant 128 : i32
    %mul3A_187 = vector.broadcast %mul3A_186 : i32 to vector<16xi32>
    %mul3A_188 = arith.muli %iota3A, %mul3A_187 : vector<16xi32>
    %add3A_189 = arith.addi %mul3A_188, %rem3A_103 : vector<16xi32>
    %mul3A_190 = arith.constant 128 : i32
    %mul3A_191 = vector.broadcast %mul3A_190 : i32 to vector<16xi32>
    %mul3A_192 = arith.muli %iota3A, %mul3A_191 : vector<16xi32>
    %add3A_193 = arith.addi %mul3A_192, %rem3A_109 : vector<16xi32>
    %mul3A_194 = arith.constant 128 : i32
    %mul3A_195 = vector.broadcast %mul3A_194 : i32 to vector<16xi32>
    %mul3A_196 = arith.muli %iota3A, %mul3A_195 : vector<16xi32>
    %add3A_197 = arith.addi %mul3A_196, %rem3A_115 : vector<16xi32>
    %mul3A_198 = arith.constant 128 : i32
    %mul3A_199 = vector.broadcast %mul3A_198 : i32 to vector<16xi32>
    %mul3A_200 = arith.muli %iota3A, %mul3A_199 : vector<16xi32>
    %add3A_201 = arith.addi %mul3A_200, %rem3A_121 : vector<16xi32>
    %mul3A_202 = arith.constant 128 : i32
    %mul3A_203 = vector.broadcast %mul3A_202 : i32 to vector<16xi32>
    %mul3A_204 = arith.muli %iota3A, %mul3A_203 : vector<16xi32>
    %add3A_205 = arith.addi %mul3A_204, %rem3A_127 : vector<16xi32>
    %mul3A_206 = arith.constant 128 : i32
    %mul3A_207 = vector.broadcast %mul3A_206 : i32 to vector<16xi32>
    %mul3A_208 = arith.muli %iota3A, %mul3A_207 : vector<16xi32>
    %add3A_209 = arith.addi %mul3A_208, %rem3A_133 : vector<16xi32>
    %mul3A_210 = arith.constant 128 : i32
    %mul3A_211 = vector.broadcast %mul3A_210 : i32 to vector<16xi32>
    %mul3A_212 = arith.muli %iota3A, %mul3A_211 : vector<16xi32>
    %add3A_213 = arith.addi %mul3A_212, %rem3A_139 : vector<16xi32>
    %mul3A_214 = arith.constant 128 : i32
    %mul3A_215 = vector.broadcast %mul3A_214 : i32 to vector<16xi32>
    %mul3A_216 = arith.muli %iota3A, %mul3A_215 : vector<16xi32>
    %add3A_217 = arith.addi %mul3A_216, %rem3A_145 : vector<16xi32>
    %mul3A_218 = arith.constant 128 : i32
    %mul3A_219 = vector.broadcast %mul3A_218 : i32 to vector<16xi32>
    %mul3A_220 = arith.muli %iota3A, %mul3A_219 : vector<16xi32>
    %add3A_221 = arith.addi %mul3A_220, %rem3A_151 : vector<16xi32>
    %mul3A_222 = arith.constant 128 : i32
    %mul3A_223 = vector.broadcast %mul3A_222 : i32 to vector<16xi32>
    %mul3A_224 = arith.muli %iota3A, %mul3A_223 : vector<16xi32>
    %add3A_225 = arith.addi %mul3A_224, %rem3A_157 : vector<16xi32>
    %mul3A_226 = arith.constant 128 : i32
    %mul3A_227 = vector.broadcast %mul3A_226 : i32 to vector<16xi32>
    %mul3A_228 = arith.muli %iota3A, %mul3A_227 : vector<16xi32>
    %add3A_229 = arith.addi %mul3A_228, %rem3A_163 : vector<16xi32>
    %mul3A_230 = arith.constant 128 : i32
    %mul3A_231 = vector.broadcast %mul3A_230 : i32 to vector<16xi32>
    %mul3A_232 = arith.muli %iota3A, %mul3A_231 : vector<16xi32>
    %add3A_233 = arith.addi %mul3A_232, %rem3A_169 : vector<16xi32>
    %add3A_234 = arith.constant 0 : i32
    %add3A_235 = vector.broadcast %add3A_234 : i32 to vector<16xi32>
    %add3A_236 = arith.addi %iota3A, %add3A_235 : vector<16xi32>
    %add3A_237 = arith.constant 16 : i32
    %add3A_238 = vector.broadcast %add3A_237 : i32 to vector<16xi32>
    %add3A_239 = arith.addi %iota3A, %add3A_238 : vector<16xi32>
    %add3A_240 = arith.constant 32 : i32
    %add3A_241 = vector.broadcast %add3A_240 : i32 to vector<16xi32>
    %add3A_242 = arith.addi %iota3A, %add3A_241 : vector<16xi32>
    %add3A_243 = arith.constant 48 : i32
    %add3A_244 = vector.broadcast %add3A_243 : i32 to vector<16xi32>
    %add3A_245 = arith.addi %iota3A, %add3A_244 : vector<16xi32>
    %scan3A = arith.constant 0 : i32
    %scan3A_246 = arith.constant 0 : i32
    %scan3A_247 = arith.constant 200 : i32
    %scan3A_248 = arith.addi %scan3A_246, %scan3A_247 : i32
    %scan3A_249 = arith.constant 1 : i32
    scf.for %scan3A_754 = %scan3A_246 to %scan3A_248 step %scan3A_249  : i32 {
      %rem3A_755 = arith.constant 6 : i32
      %rem3A_756 = arith.remsi %scan3A_754, %rem3A_755 : i32
      %rem3A_757 = arith.constant 3 : i32
      %rem3A_758 = arith.remsi %scan3A_754, %rem3A_757 : i32
      %dma_wait3A_759 = arith.constant 0 : i32
      %dma_wait3A_760 = arith.constant 0 : i32
      %dma_wait3A_761 = tpu.memref_slice %arg6[%rem3A_756, %dma_wait3A_759, %dma_wait3A_760] : memref<6x128x64xf32, #tpu.memory_space<vmem>> -> memref<1x128x64xf32, #tpu.memory_space<vmem>>
      %dma_wait3A_762 = tpu.memref_squeeze %dma_wait3A_761 : memref<1x128x64xf32, #tpu.memory_space<vmem>> -> memref<128x64xf32, #tpu.memory_space<vmem>>
      %dma_wait3A_763 = arith.constant 0 : i32
      %dma_wait3A_764 = tpu.memref_slice %arg5[%scan3A_754, %dma_wait3A_763] : memref<200x128xi32, #tpu.memory_space<vmem>> -> memref<1x128xi32, #tpu.memory_space<vmem>>
      %dma_wait3A_765 = tpu.memref_squeeze %dma_wait3A_764 : memref<1x128xi32, #tpu.memory_space<vmem>> -> memref<128xi32, #tpu.memory_space<vmem>>
      %dma_wait3A_766 = arith.constant 0 : i32
      %dma_wait3A_767 = arith.constant 0 : i32
      %dma_wait3A_768 = tpu.memref_slice %arg2[%dma_wait3A_766, %dma_wait3A_767] : memref<1000000x64xf32, #tpu.memory_space<hbm>> -> memref<1000000x64xf32, #tpu.memory_space<hbm>>
      %dma_wait3A_769 = tpu.memref_slice %arg8[%rem3A_756] : memref<6x!tpu.dma_semaphore, #tpu.memory_space<semaphore_mem>> -> memref<1x!tpu.dma_semaphore, #tpu.memory_space<semaphore_mem>>
      %dma_wait3A_770 = tpu.memref_squeeze %dma_wait3A_769 : memref<1x!tpu.dma_semaphore, #tpu.memory_space<semaphore_mem>> -> memref<!tpu.dma_semaphore, #tpu.memory_space<semaphore_mem>>
      tpu.wait_indirect_dma semaphore(%dma_wait3A_770 : memref<!tpu.dma_semaphore, #tpu.memory_space<semaphore_mem>>) src(%dma_wait3A_768 : memref<1000000x64xf32, #tpu.memory_space<hbm>>) dst(%dma_wait3A_762 : memref<128x64xf32, #tpu.memory_space<vmem>>)
      %ge3A = arith.constant 3 : i32
      %ge3A_771 = arith.cmpi sge, %scan3A_754, %ge3A : i32
      %convert_element_type3A = arith.extui %ge3A_771 : i1 to i32
      %cond3A = arith.constant 0 : i32
      %cond3A_772 = arith.cmpi ne, %convert_element_type3A, %cond3A : i32
      scf.if %cond3A_772 {
        %sub3A = arith.constant 3 : i32
        %sub3A_930 = arith.subi %scan3A_754, %sub3A : i32
        %mul3A_931 = arith.constant 64 : i32
        %mul3A_932 = arith.muli %rem3A_758, %mul3A_931 : i32
        %mul3A_933 = arith.constant 128 : i32
        %mul3A_934 = arith.muli %mul3A_932, %mul3A_933 : i32
        %add3A_935 = arith.constant 0 : i32
        %add3A_936 = arith.addi %mul3A_934, %add3A_935 : i32
        %dma_wait3A_937 = arith.constant 0 : i32
        %dma_wait3A_938 = tpu.memref_slice %arg7[%add3A_936] : memref<24576xf32, #tpu.memory_space<vmem>> -> memref<1024xf32, #tpu.memory_space<vmem>>
        %dma_wait3A_939 = arith.constant 0 : i32
        %dma_wait3A_940 = tpu.memref_slice %arg4[%sub3A_930, %dma_wait3A_937, %add3A, %dma_wait3A_939] : memref<200x8x32x1024xf32, #tpu.memory_space<hbm>> -> memref<1x1x1x1024xf32, #tpu.memory_space<hbm>>
        %dma_wait3A_941 = tpu.memref_squeeze %dma_wait3A_940 : memref<1x1x1x1024xf32, #tpu.memory_space<hbm>> -> memref<1024xf32, #tpu.memory_space<hbm>>
        %dma_wait3A_942 = tpu.memref_slice %arg9[%rem3A_758] : memref<3x!tpu.dma_semaphore, #tpu.memory_space<semaphore_mem>> -> memref<1x!tpu.dma_semaphore, #tpu.memory_space<semaphore_mem>>
        %dma_wait3A_943 = tpu.memref_squeeze %dma_wait3A_942 : memref<1x!tpu.dma_semaphore, #tpu.memory_space<semaphore_mem>> -> memref<!tpu.dma_semaphore, #tpu.memory_space<semaphore_mem>>
        %dma_wait3A_944 = arith.constant 0 : i32
        %dma_wait3A_945 = tpu.memref_slice %arg4[%sub3A_930, %dma_wait3A_937, %add3A, %dma_wait3A_944] : memref<200x8x32x1024xf32, #tpu.memory_space<hbm>> -> memref<1x1x1x1024xf32, #tpu.memory_space<hbm>>
        %dma_wait3A_946 = tpu.memref_squeeze %dma_wait3A_945 : memref<1x1x1x1024xf32, #tpu.memory_space<hbm>> -> memref<1024xf32, #tpu.memory_space<hbm>>
        %dma_wait3A_947 = tpu.memref_slice %arg7[%add3A_936] : memref<24576xf32, #tpu.memory_space<vmem>> -> memref<1024xf32, #tpu.memory_space<vmem>>
        tpu.wait_dma2 semaphore(%dma_wait3A_943 : memref<!tpu.dma_semaphore, #tpu.memory_space<semaphore_mem>>) src(%dma_wait3A_947 : memref<1024xf32, #tpu.memory_space<vmem>>) dst(%dma_wait3A_946 : memref<1024xf32, #tpu.memory_space<hbm>>)
        %sub3A_948 = arith.constant 3 : i32
        %sub3A_949 = arith.subi %scan3A_754, %sub3A_948 : i32
        %mul3A_950 = arith.constant 64 : i32
        %mul3A_951 = arith.muli %rem3A_758, %mul3A_950 : i32
        %mul3A_952 = arith.constant 128 : i32
        %mul3A_953 = arith.muli %mul3A_951, %mul3A_952 : i32
        %add3A_954 = arith.constant 1024 : i32
        %add3A_955 = arith.addi %mul3A_953, %add3A_954 : i32
        %dma_wait3A_956 = arith.constant 1 : i32
        %dma_wait3A_957 = tpu.memref_slice %arg7[%add3A_955] : memref<24576xf32, #tpu.memory_space<vmem>> -> memref<1024xf32, #tpu.memory_space<vmem>>
        %dma_wait3A_958 = arith.constant 0 : i32
        %dma_wait3A_959 = tpu.memref_slice %arg4[%sub3A_949, %dma_wait3A_956, %add3A, %dma_wait3A_958] : memref<200x8x32x1024xf32, #tpu.memory_space<hbm>> -> memref<1x1x1x1024xf32, #tpu.memory_space<hbm>>
        %dma_wait3A_960 = tpu.memref_squeeze %dma_wait3A_959 : memref<1x1x1x1024xf32, #tpu.memory_space<hbm>> -> memref<1024xf32, #tpu.memory_space<hbm>>
        %dma_wait3A_961 = tpu.memref_slice %arg9[%rem3A_758] : memref<3x!tpu.dma_semaphore, #tpu.memory_space<semaphore_mem>> -> memref<1x!tpu.dma_semaphore, #tpu.memory_space<semaphore_mem>>
        %dma_wait3A_962 = tpu.memref_squeeze %dma_wait3A_961 : memref<1x!tpu.dma_semaphore, #tpu.memory_space<semaphore_mem>> -> memref<!tpu.dma_semaphore, #tpu.memory_space<semaphore_mem>>
        %dma_wait3A_963 = arith.constant 0 : i32
        %dma_wait3A_964 = tpu.memref_slice %arg4[%sub3A_949, %dma_wait3A_956, %add3A, %dma_wait3A_963] : memref<200x8x32x1024xf32, #tpu.memory_space<hbm>> -> memref<1x1x1x1024xf32, #tpu.memory_space<hbm>>
        %dma_wait3A_965 = tpu.memref_squeeze %dma_wait3A_964 : memref<1x1x1x1024xf32, #tpu.memory_space<hbm>> -> memref<1024xf32, #tpu.memory_space<hbm>>
        %dma_wait3A_966 = tpu.memref_slice %arg7[%add3A_955] : memref<24576xf32, #tpu.memory_space<vmem>> -> memref<1024xf32, #tpu.memory_space<vmem>>
        tpu.wait_dma2 semaphore(%dma_wait3A_962 : memref<!tpu.dma_semaphore, #tpu.memory_space<semaphore_mem>>) src(%dma_wait3A_966 : memref<1024xf32, #tpu.memory_space<vmem>>) dst(%dma_wait3A_965 : memref<1024xf32, #tpu.memory_space<hbm>>)
        %sub3A_967 = arith.constant 3 : i32
        %sub3A_968 = arith.subi %scan3A_754, %sub3A_967 : i32
        %mul3A_969 = arith.constant 64 : i32
        %mul3A_970 = arith.muli %rem3A_758, %mul3A_969 : i32
        %mul3A_971 = arith.constant 128 : i32
        %mul3A_972 = arith.muli %mul3A_970, %mul3A_971 : i32
        %add3A_973 = arith.constant 2048 : i32
        %add3A_974 = arith.addi %mul3A_972, %add3A_973 : i32
        %dma_wait3A_975 = arith.constant 2 : i32
        %dma_wait3A_976 = tpu.memref_slice %arg7[%add3A_974] : memref<24576xf32, #tpu.memory_space<vmem>> -> memref<1024xf32, #tpu.memory_space<vmem>>
        %dma_wait3A_977 = arith.constant 0 : i32
        %dma_wait3A_978 = tpu.memref_slice %arg4[%sub3A_968, %dma_wait3A_975, %add3A, %dma_wait3A_977] : memref<200x8x32x1024xf32, #tpu.memory_space<hbm>> -> memref<1x1x1x1024xf32, #tpu.memory_space<hbm>>
        %dma_wait3A_979 = tpu.memref_squeeze %dma_wait3A_978 : memref<1x1x1x1024xf32, #tpu.memory_space<hbm>> -> memref<1024xf32, #tpu.memory_space<hbm>>
        %dma_wait3A_980 = tpu.memref_slice %arg9[%rem3A_758] : memref<3x!tpu.dma_semaphore, #tpu.memory_space<semaphore_mem>> -> memref<1x!tpu.dma_semaphore, #tpu.memory_space<semaphore_mem>>
        %dma_wait3A_981 = tpu.memref_squeeze %dma_wait3A_980 : memref<1x!tpu.dma_semaphore, #tpu.memory_space<semaphore_mem>> -> memref<!tpu.dma_semaphore, #tpu.memory_space<semaphore_mem>>
        %dma_wait3A_982 = arith.constant 0 : i32
        %dma_wait3A_983 = tpu.memref_slice %arg4[%sub3A_968, %dma_wait3A_975, %add3A, %dma_wait3A_982] : memref<200x8x32x1024xf32, #tpu.memory_space<hbm>> -> memref<1x1x1x1024xf32, #tpu.memory_space<hbm>>
        %dma_wait3A_984 = tpu.memref_squeeze %dma_wait3A_983 : memref<1x1x1x1024xf32, #tpu.memory_space<hbm>> -> memref<1024xf32, #tpu.memory_space<hbm>>
        %dma_wait3A_985 = tpu.memref_slice %arg7[%add3A_974] : memref<24576xf32, #tpu.memory_space<vmem>> -> memref<1024xf32, #tpu.memory_space<vmem>>
        tpu.wait_dma2 semaphore(%dma_wait3A_981 : memref<!tpu.dma_semaphore, #tpu.memory_space<semaphore_mem>>) src(%dma_wait3A_985 : memref<1024xf32, #tpu.memory_space<vmem>>) dst(%dma_wait3A_984 : memref<1024xf32, #tpu.memory_space<hbm>>)
        %sub3A_986 = arith.constant 3 : i32
        %sub3A_987 = arith.subi %scan3A_754, %sub3A_986 : i32
        %mul3A_988 = arith.constant 64 : i32
        %mul3A_989 = arith.muli %rem3A_758, %mul3A_988 : i32
        %mul3A_990 = arith.constant 128 : i32
        %mul3A_991 = arith.muli %mul3A_989, %mul3A_990 : i32
        %add3A_992 = arith.constant 3072 : i32
        %add3A_993 = arith.addi %mul3A_991, %add3A_992 : i32
        %dma_wait3A_994 = arith.constant 3 : i32
        %dma_wait3A_995 = tpu.memref_slice %arg7[%add3A_993] : memref<24576xf32, #tpu.memory_space<vmem>> -> memref<1024xf32, #tpu.memory_space<vmem>>
        %dma_wait3A_996 = arith.constant 0 : i32
        %dma_wait3A_997 = tpu.memref_slice %arg4[%sub3A_987, %dma_wait3A_994, %add3A, %dma_wait3A_996] : memref<200x8x32x1024xf32, #tpu.memory_space<hbm>> -> memref<1x1x1x1024xf32, #tpu.memory_space<hbm>>
        %dma_wait3A_998 = tpu.memref_squeeze %dma_wait3A_997 : memref<1x1x1x1024xf32, #tpu.memory_space<hbm>> -> memref<1024xf32, #tpu.memory_space<hbm>>
        %dma_wait3A_999 = tpu.memref_slice %arg9[%rem3A_758] : memref<3x!tpu.dma_semaphore, #tpu.memory_space<semaphore_mem>> -> memref<1x!tpu.dma_semaphore, #tpu.memory_space<semaphore_mem>>
        %dma_wait3A_1000 = tpu.memref_squeeze %dma_wait3A_999 : memref<1x!tpu.dma_semaphore, #tpu.memory_space<semaphore_mem>> -> memref<!tpu.dma_semaphore, #tpu.memory_space<semaphore_mem>>
        %dma_wait3A_1001 = arith.constant 0 : i32
        %dma_wait3A_1002 = tpu.memref_slice %arg4[%sub3A_987, %dma_wait3A_994, %add3A, %dma_wait3A_1001] : memref<200x8x32x1024xf32, #tpu.memory_space<hbm>> -> memref<1x1x1x1024xf32, #tpu.memory_space<hbm>>
        %dma_wait3A_1003 = tpu.memref_squeeze %dma_wait3A_1002 : memref<1x1x1x1024xf32, #tpu.memory_space<hbm>> -> memref<1024xf32, #tpu.memory_space<hbm>>
        %dma_wait3A_1004 = tpu.memref_slice %arg7[%add3A_993] : memref<24576xf32, #tpu.memory_space<vmem>> -> memref<1024xf32, #tpu.memory_space<vmem>>
        tpu.wait_dma2 semaphore(%dma_wait3A_1000 : memref<!tpu.dma_semaphore, #tpu.memory_space<semaphore_mem>>) src(%dma_wait3A_1004 : memref<1024xf32, #tpu.memory_space<vmem>>) dst(%dma_wait3A_1003 : memref<1024xf32, #tpu.memory_space<hbm>>)
        %sub3A_1005 = arith.constant 3 : i32
        %sub3A_1006 = arith.subi %scan3A_754, %sub3A_1005 : i32
        %mul3A_1007 = arith.constant 64 : i32
        %mul3A_1008 = arith.muli %rem3A_758, %mul3A_1007 : i32
        %mul3A_1009 = arith.constant 128 : i32
        %mul3A_1010 = arith.muli %mul3A_1008, %mul3A_1009 : i32
        %add3A_1011 = arith.constant 4096 : i32
        %add3A_1012 = arith.addi %mul3A_1010, %add3A_1011 : i32
        %dma_wait3A_1013 = arith.constant 4 : i32
        %dma_wait3A_1014 = tpu.memref_slice %arg7[%add3A_1012] : memref<24576xf32, #tpu.memory_space<vmem>> -> memref<1024xf32, #tpu.memory_space<vmem>>
        %dma_wait3A_1015 = arith.constant 0 : i32
        %dma_wait3A_1016 = tpu.memref_slice %arg4[%sub3A_1006, %dma_wait3A_1013, %add3A, %dma_wait3A_1015] : memref<200x8x32x1024xf32, #tpu.memory_space<hbm>> -> memref<1x1x1x1024xf32, #tpu.memory_space<hbm>>
        %dma_wait3A_1017 = tpu.memref_squeeze %dma_wait3A_1016 : memref<1x1x1x1024xf32, #tpu.memory_space<hbm>> -> memref<1024xf32, #tpu.memory_space<hbm>>
        %dma_wait3A_1018 = tpu.memref_slice %arg9[%rem3A_758] : memref<3x!tpu.dma_semaphore, #tpu.memory_space<semaphore_mem>> -> memref<1x!tpu.dma_semaphore, #tpu.memory_space<semaphore_mem>>
        %dma_wait3A_1019 = tpu.memref_squeeze %dma_wait3A_1018 : memref<1x!tpu.dma_semaphore, #tpu.memory_space<semaphore_mem>> -> memref<!tpu.dma_semaphore, #tpu.memory_space<semaphore_mem>>
        %dma_wait3A_1020 = arith.constant 0 : i32
        %dma_wait3A_1021 = tpu.memref_slice %arg4[%sub3A_1006, %dma_wait3A_1013, %add3A, %dma_wait3A_1020] : memref<200x8x32x1024xf32, #tpu.memory_space<hbm>> -> memref<1x1x1x1024xf32, #tpu.memory_space<hbm>>
        %dma_wait3A_1022 = tpu.memref_squeeze %dma_wait3A_1021 : memref<1x1x1x1024xf32, #tpu.memory_space<hbm>> -> memref<1024xf32, #tpu.memory_space<hbm>>
        %dma_wait3A_1023 = tpu.memref_slice %arg7[%add3A_1012] : memref<24576xf32, #tpu.memory_space<vmem>> -> memref<1024xf32, #tpu.memory_space<vmem>>
        tpu.wait_dma2 semaphore(%dma_wait3A_1019 : memref<!tpu.dma_semaphore, #tpu.memory_space<semaphore_mem>>) src(%dma_wait3A_1023 : memref<1024xf32, #tpu.memory_space<vmem>>) dst(%dma_wait3A_1022 : memref<1024xf32, #tpu.memory_space<hbm>>)
        %sub3A_1024 = arith.constant 3 : i32
        %sub3A_1025 = arith.subi %scan3A_754, %sub3A_1024 : i32
        %mul3A_1026 = arith.constant 64 : i32
        %mul3A_1027 = arith.muli %rem3A_758, %mul3A_1026 : i32
        %mul3A_1028 = arith.constant 128 : i32
        %mul3A_1029 = arith.muli %mul3A_1027, %mul3A_1028 : i32
        %add3A_1030 = arith.constant 5120 : i32
        %add3A_1031 = arith.addi %mul3A_1029, %add3A_1030 : i32
        %dma_wait3A_1032 = arith.constant 5 : i32
        %dma_wait3A_1033 = tpu.memref_slice %arg7[%add3A_1031] : memref<24576xf32, #tpu.memory_space<vmem>> -> memref<1024xf32, #tpu.memory_space<vmem>>
        %dma_wait3A_1034 = arith.constant 0 : i32
        %dma_wait3A_1035 = tpu.memref_slice %arg4[%sub3A_1025, %dma_wait3A_1032, %add3A, %dma_wait3A_1034] : memref<200x8x32x1024xf32, #tpu.memory_space<hbm>> -> memref<1x1x1x1024xf32, #tpu.memory_space<hbm>>
        %dma_wait3A_1036 = tpu.memref_squeeze %dma_wait3A_1035 : memref<1x1x1x1024xf32, #tpu.memory_space<hbm>> -> memref<1024xf32, #tpu.memory_space<hbm>>
        %dma_wait3A_1037 = tpu.memref_slice %arg9[%rem3A_758] : memref<3x!tpu.dma_semaphore, #tpu.memory_space<semaphore_mem>> -> memref<1x!tpu.dma_semaphore, #tpu.memory_space<semaphore_mem>>
        %dma_wait3A_1038 = tpu.memref_squeeze %dma_wait3A_1037 : memref<1x!tpu.dma_semaphore, #tpu.memory_space<semaphore_mem>> -> memref<!tpu.dma_semaphore, #tpu.memory_space<semaphore_mem>>
        %dma_wait3A_1039 = arith.constant 0 : i32
        %dma_wait3A_1040 = tpu.memref_slice %arg4[%sub3A_1025, %dma_wait3A_1032, %add3A, %dma_wait3A_1039] : memref<200x8x32x1024xf32, #tpu.memory_space<hbm>> -> memref<1x1x1x1024xf32, #tpu.memory_space<hbm>>
        %dma_wait3A_1041 = tpu.memref_squeeze %dma_wait3A_1040 : memref<1x1x1x1024xf32, #tpu.memory_space<hbm>> -> memref<1024xf32, #tpu.memory_space<hbm>>
        %dma_wait3A_1042 = tpu.memref_slice %arg7[%add3A_1031] : memref<24576xf32, #tpu.memory_space<vmem>> -> memref<1024xf32, #tpu.memory_space<vmem>>
        tpu.wait_dma2 semaphore(%dma_wait3A_1038 : memref<!tpu.dma_semaphore, #tpu.memory_space<semaphore_mem>>) src(%dma_wait3A_1042 : memref<1024xf32, #tpu.memory_space<vmem>>) dst(%dma_wait3A_1041 : memref<1024xf32, #tpu.memory_space<hbm>>)
        %sub3A_1043 = arith.constant 3 : i32
        %sub3A_1044 = arith.subi %scan3A_754, %sub3A_1043 : i32
        %mul3A_1045 = arith.constant 64 : i32
        %mul3A_1046 = arith.muli %rem3A_758, %mul3A_1045 : i32
        %mul3A_1047 = arith.constant 128 : i32
        %mul3A_1048 = arith.muli %mul3A_1046, %mul3A_1047 : i32
        %add3A_1049 = arith.constant 6144 : i32
        %add3A_1050 = arith.addi %mul3A_1048, %add3A_1049 : i32
        %dma_wait3A_1051 = arith.constant 6 : i32
        %dma_wait3A_1052 = tpu.memref_slice %arg7[%add3A_1050] : memref<24576xf32, #tpu.memory_space<vmem>> -> memref<1024xf32, #tpu.memory_space<vmem>>
        %dma_wait3A_1053 = arith.constant 0 : i32
        %dma_wait3A_1054 = tpu.memref_slice %arg4[%sub3A_1044, %dma_wait3A_1051, %add3A, %dma_wait3A_1053] : memref<200x8x32x1024xf32, #tpu.memory_space<hbm>> -> memref<1x1x1x1024xf32, #tpu.memory_space<hbm>>
        %dma_wait3A_1055 = tpu.memref_squeeze %dma_wait3A_1054 : memref<1x1x1x1024xf32, #tpu.memory_space<hbm>> -> memref<1024xf32, #tpu.memory_space<hbm>>
        %dma_wait3A_1056 = tpu.memref_slice %arg9[%rem3A_758] : memref<3x!tpu.dma_semaphore, #tpu.memory_space<semaphore_mem>> -> memref<1x!tpu.dma_semaphore, #tpu.memory_space<semaphore_mem>>
        %dma_wait3A_1057 = tpu.memref_squeeze %dma_wait3A_1056 : memref<1x!tpu.dma_semaphore, #tpu.memory_space<semaphore_mem>> -> memref<!tpu.dma_semaphore, #tpu.memory_space<semaphore_mem>>
        %dma_wait3A_1058 = arith.constant 0 : i32
        %dma_wait3A_1059 = tpu.memref_slice %arg4[%sub3A_1044, %dma_wait3A_1051, %add3A, %dma_wait3A_1058] : memref<200x8x32x1024xf32, #tpu.memory_space<hbm>> -> memref<1x1x1x1024xf32, #tpu.memory_space<hbm>>
        %dma_wait3A_1060 = tpu.memref_squeeze %dma_wait3A_1059 : memref<1x1x1x1024xf32, #tpu.memory_space<hbm>> -> memref<1024xf32, #tpu.memory_space<hbm>>
        %dma_wait3A_1061 = tpu.memref_slice %arg7[%add3A_1050] : memref<24576xf32, #tpu.memory_space<vmem>> -> memref<1024xf32, #tpu.memory_space<vmem>>
        tpu.wait_dma2 semaphore(%dma_wait3A_1057 : memref<!tpu.dma_semaphore, #tpu.memory_space<semaphore_mem>>) src(%dma_wait3A_1061 : memref<1024xf32, #tpu.memory_space<vmem>>) dst(%dma_wait3A_1060 : memref<1024xf32, #tpu.memory_space<hbm>>)
        %sub3A_1062 = arith.constant 3 : i32
        %sub3A_1063 = arith.subi %scan3A_754, %sub3A_1062 : i32
        %mul3A_1064 = arith.constant 64 : i32
        %mul3A_1065 = arith.muli %rem3A_758, %mul3A_1064 : i32
        %mul3A_1066 = arith.constant 128 : i32
        %mul3A_1067 = arith.muli %mul3A_1065, %mul3A_1066 : i32
        %add3A_1068 = arith.constant 7168 : i32
        %add3A_1069 = arith.addi %mul3A_1067, %add3A_1068 : i32
        %dma_wait3A_1070 = arith.constant 7 : i32
        %dma_wait3A_1071 = tpu.memref_slice %arg7[%add3A_1069] : memref<24576xf32, #tpu.memory_space<vmem>> -> memref<1024xf32, #tpu.memory_space<vmem>>
        %dma_wait3A_1072 = arith.constant 0 : i32
        %dma_wait3A_1073 = tpu.memref_slice %arg4[%sub3A_1063, %dma_wait3A_1070, %add3A, %dma_wait3A_1072] : memref<200x8x32x1024xf32, #tpu.memory_space<hbm>> -> memref<1x1x1x1024xf32, #tpu.memory_space<hbm>>
        %dma_wait3A_1074 = tpu.memref_squeeze %dma_wait3A_1073 : memref<1x1x1x1024xf32, #tpu.memory_space<hbm>> -> memref<1024xf32, #tpu.memory_space<hbm>>
        %dma_wait3A_1075 = tpu.memref_slice %arg9[%rem3A_758] : memref<3x!tpu.dma_semaphore, #tpu.memory_space<semaphore_mem>> -> memref<1x!tpu.dma_semaphore, #tpu.memory_space<semaphore_mem>>
        %dma_wait3A_1076 = tpu.memref_squeeze %dma_wait3A_1075 : memref<1x!tpu.dma_semaphore, #tpu.memory_space<semaphore_mem>> -> memref<!tpu.dma_semaphore, #tpu.memory_space<semaphore_mem>>
        %dma_wait3A_1077 = arith.constant 0 : i32
        %dma_wait3A_1078 = tpu.memref_slice %arg4[%sub3A_1063, %dma_wait3A_1070, %add3A, %dma_wait3A_1077] : memref<200x8x32x1024xf32, #tpu.memory_space<hbm>> -> memref<1x1x1x1024xf32, #tpu.memory_space<hbm>>
        %dma_wait3A_1079 = tpu.memref_squeeze %dma_wait3A_1078 : memref<1x1x1x1024xf32, #tpu.memory_space<hbm>> -> memref<1024xf32, #tpu.memory_space<hbm>>
        %dma_wait3A_1080 = tpu.memref_slice %arg7[%add3A_1069] : memref<24576xf32, #tpu.memory_space<vmem>> -> memref<1024xf32, #tpu.memory_space<vmem>>
        tpu.wait_dma2 semaphore(%dma_wait3A_1076 : memref<!tpu.dma_semaphore, #tpu.memory_space<semaphore_mem>>) src(%dma_wait3A_1080 : memref<1024xf32, #tpu.memory_space<vmem>>) dst(%dma_wait3A_1079 : memref<1024xf32, #tpu.memory_space<hbm>>)
      } else {
      }
      %mul3A_773 = arith.constant 64 : i32
      %mul3A_774 = arith.muli %rem3A_758, %mul3A_773 : i32
      %mul3A_775 = arith.constant 128 : i32
      %mul3A_776 = arith.muli %mul3A_774, %mul3A_775 : i32
      %parallel_loop3A = arith.constant 0 : i32
      %parallel_loop3A_777 = arith.constant 8 : i32
      %parallel_loop3A_778 = arith.constant 1 : i32
      scf.for %parallel_loop3A_930 = %parallel_loop3A to %parallel_loop3A_777 step %parallel_loop3A_778  : i32 {
        %parallel_loop3A_931 = arith.constant 16 : i32
        %parallel_loop3A_932 = arith.muli %parallel_loop3A_930, %parallel_loop3A_931 : i32
        %parallel_loop3A_933 = arith.constant 0 : i32
        %parallel_loop3A_934 = arith.addi %mul3A_776, %parallel_loop3A_933 : i32
        %parallel_loop3A_935 = arith.addi %parallel_loop3A_934, %parallel_loop3A_932 : i32
        %parallel_loop3A_936 = vector.broadcast %parallel_loop3A_932 : i32 to vector<16xi32>
        %parallel_loop3A_937 = arith.addi %rem3A_79, %parallel_loop3A_936 : vector<16xi32>
        %parallel_loop3A_938 = arith.constant 0 : i32
        %parallel_loop3A_939 = arith.constant 0 : i32
        %parallel_loop3A_940 = tpu.memref_slice %arg6[%rem3A_756, %parallel_loop3A_938, %parallel_loop3A_939] : memref<6x128x64xf32, #tpu.memory_space<vmem>> -> memref<1x128x64xf32, #tpu.memory_space<vmem>>
        %parallel_loop3A_941 = tpu.memref_squeeze %parallel_loop3A_940 : memref<1x128x64xf32, #tpu.memory_space<vmem>> -> memref<128x64xf32, #tpu.memory_space<vmem>>
        %parallel_loop3A_942 = tpu.vector_load_idx %parallel_loop3A_941[%parallel_loop3A_937, %add3A_236] : memref<128x64xf32, #tpu.memory_space<vmem>>[vector<16xi32>, vector<16xi32>], vector<16xf32>,
        %parallel_loop3A_943 = vector.broadcast %parallel_loop3A_935 : i32 to vector<16xi32>
        %parallel_loop3A_944 = arith.addi %add3A_173, %parallel_loop3A_943 : vector<16xi32>
        tpu.vector_store_idx %arg7[%parallel_loop3A_944], %parallel_loop3A_942 : memref<24576xf32, #tpu.memory_space<vmem>>[vector<16xi32>], vector<16xf32>,
        %parallel_loop3A_945 = vector.broadcast %parallel_loop3A_932 : i32 to vector<16xi32>
        %parallel_loop3A_946 = arith.addi %rem3A_85, %parallel_loop3A_945 : vector<16xi32>
        %parallel_loop3A_947 = arith.constant 0 : i32
        %parallel_loop3A_948 = arith.constant 0 : i32
        %parallel_loop3A_949 = tpu.memref_slice %arg6[%rem3A_756, %parallel_loop3A_947, %parallel_loop3A_948] : memref<6x128x64xf32, #tpu.memory_space<vmem>> -> memref<1x128x64xf32, #tpu.memory_space<vmem>>
        %parallel_loop3A_950 = tpu.memref_squeeze %parallel_loop3A_949 : memref<1x128x64xf32, #tpu.memory_space<vmem>> -> memref<128x64xf32, #tpu.memory_space<vmem>>
        %parallel_loop3A_951 = tpu.vector_load_idx %parallel_loop3A_950[%parallel_loop3A_946, %add3A_236] : memref<128x64xf32, #tpu.memory_space<vmem>>[vector<16xi32>, vector<16xi32>], vector<16xf32>,
        %parallel_loop3A_952 = vector.broadcast %parallel_loop3A_935 : i32 to vector<16xi32>
        %parallel_loop3A_953 = arith.addi %add3A_177, %parallel_loop3A_952 : vector<16xi32>
        tpu.vector_store_idx %arg7[%parallel_loop3A_953], %parallel_loop3A_951 : memref<24576xf32, #tpu.memory_space<vmem>>[vector<16xi32>], vector<16xf32>,
        %parallel_loop3A_954 = vector.broadcast %parallel_loop3A_932 : i32 to vector<16xi32>
        %parallel_loop3A_955 = arith.addi %rem3A_91, %parallel_loop3A_954 : vector<16xi32>
        %parallel_loop3A_956 = arith.constant 0 : i32
        %parallel_loop3A_957 = arith.constant 0 : i32
        %parallel_loop3A_958 = tpu.memref_slice %arg6[%rem3A_756, %parallel_loop3A_956, %parallel_loop3A_957] : memref<6x128x64xf32, #tpu.memory_space<vmem>> -> memref<1x128x64xf32, #tpu.memory_space<vmem>>
        %parallel_loop3A_959 = tpu.memref_squeeze %parallel_loop3A_958 : memref<1x128x64xf32, #tpu.memory_space<vmem>> -> memref<128x64xf32, #tpu.memory_space<vmem>>
        %parallel_loop3A_960 = tpu.vector_load_idx %parallel_loop3A_959[%parallel_loop3A_955, %add3A_236] : memref<128x64xf32, #tpu.memory_space<vmem>>[vector<16xi32>, vector<16xi32>], vector<16xf32>,
        %parallel_loop3A_961 = vector.broadcast %parallel_loop3A_935 : i32 to vector<16xi32>
        %parallel_loop3A_962 = arith.addi %add3A_181, %parallel_loop3A_961 : vector<16xi32>
        tpu.vector_store_idx %arg7[%parallel_loop3A_962], %parallel_loop3A_960 : memref<24576xf32, #tpu.memory_space<vmem>>[vector<16xi32>], vector<16xf32>,
        %parallel_loop3A_963 = vector.broadcast %parallel_loop3A_932 : i32 to vector<16xi32>
        %parallel_loop3A_964 = arith.addi %rem3A_97, %parallel_loop3A_963 : vector<16xi32>
        %parallel_loop3A_965 = arith.constant 0 : i32
        %parallel_loop3A_966 = arith.constant 0 : i32
        %parallel_loop3A_967 = tpu.memref_slice %arg6[%rem3A_756, %parallel_loop3A_965, %parallel_loop3A_966] : memref<6x128x64xf32, #tpu.memory_space<vmem>> -> memref<1x128x64xf32, #tpu.memory_space<vmem>>
        %parallel_loop3A_968 = tpu.memref_squeeze %parallel_loop3A_967 : memref<1x128x64xf32, #tpu.memory_space<vmem>> -> memref<128x64xf32, #tpu.memory_space<vmem>>
        %parallel_loop3A_969 = tpu.vector_load_idx %parallel_loop3A_968[%parallel_loop3A_964, %add3A_236] : memref<128x64xf32, #tpu.memory_space<vmem>>[vector<16xi32>, vector<16xi32>], vector<16xf32>,
        %parallel_loop3A_970 = vector.broadcast %parallel_loop3A_935 : i32 to vector<16xi32>
        %parallel_loop3A_971 = arith.addi %add3A_185, %parallel_loop3A_970 : vector<16xi32>
        tpu.vector_store_idx %arg7[%parallel_loop3A_971], %parallel_loop3A_969 : memref<24576xf32, #tpu.memory_space<vmem>>[vector<16xi32>], vector<16xf32>,
        %parallel_loop3A_972 = vector.broadcast %parallel_loop3A_932 : i32 to vector<16xi32>
        %parallel_loop3A_973 = arith.addi %rem3A_103, %parallel_loop3A_972 : vector<16xi32>
        %parallel_loop3A_974 = arith.constant 0 : i32
        %parallel_loop3A_975 = arith.constant 0 : i32
        %parallel_loop3A_976 = tpu.memref_slice %arg6[%rem3A_756, %parallel_loop3A_974, %parallel_loop3A_975] : memref<6x128x64xf32, #tpu.memory_space<vmem>> -> memref<1x128x64xf32, #tpu.memory_space<vmem>>
        %parallel_loop3A_977 = tpu.memref_squeeze %parallel_loop3A_976 : memref<1x128x64xf32, #tpu.memory_space<vmem>> -> memref<128x64xf32, #tpu.memory_space<vmem>>
        %parallel_loop3A_978 = tpu.vector_load_idx %parallel_loop3A_977[%parallel_loop3A_973, %add3A_236] : memref<128x64xf32, #tpu.memory_space<vmem>>[vector<16xi32>, vector<16xi32>], vector<16xf32>,
        %parallel_loop3A_979 = vector.broadcast %parallel_loop3A_935 : i32 to vector<16xi32>
        %parallel_loop3A_980 = arith.addi %add3A_189, %parallel_loop3A_979 : vector<16xi32>
        tpu.vector_store_idx %arg7[%parallel_loop3A_980], %parallel_loop3A_978 : memref<24576xf32, #tpu.memory_space<vmem>>[vector<16xi32>], vector<16xf32>,
        %parallel_loop3A_981 = vector.broadcast %parallel_loop3A_932 : i32 to vector<16xi32>
        %parallel_loop3A_982 = arith.addi %rem3A_109, %parallel_loop3A_981 : vector<16xi32>
        %parallel_loop3A_983 = arith.constant 0 : i32
        %parallel_loop3A_984 = arith.constant 0 : i32
        %parallel_loop3A_985 = tpu.memref_slice %arg6[%rem3A_756, %parallel_loop3A_983, %parallel_loop3A_984] : memref<6x128x64xf32, #tpu.memory_space<vmem>> -> memref<1x128x64xf32, #tpu.memory_space<vmem>>
        %parallel_loop3A_986 = tpu.memref_squeeze %parallel_loop3A_985 : memref<1x128x64xf32, #tpu.memory_space<vmem>> -> memref<128x64xf32, #tpu.memory_space<vmem>>
        %parallel_loop3A_987 = tpu.vector_load_idx %parallel_loop3A_986[%parallel_loop3A_982, %add3A_236] : memref<128x64xf32, #tpu.memory_space<vmem>>[vector<16xi32>, vector<16xi32>], vector<16xf32>,
        %parallel_loop3A_988 = vector.broadcast %parallel_loop3A_935 : i32 to vector<16xi32>
        %parallel_loop3A_989 = arith.addi %add3A_193, %parallel_loop3A_988 : vector<16xi32>
        tpu.vector_store_idx %arg7[%parallel_loop3A_989], %parallel_loop3A_987 : memref<24576xf32, #tpu.memory_space<vmem>>[vector<16xi32>], vector<16xf32>,
        %parallel_loop3A_990 = vector.broadcast %parallel_loop3A_932 : i32 to vector<16xi32>
        %parallel_loop3A_991 = arith.addi %rem3A_115, %parallel_loop3A_990 : vector<16xi32>
        %parallel_loop3A_992 = arith.constant 0 : i32
        %parallel_loop3A_993 = arith.constant 0 : i32
        %parallel_loop3A_994 = tpu.memref_slice %arg6[%rem3A_756, %parallel_loop3A_992, %parallel_loop3A_993] : memref<6x128x64xf32, #tpu.memory_space<vmem>> -> memref<1x128x64xf32, #tpu.memory_space<vmem>>
        %parallel_loop3A_995 = tpu.memref_squeeze %parallel_loop3A_994 : memref<1x128x64xf32, #tpu.memory_space<vmem>> -> memref<128x64xf32, #tpu.memory_space<vmem>>
        %parallel_loop3A_996 = tpu.vector_load_idx %parallel_loop3A_995[%parallel_loop3A_991, %add3A_236] : memref<128x64xf32, #tpu.memory_space<vmem>>[vector<16xi32>, vector<16xi32>], vector<16xf32>,
        %parallel_loop3A_997 = vector.broadcast %parallel_loop3A_935 : i32 to vector<16xi32>
        %parallel_loop3A_998 = arith.addi %add3A_197, %parallel_loop3A_997 : vector<16xi32>
        tpu.vector_store_idx %arg7[%parallel_loop3A_998], %parallel_loop3A_996 : memref<24576xf32, #tpu.memory_space<vmem>>[vector<16xi32>], vector<16xf32>,
        %parallel_loop3A_999 = vector.broadcast %parallel_loop3A_932 : i32 to vector<16xi32>
        %parallel_loop3A_1000 = arith.addi %rem3A_121, %parallel_loop3A_999 : vector<16xi32>
        %parallel_loop3A_1001 = arith.constant 0 : i32
        %parallel_loop3A_1002 = arith.constant 0 : i32
        %parallel_loop3A_1003 = tpu.memref_slice %arg6[%rem3A_756, %parallel_loop3A_1001, %parallel_loop3A_1002] : memref<6x128x64xf32, #tpu.memory_space<vmem>> -> memref<1x128x64xf32, #tpu.memory_space<vmem>>
        %parallel_loop3A_1004 = tpu.memref_squeeze %parallel_loop3A_1003 : memref<1x128x64xf32, #tpu.memory_space<vmem>> -> memref<128x64xf32, #tpu.memory_space<vmem>>
        %parallel_loop3A_1005 = tpu.vector_load_idx %parallel_loop3A_1004[%parallel_loop3A_1000, %add3A_236] : memref<128x64xf32, #tpu.memory_space<vmem>>[vector<16xi32>, vector<16xi32>], vector<16xf32>,
        %parallel_loop3A_1006 = vector.broadcast %parallel_loop3A_935 : i32 to vector<16xi32>
        %parallel_loop3A_1007 = arith.addi %add3A_201, %parallel_loop3A_1006 : vector<16xi32>
        tpu.vector_store_idx %arg7[%parallel_loop3A_1007], %parallel_loop3A_1005 : memref<24576xf32, #tpu.memory_space<vmem>>[vector<16xi32>], vector<16xf32>,
        %parallel_loop3A_1008 = vector.broadcast %parallel_loop3A_932 : i32 to vector<16xi32>
        %parallel_loop3A_1009 = arith.addi %rem3A_127, %parallel_loop3A_1008 : vector<16xi32>
        %parallel_loop3A_1010 = arith.constant 0 : i32
        %parallel_loop3A_1011 = arith.constant 0 : i32
        %parallel_loop3A_1012 = tpu.memref_slice %arg6[%rem3A_756, %parallel_loop3A_1010, %parallel_loop3A_1011] : memref<6x128x64xf32, #tpu.memory_space<vmem>> -> memref<1x128x64xf32, #tpu.memory_space<vmem>>
        %parallel_loop3A_1013 = tpu.memref_squeeze %parallel_loop3A_1012 : memref<1x128x64xf32, #tpu.memory_space<vmem>> -> memref<128x64xf32, #tpu.memory_space<vmem>>
        %parallel_loop3A_1014 = tpu.vector_load_idx %parallel_loop3A_1013[%parallel_loop3A_1009, %add3A_236] : memref<128x64xf32, #tpu.memory_space<vmem>>[vector<16xi32>, vector<16xi32>], vector<16xf32>,
        %parallel_loop3A_1015 = vector.broadcast %parallel_loop3A_935 : i32 to vector<16xi32>
        %parallel_loop3A_1016 = arith.addi %add3A_205, %parallel_loop3A_1015 : vector<16xi32>
        tpu.vector_store_idx %arg7[%parallel_loop3A_1016], %parallel_loop3A_1014 : memref<24576xf32, #tpu.memory_space<vmem>>[vector<16xi32>], vector<16xf32>,
        %parallel_loop3A_1017 = vector.broadcast %parallel_loop3A_932 : i32 to vector<16xi32>
        %parallel_loop3A_1018 = arith.addi %rem3A_133, %parallel_loop3A_1017 : vector<16xi32>
        %parallel_loop3A_1019 = arith.constant 0 : i32
        %parallel_loop3A_1020 = arith.constant 0 : i32
        %parallel_loop3A_1021 = tpu.memref_slice %arg6[%rem3A_756, %parallel_loop3A_1019, %parallel_loop3A_1020] : memref<6x128x64xf32, #tpu.memory_space<vmem>> -> memref<1x128x64xf32, #tpu.memory_space<vmem>>
        %parallel_loop3A_1022 = tpu.memref_squeeze %parallel_loop3A_1021 : memref<1x128x64xf32, #tpu.memory_space<vmem>> -> memref<128x64xf32, #tpu.memory_space<vmem>>
        %parallel_loop3A_1023 = tpu.vector_load_idx %parallel_loop3A_1022[%parallel_loop3A_1018, %add3A_236] : memref<128x64xf32, #tpu.memory_space<vmem>>[vector<16xi32>, vector<16xi32>], vector<16xf32>,
        %parallel_loop3A_1024 = vector.broadcast %parallel_loop3A_935 : i32 to vector<16xi32>
        %parallel_loop3A_1025 = arith.addi %add3A_209, %parallel_loop3A_1024 : vector<16xi32>
        tpu.vector_store_idx %arg7[%parallel_loop3A_1025], %parallel_loop3A_1023 : memref<24576xf32, #tpu.memory_space<vmem>>[vector<16xi32>], vector<16xf32>,
        %parallel_loop3A_1026 = vector.broadcast %parallel_loop3A_932 : i32 to vector<16xi32>
        %parallel_loop3A_1027 = arith.addi %rem3A_139, %parallel_loop3A_1026 : vector<16xi32>
        %parallel_loop3A_1028 = arith.constant 0 : i32
        %parallel_loop3A_1029 = arith.constant 0 : i32
        %parallel_loop3A_1030 = tpu.memref_slice %arg6[%rem3A_756, %parallel_loop3A_1028, %parallel_loop3A_1029] : memref<6x128x64xf32, #tpu.memory_space<vmem>> -> memref<1x128x64xf32, #tpu.memory_space<vmem>>
        %parallel_loop3A_1031 = tpu.memref_squeeze %parallel_loop3A_1030 : memref<1x128x64xf32, #tpu.memory_space<vmem>> -> memref<128x64xf32, #tpu.memory_space<vmem>>
        %parallel_loop3A_1032 = tpu.vector_load_idx %parallel_loop3A_1031[%parallel_loop3A_1027, %add3A_236] : memref<128x64xf32, #tpu.memory_space<vmem>>[vector<16xi32>, vector<16xi32>], vector<16xf32>,
        %parallel_loop3A_1033 = vector.broadcast %parallel_loop3A_935 : i32 to vector<16xi32>
        %parallel_loop3A_1034 = arith.addi %add3A_213, %parallel_loop3A_1033 : vector<16xi32>
        tpu.vector_store_idx %arg7[%parallel_loop3A_1034], %parallel_loop3A_1032 : memref<24576xf32, #tpu.memory_space<vmem>>[vector<16xi32>], vector<16xf32>,
        %parallel_loop3A_1035 = vector.broadcast %parallel_loop3A_932 : i32 to vector<16xi32>
        %parallel_loop3A_1036 = arith.addi %rem3A_145, %parallel_loop3A_1035 : vector<16xi32>
        %parallel_loop3A_1037 = arith.constant 0 : i32
        %parallel_loop3A_1038 = arith.constant 0 : i32
        %parallel_loop3A_1039 = tpu.memref_slice %arg6[%rem3A_756, %parallel_loop3A_1037, %parallel_loop3A_1038] : memref<6x128x64xf32, #tpu.memory_space<vmem>> -> memref<1x128x64xf32, #tpu.memory_space<vmem>>
        %parallel_loop3A_1040 = tpu.memref_squeeze %parallel_loop3A_1039 : memref<1x128x64xf32, #tpu.memory_space<vmem>> -> memref<128x64xf32, #tpu.memory_space<vmem>>
        %parallel_loop3A_1041 = tpu.vector_load_idx %parallel_loop3A_1040[%parallel_loop3A_1036, %add3A_236] : memref<128x64xf32, #tpu.memory_space<vmem>>[vector<16xi32>, vector<16xi32>], vector<16xf32>,
        %parallel_loop3A_1042 = vector.broadcast %parallel_loop3A_935 : i32 to vector<16xi32>
        %parallel_loop3A_1043 = arith.addi %add3A_217, %parallel_loop3A_1042 : vector<16xi32>
        tpu.vector_store_idx %arg7[%parallel_loop3A_1043], %parallel_loop3A_1041 : memref<24576xf32, #tpu.memory_space<vmem>>[vector<16xi32>], vector<16xf32>,
        %parallel_loop3A_1044 = vector.broadcast %parallel_loop3A_932 : i32 to vector<16xi32>
        %parallel_loop3A_1045 = arith.addi %rem3A_151, %parallel_loop3A_1044 : vector<16xi32>
        %parallel_loop3A_1046 = arith.constant 0 : i32
        %parallel_loop3A_1047 = arith.constant 0 : i32
        %parallel_loop3A_1048 = tpu.memref_slice %arg6[%rem3A_756, %parallel_loop3A_1046, %parallel_loop3A_1047] : memref<6x128x64xf32, #tpu.memory_space<vmem>> -> memref<1x128x64xf32, #tpu.memory_space<vmem>>
        %parallel_loop3A_1049 = tpu.memref_squeeze %parallel_loop3A_1048 : memref<1x128x64xf32, #tpu.memory_space<vmem>> -> memref<128x64xf32, #tpu.memory_space<vmem>>
        %parallel_loop3A_1050 = tpu.vector_load_idx %parallel_loop3A_1049[%parallel_loop3A_1045, %add3A_236] : memref<128x64xf32, #tpu.memory_space<vmem>>[vector<16xi32>, vector<16xi32>], vector<16xf32>,
        %parallel_loop3A_1051 = vector.broadcast %parallel_loop3A_935 : i32 to vector<16xi32>
        %parallel_loop3A_1052 = arith.addi %add3A_221, %parallel_loop3A_1051 : vector<16xi32>
        tpu.vector_store_idx %arg7[%parallel_loop3A_1052], %parallel_loop3A_1050 : memref<24576xf32, #tpu.memory_space<vmem>>[vector<16xi32>], vector<16xf32>,
        %parallel_loop3A_1053 = vector.broadcast %parallel_loop3A_932 : i32 to vector<16xi32>
        %parallel_loop3A_1054 = arith.addi %rem3A_157, %parallel_loop3A_1053 : vector<16xi32>
        %parallel_loop3A_1055 = arith.constant 0 : i32
        %parallel_loop3A_1056 = arith.constant 0 : i32
        %parallel_loop3A_1057 = tpu.memref_slice %arg6[%rem3A_756, %parallel_loop3A_1055, %parallel_loop3A_1056] : memref<6x128x64xf32, #tpu.memory_space<vmem>> -> memref<1x128x64xf32, #tpu.memory_space<vmem>>
        %parallel_loop3A_1058 = tpu.memref_squeeze %parallel_loop3A_1057 : memref<1x128x64xf32, #tpu.memory_space<vmem>> -> memref<128x64xf32, #tpu.memory_space<vmem>>
        %parallel_loop3A_1059 = tpu.vector_load_idx %parallel_loop3A_1058[%parallel_loop3A_1054, %add3A_236] : memref<128x64xf32, #tpu.memory_space<vmem>>[vector<16xi32>, vector<16xi32>], vector<16xf32>,
        %parallel_loop3A_1060 = vector.broadcast %parallel_loop3A_935 : i32 to vector<16xi32>
        %parallel_loop3A_1061 = arith.addi %add3A_225, %parallel_loop3A_1060 : vector<16xi32>
        tpu.vector_store_idx %arg7[%parallel_loop3A_1061], %parallel_loop3A_1059 : memref<24576xf32, #tpu.memory_space<vmem>>[vector<16xi32>], vector<16xf32>,
        %parallel_loop3A_1062 = vector.broadcast %parallel_loop3A_932 : i32 to vector<16xi32>
        %parallel_loop3A_1063 = arith.addi %rem3A_163, %parallel_loop3A_1062 : vector<16xi32>
        %parallel_loop3A_1064 = arith.constant 0 : i32
        %parallel_loop3A_1065 = arith.constant 0 : i32
        %parallel_loop3A_1066 = tpu.memref_slice %arg6[%rem3A_756, %parallel_loop3A_1064, %parallel_loop3A_1065] : memref<6x128x64xf32, #tpu.memory_space<vmem>> -> memref<1x128x64xf32, #tpu.memory_space<vmem>>
        %parallel_loop3A_1067 = tpu.memref_squeeze %parallel_loop3A_1066 : memref<1x128x64xf32, #tpu.memory_space<vmem>> -> memref<128x64xf32, #tpu.memory_space<vmem>>
        %parallel_loop3A_1068 = tpu.vector_load_idx %parallel_loop3A_1067[%parallel_loop3A_1063, %add3A_236] : memref<128x64xf32, #tpu.memory_space<vmem>>[vector<16xi32>, vector<16xi32>], vector<16xf32>,
        %parallel_loop3A_1069 = vector.broadcast %parallel_loop3A_935 : i32 to vector<16xi32>
        %parallel_loop3A_1070 = arith.addi %add3A_229, %parallel_loop3A_1069 : vector<16xi32>
        tpu.vector_store_idx %arg7[%parallel_loop3A_1070], %parallel_loop3A_1068 : memref<24576xf32, #tpu.memory_space<vmem>>[vector<16xi32>], vector<16xf32>,
        %parallel_loop3A_1071 = vector.broadcast %parallel_loop3A_932 : i32 to vector<16xi32>
        %parallel_loop3A_1072 = arith.addi %rem3A_169, %parallel_loop3A_1071 : vector<16xi32>
        %parallel_loop3A_1073 = arith.constant 0 : i32
        %parallel_loop3A_1074 = arith.constant 0 : i32
        %parallel_loop3A_1075 = tpu.memref_slice %arg6[%rem3A_756, %parallel_loop3A_1073, %parallel_loop3A_1074] : memref<6x128x64xf32, #tpu.memory_space<vmem>> -> memref<1x128x64xf32, #tpu.memory_space<vmem>>
        %parallel_loop3A_1076 = tpu.memref_squeeze %parallel_loop3A_1075 : memref<1x128x64xf32, #tpu.memory_space<vmem>> -> memref<128x64xf32, #tpu.memory_space<vmem>>
        %parallel_loop3A_1077 = tpu.vector_load_idx %parallel_loop3A_1076[%parallel_loop3A_1072, %add3A_236] : memref<128x64xf32, #tpu.memory_space<vmem>>[vector<16xi32>, vector<16xi32>], vector<16xf32>,
        %parallel_loop3A_1078 = vector.broadcast %parallel_loop3A_935 : i32 to vector<16xi32>
        %parallel_loop3A_1079 = arith.addi %add3A_233, %parallel_loop3A_1078 : vector<16xi32>
        tpu.vector_store_idx %arg7[%parallel_loop3A_1079], %parallel_loop3A_1077 : memref<24576xf32, #tpu.memory_space<vmem>>[vector<16xi32>], vector<16xf32>,
      } {sc.loop_unroll_factor = 4 : i64, sc.parallel_access}
      %parallel_loop3A_779 = arith.constant 0 : i32
      %parallel_loop3A_780 = arith.constant 8 : i32
      %parallel_loop3A_781 = arith.constant 1 : i32
      scf.for %parallel_loop3A_930 = %parallel_loop3A_779 to %parallel_loop3A_780 step %parallel_loop3A_781  : i32 {
        %parallel_loop3A_931 = arith.constant 16 : i32
        %parallel_loop3A_932 = arith.muli %parallel_loop3A_930, %parallel_loop3A_931 : i32
        %parallel_loop3A_933 = arith.constant 2048 : i32
        %parallel_loop3A_934 = arith.addi %mul3A_776, %parallel_loop3A_933 : i32
        %parallel_loop3A_935 = arith.addi %parallel_loop3A_934, %parallel_loop3A_932 : i32
        %parallel_loop3A_936 = vector.broadcast %parallel_loop3A_932 : i32 to vector<16xi32>
        %parallel_loop3A_937 = arith.addi %rem3A_79, %parallel_loop3A_936 : vector<16xi32>
        %parallel_loop3A_938 = arith.constant 0 : i32
        %parallel_loop3A_939 = arith.constant 0 : i32
        %parallel_loop3A_940 = tpu.memref_slice %arg6[%rem3A_756, %parallel_loop3A_938, %parallel_loop3A_939] : memref<6x128x64xf32, #tpu.memory_space<vmem>> -> memref<1x128x64xf32, #tpu.memory_space<vmem>>
        %parallel_loop3A_941 = tpu.memref_squeeze %parallel_loop3A_940 : memref<1x128x64xf32, #tpu.memory_space<vmem>> -> memref<128x64xf32, #tpu.memory_space<vmem>>
        %parallel_loop3A_942 = tpu.vector_load_idx %parallel_loop3A_941[%parallel_loop3A_937, %add3A_239] : memref<128x64xf32, #tpu.memory_space<vmem>>[vector<16xi32>, vector<16xi32>], vector<16xf32>,
        %parallel_loop3A_943 = vector.broadcast %parallel_loop3A_935 : i32 to vector<16xi32>
        %parallel_loop3A_944 = arith.addi %add3A_173, %parallel_loop3A_943 : vector<16xi32>
        tpu.vector_store_idx %arg7[%parallel_loop3A_944], %parallel_loop3A_942 : memref<24576xf32, #tpu.memory_space<vmem>>[vector<16xi32>], vector<16xf32>,
        %parallel_loop3A_945 = vector.broadcast %parallel_loop3A_932 : i32 to vector<16xi32>
        %parallel_loop3A_946 = arith.addi %rem3A_85, %parallel_loop3A_945 : vector<16xi32>
        %parallel_loop3A_947 = arith.constant 0 : i32
        %parallel_loop3A_948 = arith.constant 0 : i32
        %parallel_loop3A_949 = tpu.memref_slice %arg6[%rem3A_756, %parallel_loop3A_947, %parallel_loop3A_948] : memref<6x128x64xf32, #tpu.memory_space<vmem>> -> memref<1x128x64xf32, #tpu.memory_space<vmem>>
        %parallel_loop3A_950 = tpu.memref_squeeze %parallel_loop3A_949 : memref<1x128x64xf32, #tpu.memory_space<vmem>> -> memref<128x64xf32, #tpu.memory_space<vmem>>
        %parallel_loop3A_951 = tpu.vector_load_idx %parallel_loop3A_950[%parallel_loop3A_946, %add3A_239] : memref<128x64xf32, #tpu.memory_space<vmem>>[vector<16xi32>, vector<16xi32>], vector<16xf32>,
        %parallel_loop3A_952 = vector.broadcast %parallel_loop3A_935 : i32 to vector<16xi32>
        %parallel_loop3A_953 = arith.addi %add3A_177, %parallel_loop3A_952 : vector<16xi32>
        tpu.vector_store_idx %arg7[%parallel_loop3A_953], %parallel_loop3A_951 : memref<24576xf32, #tpu.memory_space<vmem>>[vector<16xi32>], vector<16xf32>,
        %parallel_loop3A_954 = vector.broadcast %parallel_loop3A_932 : i32 to vector<16xi32>
        %parallel_loop3A_955 = arith.addi %rem3A_91, %parallel_loop3A_954 : vector<16xi32>
        %parallel_loop3A_956 = arith.constant 0 : i32
        %parallel_loop3A_957 = arith.constant 0 : i32
        %parallel_loop3A_958 = tpu.memref_slice %arg6[%rem3A_756, %parallel_loop3A_956, %parallel_loop3A_957] : memref<6x128x64xf32, #tpu.memory_space<vmem>> -> memref<1x128x64xf32, #tpu.memory_space<vmem>>
        %parallel_loop3A_959 = tpu.memref_squeeze %parallel_loop3A_958 : memref<1x128x64xf32, #tpu.memory_space<vmem>> -> memref<128x64xf32, #tpu.memory_space<vmem>>
        %parallel_loop3A_960 = tpu.vector_load_idx %parallel_loop3A_959[%parallel_loop3A_955, %add3A_239] : memref<128x64xf32, #tpu.memory_space<vmem>>[vector<16xi32>, vector<16xi32>], vector<16xf32>,
        %parallel_loop3A_961 = vector.broadcast %parallel_loop3A_935 : i32 to vector<16xi32>
        %parallel_loop3A_962 = arith.addi %add3A_181, %parallel_loop3A_961 : vector<16xi32>
        tpu.vector_store_idx %arg7[%parallel_loop3A_962], %parallel_loop3A_960 : memref<24576xf32, #tpu.memory_space<vmem>>[vector<16xi32>], vector<16xf32>,
        %parallel_loop3A_963 = vector.broadcast %parallel_loop3A_932 : i32 to vector<16xi32>
        %parallel_loop3A_964 = arith.addi %rem3A_97, %parallel_loop3A_963 : vector<16xi32>
        %parallel_loop3A_965 = arith.constant 0 : i32
        %parallel_loop3A_966 = arith.constant 0 : i32
        %parallel_loop3A_967 = tpu.memref_slice %arg6[%rem3A_756, %parallel_loop3A_965, %parallel_loop3A_966] : memref<6x128x64xf32, #tpu.memory_space<vmem>> -> memref<1x128x64xf32, #tpu.memory_space<vmem>>
        %parallel_loop3A_968 = tpu.memref_squeeze %parallel_loop3A_967 : memref<1x128x64xf32, #tpu.memory_space<vmem>> -> memref<128x64xf32, #tpu.memory_space<vmem>>
        %parallel_loop3A_969 = tpu.vector_load_idx %parallel_loop3A_968[%parallel_loop3A_964, %add3A_239] : memref<128x64xf32, #tpu.memory_space<vmem>>[vector<16xi32>, vector<16xi32>], vector<16xf32>,
        %parallel_loop3A_970 = vector.broadcast %parallel_loop3A_935 : i32 to vector<16xi32>
        %parallel_loop3A_971 = arith.addi %add3A_185, %parallel_loop3A_970 : vector<16xi32>
        tpu.vector_store_idx %arg7[%parallel_loop3A_971], %parallel_loop3A_969 : memref<24576xf32, #tpu.memory_space<vmem>>[vector<16xi32>], vector<16xf32>,
        %parallel_loop3A_972 = vector.broadcast %parallel_loop3A_932 : i32 to vector<16xi32>
        %parallel_loop3A_973 = arith.addi %rem3A_103, %parallel_loop3A_972 : vector<16xi32>
        %parallel_loop3A_974 = arith.constant 0 : i32
        %parallel_loop3A_975 = arith.constant 0 : i32
        %parallel_loop3A_976 = tpu.memref_slice %arg6[%rem3A_756, %parallel_loop3A_974, %parallel_loop3A_975] : memref<6x128x64xf32, #tpu.memory_space<vmem>> -> memref<1x128x64xf32, #tpu.memory_space<vmem>>
        %parallel_loop3A_977 = tpu.memref_squeeze %parallel_loop3A_976 : memref<1x128x64xf32, #tpu.memory_space<vmem>> -> memref<128x64xf32, #tpu.memory_space<vmem>>
        %parallel_loop3A_978 = tpu.vector_load_idx %parallel_loop3A_977[%parallel_loop3A_973, %add3A_239] : memref<128x64xf32, #tpu.memory_space<vmem>>[vector<16xi32>, vector<16xi32>], vector<16xf32>,
        %parallel_loop3A_979 = vector.broadcast %parallel_loop3A_935 : i32 to vector<16xi32>
        %parallel_loop3A_980 = arith.addi %add3A_189, %parallel_loop3A_979 : vector<16xi32>
        tpu.vector_store_idx %arg7[%parallel_loop3A_980], %parallel_loop3A_978 : memref<24576xf32, #tpu.memory_space<vmem>>[vector<16xi32>], vector<16xf32>,
        %parallel_loop3A_981 = vector.broadcast %parallel_loop3A_932 : i32 to vector<16xi32>
        %parallel_loop3A_982 = arith.addi %rem3A_109, %parallel_loop3A_981 : vector<16xi32>
        %parallel_loop3A_983 = arith.constant 0 : i32
        %parallel_loop3A_984 = arith.constant 0 : i32
        %parallel_loop3A_985 = tpu.memref_slice %arg6[%rem3A_756, %parallel_loop3A_983, %parallel_loop3A_984] : memref<6x128x64xf32, #tpu.memory_space<vmem>> -> memref<1x128x64xf32, #tpu.memory_space<vmem>>
        %parallel_loop3A_986 = tpu.memref_squeeze %parallel_loop3A_985 : memref<1x128x64xf32, #tpu.memory_space<vmem>> -> memref<128x64xf32, #tpu.memory_space<vmem>>
        %parallel_loop3A_987 = tpu.vector_load_idx %parallel_loop3A_986[%parallel_loop3A_982, %add3A_239] : memref<128x64xf32, #tpu.memory_space<vmem>>[vector<16xi32>, vector<16xi32>], vector<16xf32>,
        %parallel_loop3A_988 = vector.broadcast %parallel_loop3A_935 : i32 to vector<16xi32>
        %parallel_loop3A_989 = arith.addi %add3A_193, %parallel_loop3A_988 : vector<16xi32>
        tpu.vector_store_idx %arg7[%parallel_loop3A_989], %parallel_loop3A_987 : memref<24576xf32, #tpu.memory_space<vmem>>[vector<16xi32>], vector<16xf32>,
        %parallel_loop3A_990 = vector.broadcast %parallel_loop3A_932 : i32 to vector<16xi32>
        %parallel_loop3A_991 = arith.addi %rem3A_115, %parallel_loop3A_990 : vector<16xi32>
        %parallel_loop3A_992 = arith.constant 0 : i32
        %parallel_loop3A_993 = arith.constant 0 : i32
        %parallel_loop3A_994 = tpu.memref_slice %arg6[%rem3A_756, %parallel_loop3A_992, %parallel_loop3A_993] : memref<6x128x64xf32, #tpu.memory_space<vmem>> -> memref<1x128x64xf32, #tpu.memory_space<vmem>>
        %parallel_loop3A_995 = tpu.memref_squeeze %parallel_loop3A_994 : memref<1x128x64xf32, #tpu.memory_space<vmem>> -> memref<128x64xf32, #tpu.memory_space<vmem>>
        %parallel_loop3A_996 = tpu.vector_load_idx %parallel_loop3A_995[%parallel_loop3A_991, %add3A_239] : memref<128x64xf32, #tpu.memory_space<vmem>>[vector<16xi32>, vector<16xi32>], vector<16xf32>,
        %parallel_loop3A_997 = vector.broadcast %parallel_loop3A_935 : i32 to vector<16xi32>
        %parallel_loop3A_998 = arith.addi %add3A_197, %parallel_loop3A_997 : vector<16xi32>
        tpu.vector_store_idx %arg7[%parallel_loop3A_998], %parallel_loop3A_996 : memref<24576xf32, #tpu.memory_space<vmem>>[vector<16xi32>], vector<16xf32>,
        %parallel_loop3A_999 = vector.broadcast %parallel_loop3A_932 : i32 to vector<16xi32>
        %parallel_loop3A_1000 = arith.addi %rem3A_121, %parallel_loop3A_999 : vector<16xi32>
        %parallel_loop3A_1001 = arith.constant 0 : i32
        %parallel_loop3A_1002 = arith.constant 0 : i32
        %parallel_loop3A_1003 = tpu.memref_slice %arg6[%rem3A_756, %parallel_loop3A_1001, %parallel_loop3A_1002] : memref<6x128x64xf32, #tpu.memory_space<vmem>> -> memref<1x128x64xf32, #tpu.memory_space<vmem>>
        %parallel_loop3A_1004 = tpu.memref_squeeze %parallel_loop3A_1003 : memref<1x128x64xf32, #tpu.memory_space<vmem>> -> memref<128x64xf32, #tpu.memory_space<vmem>>
        %parallel_loop3A_1005 = tpu.vector_load_idx %parallel_loop3A_1004[%parallel_loop3A_1000, %add3A_239] : memref<128x64xf32, #tpu.memory_space<vmem>>[vector<16xi32>, vector<16xi32>], vector<16xf32>,
        %parallel_loop3A_1006 = vector.broadcast %parallel_loop3A_935 : i32 to vector<16xi32>
        %parallel_loop3A_1007 = arith.addi %add3A_201, %parallel_loop3A_1006 : vector<16xi32>
        tpu.vector_store_idx %arg7[%parallel_loop3A_1007], %parallel_loop3A_1005 : memref<24576xf32, #tpu.memory_space<vmem>>[vector<16xi32>], vector<16xf32>,
        %parallel_loop3A_1008 = vector.broadcast %parallel_loop3A_932 : i32 to vector<16xi32>
        %parallel_loop3A_1009 = arith.addi %rem3A_127, %parallel_loop3A_1008 : vector<16xi32>
        %parallel_loop3A_1010 = arith.constant 0 : i32
        %parallel_loop3A_1011 = arith.constant 0 : i32
        %parallel_loop3A_1012 = tpu.memref_slice %arg6[%rem3A_756, %parallel_loop3A_1010, %parallel_loop3A_1011] : memref<6x128x64xf32, #tpu.memory_space<vmem>> -> memref<1x128x64xf32, #tpu.memory_space<vmem>>
        %parallel_loop3A_1013 = tpu.memref_squeeze %parallel_loop3A_1012 : memref<1x128x64xf32, #tpu.memory_space<vmem>> -> memref<128x64xf32, #tpu.memory_space<vmem>>
        %parallel_loop3A_1014 = tpu.vector_load_idx %parallel_loop3A_1013[%parallel_loop3A_1009, %add3A_239] : memref<128x64xf32, #tpu.memory_space<vmem>>[vector<16xi32>, vector<16xi32>], vector<16xf32>,
        %parallel_loop3A_1015 = vector.broadcast %parallel_loop3A_935 : i32 to vector<16xi32>
        %parallel_loop3A_1016 = arith.addi %add3A_205, %parallel_loop3A_1015 : vector<16xi32>
        tpu.vector_store_idx %arg7[%parallel_loop3A_1016], %parallel_loop3A_1014 : memref<24576xf32, #tpu.memory_space<vmem>>[vector<16xi32>], vector<16xf32>,
        %parallel_loop3A_1017 = vector.broadcast %parallel_loop3A_932 : i32 to vector<16xi32>
        %parallel_loop3A_1018 = arith.addi %rem3A_133, %parallel_loop3A_1017 : vector<16xi32>
        %parallel_loop3A_1019 = arith.constant 0 : i32
        %parallel_loop3A_1020 = arith.constant 0 : i32
        %parallel_loop3A_1021 = tpu.memref_slice %arg6[%rem3A_756, %parallel_loop3A_1019, %parallel_loop3A_1020] : memref<6x128x64xf32, #tpu.memory_space<vmem>> -> memref<1x128x64xf32, #tpu.memory_space<vmem>>
        %parallel_loop3A_1022 = tpu.memref_squeeze %parallel_loop3A_1021 : memref<1x128x64xf32, #tpu.memory_space<vmem>> -> memref<128x64xf32, #tpu.memory_space<vmem>>
        %parallel_loop3A_1023 = tpu.vector_load_idx %parallel_loop3A_1022[%parallel_loop3A_1018, %add3A_239] : memref<128x64xf32, #tpu.memory_space<vmem>>[vector<16xi32>, vector<16xi32>], vector<16xf32>,
        %parallel_loop3A_1024 = vector.broadcast %parallel_loop3A_935 : i32 to vector<16xi32>
        %parallel_loop3A_1025 = arith.addi %add3A_209, %parallel_loop3A_1024 : vector<16xi32>
        tpu.vector_store_idx %arg7[%parallel_loop3A_1025], %parallel_loop3A_1023 : memref<24576xf32, #tpu.memory_space<vmem>>[vector<16xi32>], vector<16xf32>,
        %parallel_loop3A_1026 = vector.broadcast %parallel_loop3A_932 : i32 to vector<16xi32>
        %parallel_loop3A_1027 = arith.addi %rem3A_139, %parallel_loop3A_1026 : vector<16xi32>
        %parallel_loop3A_1028 = arith.constant 0 : i32
        %parallel_loop3A_1029 = arith.constant 0 : i32
        %parallel_loop3A_1030 = tpu.memref_slice %arg6[%rem3A_756, %parallel_loop3A_1028, %parallel_loop3A_1029] : memref<6x128x64xf32, #tpu.memory_space<vmem>> -> memref<1x128x64xf32, #tpu.memory_space<vmem>>
        %parallel_loop3A_1031 = tpu.memref_squeeze %parallel_loop3A_1030 : memref<1x128x64xf32, #tpu.memory_space<vmem>> -> memref<128x64xf32, #tpu.memory_space<vmem>>
        %parallel_loop3A_1032 = tpu.vector_load_idx %parallel_loop3A_1031[%parallel_loop3A_1027, %add3A_239] : memref<128x64xf32, #tpu.memory_space<vmem>>[vector<16xi32>, vector<16xi32>], vector<16xf32>,
        %parallel_loop3A_1033 = vector.broadcast %parallel_loop3A_935 : i32 to vector<16xi32>
        %parallel_loop3A_1034 = arith.addi %add3A_213, %parallel_loop3A_1033 : vector<16xi32>
        tpu.vector_store_idx %arg7[%parallel_loop3A_1034], %parallel_loop3A_1032 : memref<24576xf32, #tpu.memory_space<vmem>>[vector<16xi32>], vector<16xf32>,
        %parallel_loop3A_1035 = vector.broadcast %parallel_loop3A_932 : i32 to vector<16xi32>
        %parallel_loop3A_1036 = arith.addi %rem3A_145, %parallel_loop3A_1035 : vector<16xi32>
        %parallel_loop3A_1037 = arith.constant 0 : i32
        %parallel_loop3A_1038 = arith.constant 0 : i32
        %parallel_loop3A_1039 = tpu.memref_slice %arg6[%rem3A_756, %parallel_loop3A_1037, %parallel_loop3A_1038] : memref<6x128x64xf32, #tpu.memory_space<vmem>> -> memref<1x128x64xf32, #tpu.memory_space<vmem>>
        %parallel_loop3A_1040 = tpu.memref_squeeze %parallel_loop3A_1039 : memref<1x128x64xf32, #tpu.memory_space<vmem>> -> memref<128x64xf32, #tpu.memory_space<vmem>>
        %parallel_loop3A_1041 = tpu.vector_load_idx %parallel_loop3A_1040[%parallel_loop3A_1036, %add3A_239] : memref<128x64xf32, #tpu.memory_space<vmem>>[vector<16xi32>, vector<16xi32>], vector<16xf32>,
        %parallel_loop3A_1042 = vector.broadcast %parallel_loop3A_935 : i32 to vector<16xi32>
        %parallel_loop3A_1043 = arith.addi %add3A_217, %parallel_loop3A_1042 : vector<16xi32>
        tpu.vector_store_idx %arg7[%parallel_loop3A_1043], %parallel_loop3A_1041 : memref<24576xf32, #tpu.memory_space<vmem>>[vector<16xi32>], vector<16xf32>,
        %parallel_loop3A_1044 = vector.broadcast %parallel_loop3A_932 : i32 to vector<16xi32>
        %parallel_loop3A_1045 = arith.addi %rem3A_151, %parallel_loop3A_1044 : vector<16xi32>
        %parallel_loop3A_1046 = arith.constant 0 : i32
        %parallel_loop3A_1047 = arith.constant 0 : i32
        %parallel_loop3A_1048 = tpu.memref_slice %arg6[%rem3A_756, %parallel_loop3A_1046, %parallel_loop3A_1047] : memref<6x128x64xf32, #tpu.memory_space<vmem>> -> memref<1x128x64xf32, #tpu.memory_space<vmem>>
        %parallel_loop3A_1049 = tpu.memref_squeeze %parallel_loop3A_1048 : memref<1x128x64xf32, #tpu.memory_space<vmem>> -> memref<128x64xf32, #tpu.memory_space<vmem>>
        %parallel_loop3A_1050 = tpu.vector_load_idx %parallel_loop3A_1049[%parallel_loop3A_1045, %add3A_239] : memref<128x64xf32, #tpu.memory_space<vmem>>[vector<16xi32>, vector<16xi32>], vector<16xf32>,
        %parallel_loop3A_1051 = vector.broadcast %parallel_loop3A_935 : i32 to vector<16xi32>
        %parallel_loop3A_1052 = arith.addi %add3A_221, %parallel_loop3A_1051 : vector<16xi32>
        tpu.vector_store_idx %arg7[%parallel_loop3A_1052], %parallel_loop3A_1050 : memref<24576xf32, #tpu.memory_space<vmem>>[vector<16xi32>], vector<16xf32>,
        %parallel_loop3A_1053 = vector.broadcast %parallel_loop3A_932 : i32 to vector<16xi32>
        %parallel_loop3A_1054 = arith.addi %rem3A_157, %parallel_loop3A_1053 : vector<16xi32>
        %parallel_loop3A_1055 = arith.constant 0 : i32
        %parallel_loop3A_1056 = arith.constant 0 : i32
        %parallel_loop3A_1057 = tpu.memref_slice %arg6[%rem3A_756, %parallel_loop3A_1055, %parallel_loop3A_1056] : memref<6x128x64xf32, #tpu.memory_space<vmem>> -> memref<1x128x64xf32, #tpu.memory_space<vmem>>
        %parallel_loop3A_1058 = tpu.memref_squeeze %parallel_loop3A_1057 : memref<1x128x64xf32, #tpu.memory_space<vmem>> -> memref<128x64xf32, #tpu.memory_space<vmem>>
        %parallel_loop3A_1059 = tpu.vector_load_idx %parallel_loop3A_1058[%parallel_loop3A_1054, %add3A_239] : memref<128x64xf32, #tpu.memory_space<vmem>>[vector<16xi32>, vector<16xi32>], vector<16xf32>,
        %parallel_loop3A_1060 = vector.broadcast %parallel_loop3A_935 : i32 to vector<16xi32>
        %parallel_loop3A_1061 = arith.addi %add3A_225, %parallel_loop3A_1060 : vector<16xi32>
        tpu.vector_store_idx %arg7[%parallel_loop3A_1061], %parallel_loop3A_1059 : memref<24576xf32, #tpu.memory_space<vmem>>[vector<16xi32>], vector<16xf32>,
        %parallel_loop3A_1062 = vector.broadcast %parallel_loop3A_932 : i32 to vector<16xi32>
        %parallel_loop3A_1063 = arith.addi %rem3A_163, %parallel_loop3A_1062 : vector<16xi32>
        %parallel_loop3A_1064 = arith.constant 0 : i32
        %parallel_loop3A_1065 = arith.constant 0 : i32
        %parallel_loop3A_1066 = tpu.memref_slice %arg6[%rem3A_756, %parallel_loop3A_1064, %parallel_loop3A_1065] : memref<6x128x64xf32, #tpu.memory_space<vmem>> -> memref<1x128x64xf32, #tpu.memory_space<vmem>>
        %parallel_loop3A_1067 = tpu.memref_squeeze %parallel_loop3A_1066 : memref<1x128x64xf32, #tpu.memory_space<vmem>> -> memref<128x64xf32, #tpu.memory_space<vmem>>
        %parallel_loop3A_1068 = tpu.vector_load_idx %parallel_loop3A_1067[%parallel_loop3A_1063, %add3A_239] : memref<128x64xf32, #tpu.memory_space<vmem>>[vector<16xi32>, vector<16xi32>], vector<16xf32>,
        %parallel_loop3A_1069 = vector.broadcast %parallel_loop3A_935 : i32 to vector<16xi32>
        %parallel_loop3A_1070 = arith.addi %add3A_229, %parallel_loop3A_1069 : vector<16xi32>
        tpu.vector_store_idx %arg7[%parallel_loop3A_1070], %parallel_loop3A_1068 : memref<24576xf32, #tpu.memory_space<vmem>>[vector<16xi32>], vector<16xf32>,
        %parallel_loop3A_1071 = vector.broadcast %parallel_loop3A_932 : i32 to vector<16xi32>
        %parallel_loop3A_1072 = arith.addi %rem3A_169, %parallel_loop3A_1071 : vector<16xi32>
        %parallel_loop3A_1073 = arith.constant 0 : i32
        %parallel_loop3A_1074 = arith.constant 0 : i32
        %parallel_loop3A_1075 = tpu.memref_slice %arg6[%rem3A_756, %parallel_loop3A_1073, %parallel_loop3A_1074] : memref<6x128x64xf32, #tpu.memory_space<vmem>> -> memref<1x128x64xf32, #tpu.memory_space<vmem>>
        %parallel_loop3A_1076 = tpu.memref_squeeze %parallel_loop3A_1075 : memref<1x128x64xf32, #tpu.memory_space<vmem>> -> memref<128x64xf32, #tpu.memory_space<vmem>>
        %parallel_loop3A_1077 = tpu.vector_load_idx %parallel_loop3A_1076[%parallel_loop3A_1072, %add3A_239] : memref<128x64xf32, #tpu.memory_space<vmem>>[vector<16xi32>, vector<16xi32>], vector<16xf32>,
        %parallel_loop3A_1078 = vector.broadcast %parallel_loop3A_935 : i32 to vector<16xi32>
        %parallel_loop3A_1079 = arith.addi %add3A_233, %parallel_loop3A_1078 : vector<16xi32>
        tpu.vector_store_idx %arg7[%parallel_loop3A_1079], %parallel_loop3A_1077 : memref<24576xf32, #tpu.memory_space<vmem>>[vector<16xi32>], vector<16xf32>,
      } {sc.loop_unroll_factor = 4 : i64, sc.parallel_access}
      %parallel_loop3A_782 = arith.constant 0 : i32
      %parallel_loop3A_783 = arith.constant 8 : i32
      %parallel_loop3A_784 = arith.constant 1 : i32
      scf.for %parallel_loop3A_930 = %parallel_loop3A_782 to %parallel_loop3A_783 step %parallel_loop3A_784  : i32 {
        %parallel_loop3A_931 = arith.constant 16 : i32
        %parallel_loop3A_932 = arith.muli %parallel_loop3A_930, %parallel_loop3A_931 : i32
        %parallel_loop3A_933 = arith.constant 4096 : i32
        %parallel_loop3A_934 = arith.addi %mul3A_776, %parallel_loop3A_933 : i32
        %parallel_loop3A_935 = arith.addi %parallel_loop3A_934, %parallel_loop3A_932 : i32
        %parallel_loop3A_936 = vector.broadcast %parallel_loop3A_932 : i32 to vector<16xi32>
        %parallel_loop3A_937 = arith.addi %rem3A_79, %parallel_loop3A_936 : vector<16xi32>
        %parallel_loop3A_938 = arith.constant 0 : i32
        %parallel_loop3A_939 = arith.constant 0 : i32
        %parallel_loop3A_940 = tpu.memref_slice %arg6[%rem3A_756, %parallel_loop3A_938, %parallel_loop3A_939] : memref<6x128x64xf32, #tpu.memory_space<vmem>> -> memref<1x128x64xf32, #tpu.memory_space<vmem>>
        %parallel_loop3A_941 = tpu.memref_squeeze %parallel_loop3A_940 : memref<1x128x64xf32, #tpu.memory_space<vmem>> -> memref<128x64xf32, #tpu.memory_space<vmem>>
        %parallel_loop3A_942 = tpu.vector_load_idx %parallel_loop3A_941[%parallel_loop3A_937, %add3A_242] : memref<128x64xf32, #tpu.memory_space<vmem>>[vector<16xi32>, vector<16xi32>], vector<16xf32>,
        %parallel_loop3A_943 = vector.broadcast %parallel_loop3A_935 : i32 to vector<16xi32>
        %parallel_loop3A_944 = arith.addi %add3A_173, %parallel_loop3A_943 : vector<16xi32>
        tpu.vector_store_idx %arg7[%parallel_loop3A_944], %parallel_loop3A_942 : memref<24576xf32, #tpu.memory_space<vmem>>[vector<16xi32>], vector<16xf32>,
        %parallel_loop3A_945 = vector.broadcast %parallel_loop3A_932 : i32 to vector<16xi32>
        %parallel_loop3A_946 = arith.addi %rem3A_85, %parallel_loop3A_945 : vector<16xi32>
        %parallel_loop3A_947 = arith.constant 0 : i32
        %parallel_loop3A_948 = arith.constant 0 : i32
        %parallel_loop3A_949 = tpu.memref_slice %arg6[%rem3A_756, %parallel_loop3A_947, %parallel_loop3A_948] : memref<6x128x64xf32, #tpu.memory_space<vmem>> -> memref<1x128x64xf32, #tpu.memory_space<vmem>>
        %parallel_loop3A_950 = tpu.memref_squeeze %parallel_loop3A_949 : memref<1x128x64xf32, #tpu.memory_space<vmem>> -> memref<128x64xf32, #tpu.memory_space<vmem>>
        %parallel_loop3A_951 = tpu.vector_load_idx %parallel_loop3A_950[%parallel_loop3A_946, %add3A_242] : memref<128x64xf32, #tpu.memory_space<vmem>>[vector<16xi32>, vector<16xi32>], vector<16xf32>,
        %parallel_loop3A_952 = vector.broadcast %parallel_loop3A_935 : i32 to vector<16xi32>
        %parallel_loop3A_953 = arith.addi %add3A_177, %parallel_loop3A_952 : vector<16xi32>
        tpu.vector_store_idx %arg7[%parallel_loop3A_953], %parallel_loop3A_951 : memref<24576xf32, #tpu.memory_space<vmem>>[vector<16xi32>], vector<16xf32>,
        %parallel_loop3A_954 = vector.broadcast %parallel_loop3A_932 : i32 to vector<16xi32>
        %parallel_loop3A_955 = arith.addi %rem3A_91, %parallel_loop3A_954 : vector<16xi32>
        %parallel_loop3A_956 = arith.constant 0 : i32
        %parallel_loop3A_957 = arith.constant 0 : i32
        %parallel_loop3A_958 = tpu.memref_slice %arg6[%rem3A_756, %parallel_loop3A_956, %parallel_loop3A_957] : memref<6x128x64xf32, #tpu.memory_space<vmem>> -> memref<1x128x64xf32, #tpu.memory_space<vmem>>
        %parallel_loop3A_959 = tpu.memref_squeeze %parallel_loop3A_958 : memref<1x128x64xf32, #tpu.memory_space<vmem>> -> memref<128x64xf32, #tpu.memory_space<vmem>>
        %parallel_loop3A_960 = tpu.vector_load_idx %parallel_loop3A_959[%parallel_loop3A_955, %add3A_242] : memref<128x64xf32, #tpu.memory_space<vmem>>[vector<16xi32>, vector<16xi32>], vector<16xf32>,
        %parallel_loop3A_961 = vector.broadcast %parallel_loop3A_935 : i32 to vector<16xi32>
        %parallel_loop3A_962 = arith.addi %add3A_181, %parallel_loop3A_961 : vector<16xi32>
        tpu.vector_store_idx %arg7[%parallel_loop3A_962], %parallel_loop3A_960 : memref<24576xf32, #tpu.memory_space<vmem>>[vector<16xi32>], vector<16xf32>,
        %parallel_loop3A_963 = vector.broadcast %parallel_loop3A_932 : i32 to vector<16xi32>
        %parallel_loop3A_964 = arith.addi %rem3A_97, %parallel_loop3A_963 : vector<16xi32>
        %parallel_loop3A_965 = arith.constant 0 : i32
        %parallel_loop3A_966 = arith.constant 0 : i32
        %parallel_loop3A_967 = tpu.memref_slice %arg6[%rem3A_756, %parallel_loop3A_965, %parallel_loop3A_966] : memref<6x128x64xf32, #tpu.memory_space<vmem>> -> memref<1x128x64xf32, #tpu.memory_space<vmem>>
        %parallel_loop3A_968 = tpu.memref_squeeze %parallel_loop3A_967 : memref<1x128x64xf32, #tpu.memory_space<vmem>> -> memref<128x64xf32, #tpu.memory_space<vmem>>
        %parallel_loop3A_969 = tpu.vector_load_idx %parallel_loop3A_968[%parallel_loop3A_964, %add3A_242] : memref<128x64xf32, #tpu.memory_space<vmem>>[vector<16xi32>, vector<16xi32>], vector<16xf32>,
        %parallel_loop3A_970 = vector.broadcast %parallel_loop3A_935 : i32 to vector<16xi32>
        %parallel_loop3A_971 = arith.addi %add3A_185, %parallel_loop3A_970 : vector<16xi32>
        tpu.vector_store_idx %arg7[%parallel_loop3A_971], %parallel_loop3A_969 : memref<24576xf32, #tpu.memory_space<vmem>>[vector<16xi32>], vector<16xf32>,
        %parallel_loop3A_972 = vector.broadcast %parallel_loop3A_932 : i32 to vector<16xi32>
        %parallel_loop3A_973 = arith.addi %rem3A_103, %parallel_loop3A_972 : vector<16xi32>
        %parallel_loop3A_974 = arith.constant 0 : i32
        %parallel_loop3A_975 = arith.constant 0 : i32
        %parallel_loop3A_976 = tpu.memref_slice %arg6[%rem3A_756, %parallel_loop3A_974, %parallel_loop3A_975] : memref<6x128x64xf32, #tpu.memory_space<vmem>> -> memref<1x128x64xf32, #tpu.memory_space<vmem>>
        %parallel_loop3A_977 = tpu.memref_squeeze %parallel_loop3A_976 : memref<1x128x64xf32, #tpu.memory_space<vmem>> -> memref<128x64xf32, #tpu.memory_space<vmem>>
        %parallel_loop3A_978 = tpu.vector_load_idx %parallel_loop3A_977[%parallel_loop3A_973, %add3A_242] : memref<128x64xf32, #tpu.memory_space<vmem>>[vector<16xi32>, vector<16xi32>], vector<16xf32>,
        %parallel_loop3A_979 = vector.broadcast %parallel_loop3A_935 : i32 to vector<16xi32>
        %parallel_loop3A_980 = arith.addi %add3A_189, %parallel_loop3A_979 : vector<16xi32>
        tpu.vector_store_idx %arg7[%parallel_loop3A_980], %parallel_loop3A_978 : memref<24576xf32, #tpu.memory_space<vmem>>[vector<16xi32>], vector<16xf32>,
        %parallel_loop3A_981 = vector.broadcast %parallel_loop3A_932 : i32 to vector<16xi32>
        %parallel_loop3A_982 = arith.addi %rem3A_109, %parallel_loop3A_981 : vector<16xi32>
        %parallel_loop3A_983 = arith.constant 0 : i32
        %parallel_loop3A_984 = arith.constant 0 : i32
        %parallel_loop3A_985 = tpu.memref_slice %arg6[%rem3A_756, %parallel_loop3A_983, %parallel_loop3A_984] : memref<6x128x64xf32, #tpu.memory_space<vmem>> -> memref<1x128x64xf32, #tpu.memory_space<vmem>>
        %parallel_loop3A_986 = tpu.memref_squeeze %parallel_loop3A_985 : memref<1x128x64xf32, #tpu.memory_space<vmem>> -> memref<128x64xf32, #tpu.memory_space<vmem>>
        %parallel_loop3A_987 = tpu.vector_load_idx %parallel_loop3A_986[%parallel_loop3A_982, %add3A_242] : memref<128x64xf32, #tpu.memory_space<vmem>>[vector<16xi32>, vector<16xi32>], vector<16xf32>,
        %parallel_loop3A_988 = vector.broadcast %parallel_loop3A_935 : i32 to vector<16xi32>
        %parallel_loop3A_989 = arith.addi %add3A_193, %parallel_loop3A_988 : vector<16xi32>
        tpu.vector_store_idx %arg7[%parallel_loop3A_989], %parallel_loop3A_987 : memref<24576xf32, #tpu.memory_space<vmem>>[vector<16xi32>], vector<16xf32>,
        %parallel_loop3A_990 = vector.broadcast %parallel_loop3A_932 : i32 to vector<16xi32>
        %parallel_loop3A_991 = arith.addi %rem3A_115, %parallel_loop3A_990 : vector<16xi32>
        %parallel_loop3A_992 = arith.constant 0 : i32
        %parallel_loop3A_993 = arith.constant 0 : i32
        %parallel_loop3A_994 = tpu.memref_slice %arg6[%rem3A_756, %parallel_loop3A_992, %parallel_loop3A_993] : memref<6x128x64xf32, #tpu.memory_space<vmem>> -> memref<1x128x64xf32, #tpu.memory_space<vmem>>
        %parallel_loop3A_995 = tpu.memref_squeeze %parallel_loop3A_994 : memref<1x128x64xf32, #tpu.memory_space<vmem>> -> memref<128x64xf32, #tpu.memory_space<vmem>>
        %parallel_loop3A_996 = tpu.vector_load_idx %parallel_loop3A_995[%parallel_loop3A_991, %add3A_242] : memref<128x64xf32, #tpu.memory_space<vmem>>[vector<16xi32>, vector<16xi32>], vector<16xf32>,
        %parallel_loop3A_997 = vector.broadcast %parallel_loop3A_935 : i32 to vector<16xi32>
        %parallel_loop3A_998 = arith.addi %add3A_197, %parallel_loop3A_997 : vector<16xi32>
        tpu.vector_store_idx %arg7[%parallel_loop3A_998], %parallel_loop3A_996 : memref<24576xf32, #tpu.memory_space<vmem>>[vector<16xi32>], vector<16xf32>,
        %parallel_loop3A_999 = vector.broadcast %parallel_loop3A_932 : i32 to vector<16xi32>
        %parallel_loop3A_1000 = arith.addi %rem3A_121, %parallel_loop3A_999 : vector<16xi32>
        %parallel_loop3A_1001 = arith.constant 0 : i32
        %parallel_loop3A_1002 = arith.constant 0 : i32
        %parallel_loop3A_1003 = tpu.memref_slice %arg6[%rem3A_756, %parallel_loop3A_1001, %parallel_loop3A_1002] : memref<6x128x64xf32, #tpu.memory_space<vmem>> -> memref<1x128x64xf32, #tpu.memory_space<vmem>>
        %parallel_loop3A_1004 = tpu.memref_squeeze %parallel_loop3A_1003 : memref<1x128x64xf32, #tpu.memory_space<vmem>> -> memref<128x64xf32, #tpu.memory_space<vmem>>
        %parallel_loop3A_1005 = tpu.vector_load_idx %parallel_loop3A_1004[%parallel_loop3A_1000, %add3A_242] : memref<128x64xf32, #tpu.memory_space<vmem>>[vector<16xi32>, vector<16xi32>], vector<16xf32>,
        %parallel_loop3A_1006 = vector.broadcast %parallel_loop3A_935 : i32 to vector<16xi32>
        %parallel_loop3A_1007 = arith.addi %add3A_201, %parallel_loop3A_1006 : vector<16xi32>
        tpu.vector_store_idx %arg7[%parallel_loop3A_1007], %parallel_loop3A_1005 : memref<24576xf32, #tpu.memory_space<vmem>>[vector<16xi32>], vector<16xf32>,
        %parallel_loop3A_1008 = vector.broadcast %parallel_loop3A_932 : i32 to vector<16xi32>
        %parallel_loop3A_1009 = arith.addi %rem3A_127, %parallel_loop3A_1008 : vector<16xi32>
        %parallel_loop3A_1010 = arith.constant 0 : i32
        %parallel_loop3A_1011 = arith.constant 0 : i32
        %parallel_loop3A_1012 = tpu.memref_slice %arg6[%rem3A_756, %parallel_loop3A_1010, %parallel_loop3A_1011] : memref<6x128x64xf32, #tpu.memory_space<vmem>> -> memref<1x128x64xf32, #tpu.memory_space<vmem>>
        %parallel_loop3A_1013 = tpu.memref_squeeze %parallel_loop3A_1012 : memref<1x128x64xf32, #tpu.memory_space<vmem>> -> memref<128x64xf32, #tpu.memory_space<vmem>>
        %parallel_loop3A_1014 = tpu.vector_load_idx %parallel_loop3A_1013[%parallel_loop3A_1009, %add3A_242] : memref<128x64xf32, #tpu.memory_space<vmem>>[vector<16xi32>, vector<16xi32>], vector<16xf32>,
        %parallel_loop3A_1015 = vector.broadcast %parallel_loop3A_935 : i32 to vector<16xi32>
        %parallel_loop3A_1016 = arith.addi %add3A_205, %parallel_loop3A_1015 : vector<16xi32>
        tpu.vector_store_idx %arg7[%parallel_loop3A_1016], %parallel_loop3A_1014 : memref<24576xf32, #tpu.memory_space<vmem>>[vector<16xi32>], vector<16xf32>,
        %parallel_loop3A_1017 = vector.broadcast %parallel_loop3A_932 : i32 to vector<16xi32>
        %parallel_loop3A_1018 = arith.addi %rem3A_133, %parallel_loop3A_1017 : vector<16xi32>
        %parallel_loop3A_1019 = arith.constant 0 : i32
        %parallel_loop3A_1020 = arith.constant 0 : i32
        %parallel_loop3A_1021 = tpu.memref_slice %arg6[%rem3A_756, %parallel_loop3A_1019, %parallel_loop3A_1020] : memref<6x128x64xf32, #tpu.memory_space<vmem>> -> memref<1x128x64xf32, #tpu.memory_space<vmem>>
        %parallel_loop3A_1022 = tpu.memref_squeeze %parallel_loop3A_1021 : memref<1x128x64xf32, #tpu.memory_space<vmem>> -> memref<128x64xf32, #tpu.memory_space<vmem>>
        %parallel_loop3A_1023 = tpu.vector_load_idx %parallel_loop3A_1022[%parallel_loop3A_1018, %add3A_242] : memref<128x64xf32, #tpu.memory_space<vmem>>[vector<16xi32>, vector<16xi32>], vector<16xf32>,
        %parallel_loop3A_1024 = vector.broadcast %parallel_loop3A_935 : i32 to vector<16xi32>
        %parallel_loop3A_1025 = arith.addi %add3A_209, %parallel_loop3A_1024 : vector<16xi32>
        tpu.vector_store_idx %arg7[%parallel_loop3A_1025], %parallel_loop3A_1023 : memref<24576xf32, #tpu.memory_space<vmem>>[vector<16xi32>], vector<16xf32>,
        %parallel_loop3A_1026 = vector.broadcast %parallel_loop3A_932 : i32 to vector<16xi32>
        %parallel_loop3A_1027 = arith.addi %rem3A_139, %parallel_loop3A_1026 : vector<16xi32>
        %parallel_loop3A_1028 = arith.constant 0 : i32
        %parallel_loop3A_1029 = arith.constant 0 : i32
        %parallel_loop3A_1030 = tpu.memref_slice %arg6[%rem3A_756, %parallel_loop3A_1028, %parallel_loop3A_1029] : memref<6x128x64xf32, #tpu.memory_space<vmem>> -> memref<1x128x64xf32, #tpu.memory_space<vmem>>
        %parallel_loop3A_1031 = tpu.memref_squeeze %parallel_loop3A_1030 : memref<1x128x64xf32, #tpu.memory_space<vmem>> -> memref<128x64xf32, #tpu.memory_space<vmem>>
        %parallel_loop3A_1032 = tpu.vector_load_idx %parallel_loop3A_1031[%parallel_loop3A_1027, %add3A_242] : memref<128x64xf32, #tpu.memory_space<vmem>>[vector<16xi32>, vector<16xi32>], vector<16xf32>,
        %parallel_loop3A_1033 = vector.broadcast %parallel_loop3A_935 : i32 to vector<16xi32>
        %parallel_loop3A_1034 = arith.addi %add3A_213, %parallel_loop3A_1033 : vector<16xi32>
        tpu.vector_store_idx %arg7[%parallel_loop3A_1034], %parallel_loop3A_1032 : memref<24576xf32, #tpu.memory_space<vmem>>[vector<16xi32>], vector<16xf32>,
        %parallel_loop3A_1035 = vector.broadcast %parallel_loop3A_932 : i32 to vector<16xi32>
        %parallel_loop3A_1036 = arith.addi %rem3A_145, %parallel_loop3A_1035 : vector<16xi32>
        %parallel_loop3A_1037 = arith.constant 0 : i32
        %parallel_loop3A_1038 = arith.constant 0 : i32
        %parallel_loop3A_1039 = tpu.memref_slice %arg6[%rem3A_756, %parallel_loop3A_1037, %parallel_loop3A_1038] : memref<6x128x64xf32, #tpu.memory_space<vmem>> -> memref<1x128x64xf32, #tpu.memory_space<vmem>>
        %parallel_loop3A_1040 = tpu.memref_squeeze %parallel_loop3A_1039 : memref<1x128x64xf32, #tpu.memory_space<vmem>> -> memref<128x64xf32, #tpu.memory_space<vmem>>
        %parallel_loop3A_1041 = tpu.vector_load_idx %parallel_loop3A_1040[%parallel_loop3A_1036, %add3A_242] : memref<128x64xf32, #tpu.memory_space<vmem>>[vector<16xi32>, vector<16xi32>], vector<16xf32>,
        %parallel_loop3A_1042 = vector.broadcast %parallel_loop3A_935 : i32 to vector<16xi32>
        %parallel_loop3A_1043 = arith.addi %add3A_217, %parallel_loop3A_1042 : vector<16xi32>
        tpu.vector_store_idx %arg7[%parallel_loop3A_1043], %parallel_loop3A_1041 : memref<24576xf32, #tpu.memory_space<vmem>>[vector<16xi32>], vector<16xf32>,
        %parallel_loop3A_1044 = vector.broadcast %parallel_loop3A_932 : i32 to vector<16xi32>
        %parallel_loop3A_1045 = arith.addi %rem3A_151, %parallel_loop3A_1044 : vector<16xi32>
        %parallel_loop3A_1046 = arith.constant 0 : i32
        %parallel_loop3A_1047 = arith.constant 0 : i32
        %parallel_loop3A_1048 = tpu.memref_slice %arg6[%rem3A_756, %parallel_loop3A_1046, %parallel_loop3A_1047] : memref<6x128x64xf32, #tpu.memory_space<vmem>> -> memref<1x128x64xf32, #tpu.memory_space<vmem>>
        %parallel_loop3A_1049 = tpu.memref_squeeze %parallel_loop3A_1048 : memref<1x128x64xf32, #tpu.memory_space<vmem>> -> memref<128x64xf32, #tpu.memory_space<vmem>>
        %parallel_loop3A_1050 = tpu.vector_load_idx %parallel_loop3A_1049[%parallel_loop3A_1045, %add3A_242] : memref<128x64xf32, #tpu.memory_space<vmem>>[vector<16xi32>, vector<16xi32>], vector<16xf32>,
        %parallel_loop3A_1051 = vector.broadcast %parallel_loop3A_935 : i32 to vector<16xi32>
        %parallel_loop3A_1052 = arith.addi %add3A_221, %parallel_loop3A_1051 : vector<16xi32>
        tpu.vector_store_idx %arg7[%parallel_loop3A_1052], %parallel_loop3A_1050 : memref<24576xf32, #tpu.memory_space<vmem>>[vector<16xi32>], vector<16xf32>,
        %parallel_loop3A_1053 = vector.broadcast %parallel_loop3A_932 : i32 to vector<16xi32>
        %parallel_loop3A_1054 = arith.addi %rem3A_157, %parallel_loop3A_1053 : vector<16xi32>
        %parallel_loop3A_1055 = arith.constant 0 : i32
        %parallel_loop3A_1056 = arith.constant 0 : i32
        %parallel_loop3A_1057 = tpu.memref_slice %arg6[%rem3A_756, %parallel_loop3A_1055, %parallel_loop3A_1056] : memref<6x128x64xf32, #tpu.memory_space<vmem>> -> memref<1x128x64xf32, #tpu.memory_space<vmem>>
        %parallel_loop3A_1058 = tpu.memref_squeeze %parallel_loop3A_1057 : memref<1x128x64xf32, #tpu.memory_space<vmem>> -> memref<128x64xf32, #tpu.memory_space<vmem>>
        %parallel_loop3A_1059 = tpu.vector_load_idx %parallel_loop3A_1058[%parallel_loop3A_1054, %add3A_242] : memref<128x64xf32, #tpu.memory_space<vmem>>[vector<16xi32>, vector<16xi32>], vector<16xf32>,
        %parallel_loop3A_1060 = vector.broadcast %parallel_loop3A_935 : i32 to vector<16xi32>
        %parallel_loop3A_1061 = arith.addi %add3A_225, %parallel_loop3A_1060 : vector<16xi32>
        tpu.vector_store_idx %arg7[%parallel_loop3A_1061], %parallel_loop3A_1059 : memref<24576xf32, #tpu.memory_space<vmem>>[vector<16xi32>], vector<16xf32>,
        %parallel_loop3A_1062 = vector.broadcast %parallel_loop3A_932 : i32 to vector<16xi32>
        %parallel_loop3A_1063 = arith.addi %rem3A_163, %parallel_loop3A_1062 : vector<16xi32>
        %parallel_loop3A_1064 = arith.constant 0 : i32
        %parallel_loop3A_1065 = arith.constant 0 : i32
        %parallel_loop3A_1066 = tpu.memref_slice %arg6[%rem3A_756, %parallel_loop3A_1064, %parallel_loop3A_1065] : memref<6x128x64xf32, #tpu.memory_space<vmem>> -> memref<1x128x64xf32, #tpu.memory_space<vmem>>
        %parallel_loop3A_1067 = tpu.memref_squeeze %parallel_loop3A_1066 : memref<1x128x64xf32, #tpu.memory_space<vmem>> -> memref<128x64xf32, #tpu.memory_space<vmem>>
        %parallel_loop3A_1068 = tpu.vector_load_idx %parallel_loop3A_1067[%parallel_loop3A_1063, %add3A_242] : memref<128x64xf32, #tpu.memory_space<vmem>>[vector<16xi32>, vector<16xi32>], vector<16xf32>,
        %parallel_loop3A_1069 = vector.broadcast %parallel_loop3A_935 : i32 to vector<16xi32>
        %parallel_loop3A_1070 = arith.addi %add3A_229, %parallel_loop3A_1069 : vector<16xi32>
        tpu.vector_store_idx %arg7[%parallel_loop3A_1070], %parallel_loop3A_1068 : memref<24576xf32, #tpu.memory_space<vmem>>[vector<16xi32>], vector<16xf32>,
        %parallel_loop3A_1071 = vector.broadcast %parallel_loop3A_932 : i32 to vector<16xi32>
        %parallel_loop3A_1072 = arith.addi %rem3A_169, %parallel_loop3A_1071 : vector<16xi32>
        %parallel_loop3A_1073 = arith.constant 0 : i32
        %parallel_loop3A_1074 = arith.constant 0 : i32
        %parallel_loop3A_1075 = tpu.memref_slice %arg6[%rem3A_756, %parallel_loop3A_1073, %parallel_loop3A_1074] : memref<6x128x64xf32, #tpu.memory_space<vmem>> -> memref<1x128x64xf32, #tpu.memory_space<vmem>>
        %parallel_loop3A_1076 = tpu.memref_squeeze %parallel_loop3A_1075 : memref<1x128x64xf32, #tpu.memory_space<vmem>> -> memref<128x64xf32, #tpu.memory_space<vmem>>
        %parallel_loop3A_1077 = tpu.vector_load_idx %parallel_loop3A_1076[%parallel_loop3A_1072, %add3A_242] : memref<128x64xf32, #tpu.memory_space<vmem>>[vector<16xi32>, vector<16xi32>], vector<16xf32>,
        %parallel_loop3A_1078 = vector.broadcast %parallel_loop3A_935 : i32 to vector<16xi32>
        %parallel_loop3A_1079 = arith.addi %add3A_233, %parallel_loop3A_1078 : vector<16xi32>
        tpu.vector_store_idx %arg7[%parallel_loop3A_1079], %parallel_loop3A_1077 : memref<24576xf32, #tpu.memory_space<vmem>>[vector<16xi32>], vector<16xf32>,
      } {sc.loop_unroll_factor = 4 : i64, sc.parallel_access}
      %parallel_loop3A_785 = arith.constant 0 : i32
      %parallel_loop3A_786 = arith.constant 8 : i32
      %parallel_loop3A_787 = arith.constant 1 : i32
      scf.for %parallel_loop3A_930 = %parallel_loop3A_785 to %parallel_loop3A_786 step %parallel_loop3A_787  : i32 {
        %parallel_loop3A_931 = arith.constant 16 : i32
        %parallel_loop3A_932 = arith.muli %parallel_loop3A_930, %parallel_loop3A_931 : i32
        %parallel_loop3A_933 = arith.constant 6144 : i32
        %parallel_loop3A_934 = arith.addi %mul3A_776, %parallel_loop3A_933 : i32
        %parallel_loop3A_935 = arith.addi %parallel_loop3A_934, %parallel_loop3A_932 : i32
        %parallel_loop3A_936 = vector.broadcast %parallel_loop3A_932 : i32 to vector<16xi32>
        %parallel_loop3A_937 = arith.addi %rem3A_79, %parallel_loop3A_936 : vector<16xi32>
        %parallel_loop3A_938 = arith.constant 0 : i32
        %parallel_loop3A_939 = arith.constant 0 : i32
        %parallel_loop3A_940 = tpu.memref_slice %arg6[%rem3A_756, %parallel_loop3A_938, %parallel_loop3A_939] : memref<6x128x64xf32, #tpu.memory_space<vmem>> -> memref<1x128x64xf32, #tpu.memory_space<vmem>>
        %parallel_loop3A_941 = tpu.memref_squeeze %parallel_loop3A_940 : memref<1x128x64xf32, #tpu.memory_space<vmem>> -> memref<128x64xf32, #tpu.memory_space<vmem>>
        %parallel_loop3A_942 = tpu.vector_load_idx %parallel_loop3A_941[%parallel_loop3A_937, %add3A_245] : memref<128x64xf32, #tpu.memory_space<vmem>>[vector<16xi32>, vector<16xi32>], vector<16xf32>,
        %parallel_loop3A_943 = vector.broadcast %parallel_loop3A_935 : i32 to vector<16xi32>
        %parallel_loop3A_944 = arith.addi %add3A_173, %parallel_loop3A_943 : vector<16xi32>
        tpu.vector_store_idx %arg7[%parallel_loop3A_944], %parallel_loop3A_942 : memref<24576xf32, #tpu.memory_space<vmem>>[vector<16xi32>], vector<16xf32>,
        %parallel_loop3A_945 = vector.broadcast %parallel_loop3A_932 : i32 to vector<16xi32>
        %parallel_loop3A_946 = arith.addi %rem3A_85, %parallel_loop3A_945 : vector<16xi32>
        %parallel_loop3A_947 = arith.constant 0 : i32
        %parallel_loop3A_948 = arith.constant 0 : i32
        %parallel_loop3A_949 = tpu.memref_slice %arg6[%rem3A_756, %parallel_loop3A_947, %parallel_loop3A_948] : memref<6x128x64xf32, #tpu.memory_space<vmem>> -> memref<1x128x64xf32, #tpu.memory_space<vmem>>
        %parallel_loop3A_950 = tpu.memref_squeeze %parallel_loop3A_949 : memref<1x128x64xf32, #tpu.memory_space<vmem>> -> memref<128x64xf32, #tpu.memory_space<vmem>>
        %parallel_loop3A_951 = tpu.vector_load_idx %parallel_loop3A_950[%parallel_loop3A_946, %add3A_245] : memref<128x64xf32, #tpu.memory_space<vmem>>[vector<16xi32>, vector<16xi32>], vector<16xf32>,
        %parallel_loop3A_952 = vector.broadcast %parallel_loop3A_935 : i32 to vector<16xi32>
        %parallel_loop3A_953 = arith.addi %add3A_177, %parallel_loop3A_952 : vector<16xi32>
        tpu.vector_store_idx %arg7[%parallel_loop3A_953], %parallel_loop3A_951 : memref<24576xf32, #tpu.memory_space<vmem>>[vector<16xi32>], vector<16xf32>,
        %parallel_loop3A_954 = vector.broadcast %parallel_loop3A_932 : i32 to vector<16xi32>
        %parallel_loop3A_955 = arith.addi %rem3A_91, %parallel_loop3A_954 : vector<16xi32>
        %parallel_loop3A_956 = arith.constant 0 : i32
        %parallel_loop3A_957 = arith.constant 0 : i32
        %parallel_loop3A_958 = tpu.memref_slice %arg6[%rem3A_756, %parallel_loop3A_956, %parallel_loop3A_957] : memref<6x128x64xf32, #tpu.memory_space<vmem>> -> memref<1x128x64xf32, #tpu.memory_space<vmem>>
        %parallel_loop3A_959 = tpu.memref_squeeze %parallel_loop3A_958 : memref<1x128x64xf32, #tpu.memory_space<vmem>> -> memref<128x64xf32, #tpu.memory_space<vmem>>
        %parallel_loop3A_960 = tpu.vector_load_idx %parallel_loop3A_959[%parallel_loop3A_955, %add3A_245] : memref<128x64xf32, #tpu.memory_space<vmem>>[vector<16xi32>, vector<16xi32>], vector<16xf32>,
        %parallel_loop3A_961 = vector.broadcast %parallel_loop3A_935 : i32 to vector<16xi32>
        %parallel_loop3A_962 = arith.addi %add3A_181, %parallel_loop3A_961 : vector<16xi32>
        tpu.vector_store_idx %arg7[%parallel_loop3A_962], %parallel_loop3A_960 : memref<24576xf32, #tpu.memory_space<vmem>>[vector<16xi32>], vector<16xf32>,
        %parallel_loop3A_963 = vector.broadcast %parallel_loop3A_932 : i32 to vector<16xi32>
        %parallel_loop3A_964 = arith.addi %rem3A_97, %parallel_loop3A_963 : vector<16xi32>
        %parallel_loop3A_965 = arith.constant 0 : i32
        %parallel_loop3A_966 = arith.constant 0 : i32
        %parallel_loop3A_967 = tpu.memref_slice %arg6[%rem3A_756, %parallel_loop3A_965, %parallel_loop3A_966] : memref<6x128x64xf32, #tpu.memory_space<vmem>> -> memref<1x128x64xf32, #tpu.memory_space<vmem>>
        %parallel_loop3A_968 = tpu.memref_squeeze %parallel_loop3A_967 : memref<1x128x64xf32, #tpu.memory_space<vmem>> -> memref<128x64xf32, #tpu.memory_space<vmem>>
        %parallel_loop3A_969 = tpu.vector_load_idx %parallel_loop3A_968[%parallel_loop3A_964, %add3A_245] : memref<128x64xf32, #tpu.memory_space<vmem>>[vector<16xi32>, vector<16xi32>], vector<16xf32>,
        %parallel_loop3A_970 = vector.broadcast %parallel_loop3A_935 : i32 to vector<16xi32>
        %parallel_loop3A_971 = arith.addi %add3A_185, %parallel_loop3A_970 : vector<16xi32>
        tpu.vector_store_idx %arg7[%parallel_loop3A_971], %parallel_loop3A_969 : memref<24576xf32, #tpu.memory_space<vmem>>[vector<16xi32>], vector<16xf32>,
        %parallel_loop3A_972 = vector.broadcast %parallel_loop3A_932 : i32 to vector<16xi32>
        %parallel_loop3A_973 = arith.addi %rem3A_103, %parallel_loop3A_972 : vector<16xi32>
        %parallel_loop3A_974 = arith.constant 0 : i32
        %parallel_loop3A_975 = arith.constant 0 : i32
        %parallel_loop3A_976 = tpu.memref_slice %arg6[%rem3A_756, %parallel_loop3A_974, %parallel_loop3A_975] : memref<6x128x64xf32, #tpu.memory_space<vmem>> -> memref<1x128x64xf32, #tpu.memory_space<vmem>>
        %parallel_loop3A_977 = tpu.memref_squeeze %parallel_loop3A_976 : memref<1x128x64xf32, #tpu.memory_space<vmem>> -> memref<128x64xf32, #tpu.memory_space<vmem>>
        %parallel_loop3A_978 = tpu.vector_load_idx %parallel_loop3A_977[%parallel_loop3A_973, %add3A_245] : memref<128x64xf32, #tpu.memory_space<vmem>>[vector<16xi32>, vector<16xi32>], vector<16xf32>,
        %parallel_loop3A_979 = vector.broadcast %parallel_loop3A_935 : i32 to vector<16xi32>
        %parallel_loop3A_980 = arith.addi %add3A_189, %parallel_loop3A_979 : vector<16xi32>
        tpu.vector_store_idx %arg7[%parallel_loop3A_980], %parallel_loop3A_978 : memref<24576xf32, #tpu.memory_space<vmem>>[vector<16xi32>], vector<16xf32>,
        %parallel_loop3A_981 = vector.broadcast %parallel_loop3A_932 : i32 to vector<16xi32>
        %parallel_loop3A_982 = arith.addi %rem3A_109, %parallel_loop3A_981 : vector<16xi32>
        %parallel_loop3A_983 = arith.constant 0 : i32
        %parallel_loop3A_984 = arith.constant 0 : i32
        %parallel_loop3A_985 = tpu.memref_slice %arg6[%rem3A_756, %parallel_loop3A_983, %parallel_loop3A_984] : memref<6x128x64xf32, #tpu.memory_space<vmem>> -> memref<1x128x64xf32, #tpu.memory_space<vmem>>
        %parallel_loop3A_986 = tpu.memref_squeeze %parallel_loop3A_985 : memref<1x128x64xf32, #tpu.memory_space<vmem>> -> memref<128x64xf32, #tpu.memory_space<vmem>>
        %parallel_loop3A_987 = tpu.vector_load_idx %parallel_loop3A_986[%parallel_loop3A_982, %add3A_245] : memref<128x64xf32, #tpu.memory_space<vmem>>[vector<16xi32>, vector<16xi32>], vector<16xf32>,
        %parallel_loop3A_988 = vector.broadcast %parallel_loop3A_935 : i32 to vector<16xi32>
        %parallel_loop3A_989 = arith.addi %add3A_193, %parallel_loop3A_988 : vector<16xi32>
        tpu.vector_store_idx %arg7[%parallel_loop3A_989], %parallel_loop3A_987 : memref<24576xf32, #tpu.memory_space<vmem>>[vector<16xi32>], vector<16xf32>,
        %parallel_loop3A_990 = vector.broadcast %parallel_loop3A_932 : i32 to vector<16xi32>
        %parallel_loop3A_991 = arith.addi %rem3A_115, %parallel_loop3A_990 : vector<16xi32>
        %parallel_loop3A_992 = arith.constant 0 : i32
        %parallel_loop3A_993 = arith.constant 0 : i32
        %parallel_loop3A_994 = tpu.memref_slice %arg6[%rem3A_756, %parallel_loop3A_992, %parallel_loop3A_993] : memref<6x128x64xf32, #tpu.memory_space<vmem>> -> memref<1x128x64xf32, #tpu.memory_space<vmem>>
        %parallel_loop3A_995 = tpu.memref_squeeze %parallel_loop3A_994 : memref<1x128x64xf32, #tpu.memory_space<vmem>> -> memref<128x64xf32, #tpu.memory_space<vmem>>
        %parallel_loop3A_996 = tpu.vector_load_idx %parallel_loop3A_995[%parallel_loop3A_991, %add3A_245] : memref<128x64xf32, #tpu.memory_space<vmem>>[vector<16xi32>, vector<16xi32>], vector<16xf32>,
        %parallel_loop3A_997 = vector.broadcast %parallel_loop3A_935 : i32 to vector<16xi32>
        %parallel_loop3A_998 = arith.addi %add3A_197, %parallel_loop3A_997 : vector<16xi32>
        tpu.vector_store_idx %arg7[%parallel_loop3A_998], %parallel_loop3A_996 : memref<24576xf32, #tpu.memory_space<vmem>>[vector<16xi32>], vector<16xf32>,
        %parallel_loop3A_999 = vector.broadcast %parallel_loop3A_932 : i32 to vector<16xi32>
        %parallel_loop3A_1000 = arith.addi %rem3A_121, %parallel_loop3A_999 : vector<16xi32>
        %parallel_loop3A_1001 = arith.constant 0 : i32
        %parallel_loop3A_1002 = arith.constant 0 : i32
        %parallel_loop3A_1003 = tpu.memref_slice %arg6[%rem3A_756, %parallel_loop3A_1001, %parallel_loop3A_1002] : memref<6x128x64xf32, #tpu.memory_space<vmem>> -> memref<1x128x64xf32, #tpu.memory_space<vmem>>
        %parallel_loop3A_1004 = tpu.memref_squeeze %parallel_loop3A_1003 : memref<1x128x64xf32, #tpu.memory_space<vmem>> -> memref<128x64xf32, #tpu.memory_space<vmem>>
        %parallel_loop3A_1005 = tpu.vector_load_idx %parallel_loop3A_1004[%parallel_loop3A_1000, %add3A_245] : memref<128x64xf32, #tpu.memory_space<vmem>>[vector<16xi32>, vector<16xi32>], vector<16xf32>,
        %parallel_loop3A_1006 = vector.broadcast %parallel_loop3A_935 : i32 to vector<16xi32>
        %parallel_loop3A_1007 = arith.addi %add3A_201, %parallel_loop3A_1006 : vector<16xi32>
        tpu.vector_store_idx %arg7[%parallel_loop3A_1007], %parallel_loop3A_1005 : memref<24576xf32, #tpu.memory_space<vmem>>[vector<16xi32>], vector<16xf32>,
        %parallel_loop3A_1008 = vector.broadcast %parallel_loop3A_932 : i32 to vector<16xi32>
        %parallel_loop3A_1009 = arith.addi %rem3A_127, %parallel_loop3A_1008 : vector<16xi32>
        %parallel_loop3A_1010 = arith.constant 0 : i32
        %parallel_loop3A_1011 = arith.constant 0 : i32
        %parallel_loop3A_1012 = tpu.memref_slice %arg6[%rem3A_756, %parallel_loop3A_1010, %parallel_loop3A_1011] : memref<6x128x64xf32, #tpu.memory_space<vmem>> -> memref<1x128x64xf32, #tpu.memory_space<vmem>>
        %parallel_loop3A_1013 = tpu.memref_squeeze %parallel_loop3A_1012 : memref<1x128x64xf32, #tpu.memory_space<vmem>> -> memref<128x64xf32, #tpu.memory_space<vmem>>
        %parallel_loop3A_1014 = tpu.vector_load_idx %parallel_loop3A_1013[%parallel_loop3A_1009, %add3A_245] : memref<128x64xf32, #tpu.memory_space<vmem>>[vector<16xi32>, vector<16xi32>], vector<16xf32>,
        %parallel_loop3A_1015 = vector.broadcast %parallel_loop3A_935 : i32 to vector<16xi32>
        %parallel_loop3A_1016 = arith.addi %add3A_205, %parallel_loop3A_1015 : vector<16xi32>
        tpu.vector_store_idx %arg7[%parallel_loop3A_1016], %parallel_loop3A_1014 : memref<24576xf32, #tpu.memory_space<vmem>>[vector<16xi32>], vector<16xf32>,
        %parallel_loop3A_1017 = vector.broadcast %parallel_loop3A_932 : i32 to vector<16xi32>
        %parallel_loop3A_1018 = arith.addi %rem3A_133, %parallel_loop3A_1017 : vector<16xi32>
        %parallel_loop3A_1019 = arith.constant 0 : i32
        %parallel_loop3A_1020 = arith.constant 0 : i32
        %parallel_loop3A_1021 = tpu.memref_slice %arg6[%rem3A_756, %parallel_loop3A_1019, %parallel_loop3A_1020] : memref<6x128x64xf32, #tpu.memory_space<vmem>> -> memref<1x128x64xf32, #tpu.memory_space<vmem>>
        %parallel_loop3A_1022 = tpu.memref_squeeze %parallel_loop3A_1021 : memref<1x128x64xf32, #tpu.memory_space<vmem>> -> memref<128x64xf32, #tpu.memory_space<vmem>>
        %parallel_loop3A_1023 = tpu.vector_load_idx %parallel_loop3A_1022[%parallel_loop3A_1018, %add3A_245] : memref<128x64xf32, #tpu.memory_space<vmem>>[vector<16xi32>, vector<16xi32>], vector<16xf32>,
        %parallel_loop3A_1024 = vector.broadcast %parallel_loop3A_935 : i32 to vector<16xi32>
        %parallel_loop3A_1025 = arith.addi %add3A_209, %parallel_loop3A_1024 : vector<16xi32>
        tpu.vector_store_idx %arg7[%parallel_loop3A_1025], %parallel_loop3A_1023 : memref<24576xf32, #tpu.memory_space<vmem>>[vector<16xi32>], vector<16xf32>,
        %parallel_loop3A_1026 = vector.broadcast %parallel_loop3A_932 : i32 to vector<16xi32>
        %parallel_loop3A_1027 = arith.addi %rem3A_139, %parallel_loop3A_1026 : vector<16xi32>
        %parallel_loop3A_1028 = arith.constant 0 : i32
        %parallel_loop3A_1029 = arith.constant 0 : i32
        %parallel_loop3A_1030 = tpu.memref_slice %arg6[%rem3A_756, %parallel_loop3A_1028, %parallel_loop3A_1029] : memref<6x128x64xf32, #tpu.memory_space<vmem>> -> memref<1x128x64xf32, #tpu.memory_space<vmem>>
        %parallel_loop3A_1031 = tpu.memref_squeeze %parallel_loop3A_1030 : memref<1x128x64xf32, #tpu.memory_space<vmem>> -> memref<128x64xf32, #tpu.memory_space<vmem>>
        %parallel_loop3A_1032 = tpu.vector_load_idx %parallel_loop3A_1031[%parallel_loop3A_1027, %add3A_245] : memref<128x64xf32, #tpu.memory_space<vmem>>[vector<16xi32>, vector<16xi32>], vector<16xf32>,
        %parallel_loop3A_1033 = vector.broadcast %parallel_loop3A_935 : i32 to vector<16xi32>
        %parallel_loop3A_1034 = arith.addi %add3A_213, %parallel_loop3A_1033 : vector<16xi32>
        tpu.vector_store_idx %arg7[%parallel_loop3A_1034], %parallel_loop3A_1032 : memref<24576xf32, #tpu.memory_space<vmem>>[vector<16xi32>], vector<16xf32>,
        %parallel_loop3A_1035 = vector.broadcast %parallel_loop3A_932 : i32 to vector<16xi32>
        %parallel_loop3A_1036 = arith.addi %rem3A_145, %parallel_loop3A_1035 : vector<16xi32>
        %parallel_loop3A_1037 = arith.constant 0 : i32
        %parallel_loop3A_1038 = arith.constant 0 : i32
        %parallel_loop3A_1039 = tpu.memref_slice %arg6[%rem3A_756, %parallel_loop3A_1037, %parallel_loop3A_1038] : memref<6x128x64xf32, #tpu.memory_space<vmem>> -> memref<1x128x64xf32, #tpu.memory_space<vmem>>
        %parallel_loop3A_1040 = tpu.memref_squeeze %parallel_loop3A_1039 : memref<1x128x64xf32, #tpu.memory_space<vmem>> -> memref<128x64xf32, #tpu.memory_space<vmem>>
        %parallel_loop3A_1041 = tpu.vector_load_idx %parallel_loop3A_1040[%parallel_loop3A_1036, %add3A_245] : memref<128x64xf32, #tpu.memory_space<vmem>>[vector<16xi32>, vector<16xi32>], vector<16xf32>,
        %parallel_loop3A_1042 = vector.broadcast %parallel_loop3A_935 : i32 to vector<16xi32>
        %parallel_loop3A_1043 = arith.addi %add3A_217, %parallel_loop3A_1042 : vector<16xi32>
        tpu.vector_store_idx %arg7[%parallel_loop3A_1043], %parallel_loop3A_1041 : memref<24576xf32, #tpu.memory_space<vmem>>[vector<16xi32>], vector<16xf32>,
        %parallel_loop3A_1044 = vector.broadcast %parallel_loop3A_932 : i32 to vector<16xi32>
        %parallel_loop3A_1045 = arith.addi %rem3A_151, %parallel_loop3A_1044 : vector<16xi32>
        %parallel_loop3A_1046 = arith.constant 0 : i32
        %parallel_loop3A_1047 = arith.constant 0 : i32
        %parallel_loop3A_1048 = tpu.memref_slice %arg6[%rem3A_756, %parallel_loop3A_1046, %parallel_loop3A_1047] : memref<6x128x64xf32, #tpu.memory_space<vmem>> -> memref<1x128x64xf32, #tpu.memory_space<vmem>>
        %parallel_loop3A_1049 = tpu.memref_squeeze %parallel_loop3A_1048 : memref<1x128x64xf32, #tpu.memory_space<vmem>> -> memref<128x64xf32, #tpu.memory_space<vmem>>
        %parallel_loop3A_1050 = tpu.vector_load_idx %parallel_loop3A_1049[%parallel_loop3A_1045, %add3A_245] : memref<128x64xf32, #tpu.memory_space<vmem>>[vector<16xi32>, vector<16xi32>], vector<16xf32>,
        %parallel_loop3A_1051 = vector.broadcast %parallel_loop3A_935 : i32 to vector<16xi32>
        %parallel_loop3A_1052 = arith.addi %add3A_221, %parallel_loop3A_1051 : vector<16xi32>
        tpu.vector_store_idx %arg7[%parallel_loop3A_1052], %parallel_loop3A_1050 : memref<24576xf32, #tpu.memory_space<vmem>>[vector<16xi32>], vector<16xf32>,
        %parallel_loop3A_1053 = vector.broadcast %parallel_loop3A_932 : i32 to vector<16xi32>
        %parallel_loop3A_1054 = arith.addi %rem3A_157, %parallel_loop3A_1053 : vector<16xi32>
        %parallel_loop3A_1055 = arith.constant 0 : i32
        %parallel_loop3A_1056 = arith.constant 0 : i32
        %parallel_loop3A_1057 = tpu.memref_slice %arg6[%rem3A_756, %parallel_loop3A_1055, %parallel_loop3A_1056] : memref<6x128x64xf32, #tpu.memory_space<vmem>> -> memref<1x128x64xf32, #tpu.memory_space<vmem>>
        %parallel_loop3A_1058 = tpu.memref_squeeze %parallel_loop3A_1057 : memref<1x128x64xf32, #tpu.memory_space<vmem>> -> memref<128x64xf32, #tpu.memory_space<vmem>>
        %parallel_loop3A_1059 = tpu.vector_load_idx %parallel_loop3A_1058[%parallel_loop3A_1054, %add3A_245] : memref<128x64xf32, #tpu.memory_space<vmem>>[vector<16xi32>, vector<16xi32>], vector<16xf32>,
        %parallel_loop3A_1060 = vector.broadcast %parallel_loop3A_935 : i32 to vector<16xi32>
        %parallel_loop3A_1061 = arith.addi %add3A_225, %parallel_loop3A_1060 : vector<16xi32>
        tpu.vector_store_idx %arg7[%parallel_loop3A_1061], %parallel_loop3A_1059 : memref<24576xf32, #tpu.memory_space<vmem>>[vector<16xi32>], vector<16xf32>,
        %parallel_loop3A_1062 = vector.broadcast %parallel_loop3A_932 : i32 to vector<16xi32>
        %parallel_loop3A_1063 = arith.addi %rem3A_163, %parallel_loop3A_1062 : vector<16xi32>
        %parallel_loop3A_1064 = arith.constant 0 : i32
        %parallel_loop3A_1065 = arith.constant 0 : i32
        %parallel_loop3A_1066 = tpu.memref_slice %arg6[%rem3A_756, %parallel_loop3A_1064, %parallel_loop3A_1065] : memref<6x128x64xf32, #tpu.memory_space<vmem>> -> memref<1x128x64xf32, #tpu.memory_space<vmem>>
        %parallel_loop3A_1067 = tpu.memref_squeeze %parallel_loop3A_1066 : memref<1x128x64xf32, #tpu.memory_space<vmem>> -> memref<128x64xf32, #tpu.memory_space<vmem>>
        %parallel_loop3A_1068 = tpu.vector_load_idx %parallel_loop3A_1067[%parallel_loop3A_1063, %add3A_245] : memref<128x64xf32, #tpu.memory_space<vmem>>[vector<16xi32>, vector<16xi32>], vector<16xf32>,
        %parallel_loop3A_1069 = vector.broadcast %parallel_loop3A_935 : i32 to vector<16xi32>
        %parallel_loop3A_1070 = arith.addi %add3A_229, %parallel_loop3A_1069 : vector<16xi32>
        tpu.vector_store_idx %arg7[%parallel_loop3A_1070], %parallel_loop3A_1068 : memref<24576xf32, #tpu.memory_space<vmem>>[vector<16xi32>], vector<16xf32>,
        %parallel_loop3A_1071 = vector.broadcast %parallel_loop3A_932 : i32 to vector<16xi32>
        %parallel_loop3A_1072 = arith.addi %rem3A_169, %parallel_loop3A_1071 : vector<16xi32>
        %parallel_loop3A_1073 = arith.constant 0 : i32
        %parallel_loop3A_1074 = arith.constant 0 : i32
        %parallel_loop3A_1075 = tpu.memref_slice %arg6[%rem3A_756, %parallel_loop3A_1073, %parallel_loop3A_1074] : memref<6x128x64xf32, #tpu.memory_space<vmem>> -> memref<1x128x64xf32, #tpu.memory_space<vmem>>
        %parallel_loop3A_1076 = tpu.memref_squeeze %parallel_loop3A_1075 : memref<1x128x64xf32, #tpu.memory_space<vmem>> -> memref<128x64xf32, #tpu.memory_space<vmem>>
        %parallel_loop3A_1077 = tpu.vector_load_idx %parallel_loop3A_1076[%parallel_loop3A_1072, %add3A_245] : memref<128x64xf32, #tpu.memory_space<vmem>>[vector<16xi32>, vector<16xi32>], vector<16xf32>,
        %parallel_loop3A_1078 = vector.broadcast %parallel_loop3A_935 : i32 to vector<16xi32>
        %parallel_loop3A_1079 = arith.addi %add3A_233, %parallel_loop3A_1078 : vector<16xi32>
        tpu.vector_store_idx %arg7[%parallel_loop3A_1079], %parallel_loop3A_1077 : memref<24576xf32, #tpu.memory_space<vmem>>[vector<16xi32>], vector<16xf32>,
      } {sc.loop_unroll_factor = 4 : i64, sc.parallel_access}
      %mul3A_788 = arith.constant 64 : i32
      %mul3A_789 = arith.muli %rem3A_758, %mul3A_788 : i32
      %mul3A_790 = arith.constant 128 : i32
      %mul3A_791 = arith.muli %mul3A_789, %mul3A_790 : i32
      %add3A_792 = arith.constant 0 : i32
      %add3A_793 = arith.addi %mul3A_791, %add3A_792 : i32
      %dma_start3A_794 = arith.constant 0 : i32
      %dma_start3A_795 = tpu.memref_slice %arg7[%add3A_793] : memref<24576xf32, #tpu.memory_space<vmem>> -> memref<1024xf32, #tpu.memory_space<vmem>>
      %dma_start3A_796 = arith.constant 0 : i32
      %dma_start3A_797 = tpu.memref_slice %arg4[%scan3A_754, %dma_start3A_794, %add3A, %dma_start3A_796] : memref<200x8x32x1024xf32, #tpu.memory_space<hbm>> -> memref<1x1x1x1024xf32, #tpu.memory_space<hbm>>
      %dma_start3A_798 = tpu.memref_squeeze %dma_start3A_797 : memref<1x1x1x1024xf32, #tpu.memory_space<hbm>> -> memref<1024xf32, #tpu.memory_space<hbm>>
      %dma_start3A_799 = tpu.memref_slice %arg9[%rem3A_758] : memref<3x!tpu.dma_semaphore, #tpu.memory_space<semaphore_mem>> -> memref<1x!tpu.dma_semaphore, #tpu.memory_space<semaphore_mem>>
      %dma_start3A_800 = tpu.memref_squeeze %dma_start3A_799 : memref<1x!tpu.dma_semaphore, #tpu.memory_space<semaphore_mem>> -> memref<!tpu.dma_semaphore, #tpu.memory_space<semaphore_mem>>
      %dma_start3A_801 = arith.constant 0 : i32
      %dma_start3A_802 = tpu.memref_slice %arg4[%scan3A_754, %dma_start3A_794, %add3A, %dma_start3A_801] : memref<200x8x32x1024xf32, #tpu.memory_space<hbm>> -> memref<1x1x1x1024xf32, #tpu.memory_space<hbm>>
      %dma_start3A_803 = tpu.memref_squeeze %dma_start3A_802 : memref<1x1x1x1024xf32, #tpu.memory_space<hbm>> -> memref<1024xf32, #tpu.memory_space<hbm>>
      %dma_start3A_804 = tpu.memref_slice %arg7[%add3A_793] : memref<24576xf32, #tpu.memory_space<vmem>> -> memref<1024xf32, #tpu.memory_space<vmem>>
      tpu.enqueue_dma source(%dma_start3A_804 : memref<1024xf32, #tpu.memory_space<vmem>>) target(%dma_start3A_803 : memref<1024xf32, #tpu.memory_space<hbm>>) target_semaphore(%dma_start3A_800 : memref<!tpu.dma_semaphore, #tpu.memory_space<semaphore_mem>>)
      %mul3A_805 = arith.constant 64 : i32
      %mul3A_806 = arith.muli %rem3A_758, %mul3A_805 : i32
      %mul3A_807 = arith.constant 128 : i32
      %mul3A_808 = arith.muli %mul3A_806, %mul3A_807 : i32
      %add3A_809 = arith.constant 1024 : i32
      %add3A_810 = arith.addi %mul3A_808, %add3A_809 : i32
      %dma_start3A_811 = arith.constant 1 : i32
      %dma_start3A_812 = tpu.memref_slice %arg7[%add3A_810] : memref<24576xf32, #tpu.memory_space<vmem>> -> memref<1024xf32, #tpu.memory_space<vmem>>
      %dma_start3A_813 = arith.constant 0 : i32
      %dma_start3A_814 = tpu.memref_slice %arg4[%scan3A_754, %dma_start3A_811, %add3A, %dma_start3A_813] : memref<200x8x32x1024xf32, #tpu.memory_space<hbm>> -> memref<1x1x1x1024xf32, #tpu.memory_space<hbm>>
      %dma_start3A_815 = tpu.memref_squeeze %dma_start3A_814 : memref<1x1x1x1024xf32, #tpu.memory_space<hbm>> -> memref<1024xf32, #tpu.memory_space<hbm>>
      %dma_start3A_816 = tpu.memref_slice %arg9[%rem3A_758] : memref<3x!tpu.dma_semaphore, #tpu.memory_space<semaphore_mem>> -> memref<1x!tpu.dma_semaphore, #tpu.memory_space<semaphore_mem>>
      %dma_start3A_817 = tpu.memref_squeeze %dma_start3A_816 : memref<1x!tpu.dma_semaphore, #tpu.memory_space<semaphore_mem>> -> memref<!tpu.dma_semaphore, #tpu.memory_space<semaphore_mem>>
      %dma_start3A_818 = arith.constant 0 : i32
      %dma_start3A_819 = tpu.memref_slice %arg4[%scan3A_754, %dma_start3A_811, %add3A, %dma_start3A_818] : memref<200x8x32x1024xf32, #tpu.memory_space<hbm>> -> memref<1x1x1x1024xf32, #tpu.memory_space<hbm>>
      %dma_start3A_820 = tpu.memref_squeeze %dma_start3A_819 : memref<1x1x1x1024xf32, #tpu.memory_space<hbm>> -> memref<1024xf32, #tpu.memory_space<hbm>>
      %dma_start3A_821 = tpu.memref_slice %arg7[%add3A_810] : memref<24576xf32, #tpu.memory_space<vmem>> -> memref<1024xf32, #tpu.memory_space<vmem>>
      tpu.enqueue_dma source(%dma_start3A_821 : memref<1024xf32, #tpu.memory_space<vmem>>) target(%dma_start3A_820 : memref<1024xf32, #tpu.memory_space<hbm>>) target_semaphore(%dma_start3A_817 : memref<!tpu.dma_semaphore, #tpu.memory_space<semaphore_mem>>)
      %mul3A_822 = arith.constant 64 : i32
      %mul3A_823 = arith.muli %rem3A_758, %mul3A_822 : i32
      %mul3A_824 = arith.constant 128 : i32
      %mul3A_825 = arith.muli %mul3A_823, %mul3A_824 : i32
      %add3A_826 = arith.constant 2048 : i32
      %add3A_827 = arith.addi %mul3A_825, %add3A_826 : i32
      %dma_start3A_828 = arith.constant 2 : i32
      %dma_start3A_829 = tpu.memref_slice %arg7[%add3A_827] : memref<24576xf32, #tpu.memory_space<vmem>> -> memref<1024xf32, #tpu.memory_space<vmem>>
      %dma_start3A_830 = arith.constant 0 : i32
      %dma_start3A_831 = tpu.memref_slice %arg4[%scan3A_754, %dma_start3A_828, %add3A, %dma_start3A_830] : memref<200x8x32x1024xf32, #tpu.memory_space<hbm>> -> memref<1x1x1x1024xf32, #tpu.memory_space<hbm>>
      %dma_start3A_832 = tpu.memref_squeeze %dma_start3A_831 : memref<1x1x1x1024xf32, #tpu.memory_space<hbm>> -> memref<1024xf32, #tpu.memory_space<hbm>>
      %dma_start3A_833 = tpu.memref_slice %arg9[%rem3A_758] : memref<3x!tpu.dma_semaphore, #tpu.memory_space<semaphore_mem>> -> memref<1x!tpu.dma_semaphore, #tpu.memory_space<semaphore_mem>>
      %dma_start3A_834 = tpu.memref_squeeze %dma_start3A_833 : memref<1x!tpu.dma_semaphore, #tpu.memory_space<semaphore_mem>> -> memref<!tpu.dma_semaphore, #tpu.memory_space<semaphore_mem>>
      %dma_start3A_835 = arith.constant 0 : i32
      %dma_start3A_836 = tpu.memref_slice %arg4[%scan3A_754, %dma_start3A_828, %add3A, %dma_start3A_835] : memref<200x8x32x1024xf32, #tpu.memory_space<hbm>> -> memref<1x1x1x1024xf32, #tpu.memory_space<hbm>>
      %dma_start3A_837 = tpu.memref_squeeze %dma_start3A_836 : memref<1x1x1x1024xf32, #tpu.memory_space<hbm>> -> memref<1024xf32, #tpu.memory_space<hbm>>
      %dma_start3A_838 = tpu.memref_slice %arg7[%add3A_827] : memref<24576xf32, #tpu.memory_space<vmem>> -> memref<1024xf32, #tpu.memory_space<vmem>>
      tpu.enqueue_dma source(%dma_start3A_838 : memref<1024xf32, #tpu.memory_space<vmem>>) target(%dma_start3A_837 : memref<1024xf32, #tpu.memory_space<hbm>>) target_semaphore(%dma_start3A_834 : memref<!tpu.dma_semaphore, #tpu.memory_space<semaphore_mem>>)
      %mul3A_839 = arith.constant 64 : i32
      %mul3A_840 = arith.muli %rem3A_758, %mul3A_839 : i32
      %mul3A_841 = arith.constant 128 : i32
      %mul3A_842 = arith.muli %mul3A_840, %mul3A_841 : i32
      %add3A_843 = arith.constant 3072 : i32
      %add3A_844 = arith.addi %mul3A_842, %add3A_843 : i32
      %dma_start3A_845 = arith.constant 3 : i32
      %dma_start3A_846 = tpu.memref_slice %arg7[%add3A_844] : memref<24576xf32, #tpu.memory_space<vmem>> -> memref<1024xf32, #tpu.memory_space<vmem>>
      %dma_start3A_847 = arith.constant 0 : i32
      %dma_start3A_848 = tpu.memref_slice %arg4[%scan3A_754, %dma_start3A_845, %add3A, %dma_start3A_847] : memref<200x8x32x1024xf32, #tpu.memory_space<hbm>> -> memref<1x1x1x1024xf32, #tpu.memory_space<hbm>>
      %dma_start3A_849 = tpu.memref_squeeze %dma_start3A_848 : memref<1x1x1x1024xf32, #tpu.memory_space<hbm>> -> memref<1024xf32, #tpu.memory_space<hbm>>
      %dma_start3A_850 = tpu.memref_slice %arg9[%rem3A_758] : memref<3x!tpu.dma_semaphore, #tpu.memory_space<semaphore_mem>> -> memref<1x!tpu.dma_semaphore, #tpu.memory_space<semaphore_mem>>
      %dma_start3A_851 = tpu.memref_squeeze %dma_start3A_850 : memref<1x!tpu.dma_semaphore, #tpu.memory_space<semaphore_mem>> -> memref<!tpu.dma_semaphore, #tpu.memory_space<semaphore_mem>>
      %dma_start3A_852 = arith.constant 0 : i32
      %dma_start3A_853 = tpu.memref_slice %arg4[%scan3A_754, %dma_start3A_845, %add3A, %dma_start3A_852] : memref<200x8x32x1024xf32, #tpu.memory_space<hbm>> -> memref<1x1x1x1024xf32, #tpu.memory_space<hbm>>
      %dma_start3A_854 = tpu.memref_squeeze %dma_start3A_853 : memref<1x1x1x1024xf32, #tpu.memory_space<hbm>> -> memref<1024xf32, #tpu.memory_space<hbm>>
      %dma_start3A_855 = tpu.memref_slice %arg7[%add3A_844] : memref<24576xf32, #tpu.memory_space<vmem>> -> memref<1024xf32, #tpu.memory_space<vmem>>
      tpu.enqueue_dma source(%dma_start3A_855 : memref<1024xf32, #tpu.memory_space<vmem>>) target(%dma_start3A_854 : memref<1024xf32, #tpu.memory_space<hbm>>) target_semaphore(%dma_start3A_851 : memref<!tpu.dma_semaphore, #tpu.memory_space<semaphore_mem>>)
      %mul3A_856 = arith.constant 64 : i32
      %mul3A_857 = arith.muli %rem3A_758, %mul3A_856 : i32
      %mul3A_858 = arith.constant 128 : i32
      %mul3A_859 = arith.muli %mul3A_857, %mul3A_858 : i32
      %add3A_860 = arith.constant 4096 : i32
      %add3A_861 = arith.addi %mul3A_859, %add3A_860 : i32
      %dma_start3A_862 = arith.constant 4 : i32
      %dma_start3A_863 = tpu.memref_slice %arg7[%add3A_861] : memref<24576xf32, #tpu.memory_space<vmem>> -> memref<1024xf32, #tpu.memory_space<vmem>>
      %dma_start3A_864 = arith.constant 0 : i32
      %dma_start3A_865 = tpu.memref_slice %arg4[%scan3A_754, %dma_start3A_862, %add3A, %dma_start3A_864] : memref<200x8x32x1024xf32, #tpu.memory_space<hbm>> -> memref<1x1x1x1024xf32, #tpu.memory_space<hbm>>
      %dma_start3A_866 = tpu.memref_squeeze %dma_start3A_865 : memref<1x1x1x1024xf32, #tpu.memory_space<hbm>> -> memref<1024xf32, #tpu.memory_space<hbm>>
      %dma_start3A_867 = tpu.memref_slice %arg9[%rem3A_758] : memref<3x!tpu.dma_semaphore, #tpu.memory_space<semaphore_mem>> -> memref<1x!tpu.dma_semaphore, #tpu.memory_space<semaphore_mem>>
      %dma_start3A_868 = tpu.memref_squeeze %dma_start3A_867 : memref<1x!tpu.dma_semaphore, #tpu.memory_space<semaphore_mem>> -> memref<!tpu.dma_semaphore, #tpu.memory_space<semaphore_mem>>
      %dma_start3A_869 = arith.constant 0 : i32
      %dma_start3A_870 = tpu.memref_slice %arg4[%scan3A_754, %dma_start3A_862, %add3A, %dma_start3A_869] : memref<200x8x32x1024xf32, #tpu.memory_space<hbm>> -> memref<1x1x1x1024xf32, #tpu.memory_space<hbm>>
      %dma_start3A_871 = tpu.memref_squeeze %dma_start3A_870 : memref<1x1x1x1024xf32, #tpu.memory_space<hbm>> -> memref<1024xf32, #tpu.memory_space<hbm>>
      %dma_start3A_872 = tpu.memref_slice %arg7[%add3A_861] : memref<24576xf32, #tpu.memory_space<vmem>> -> memref<1024xf32, #tpu.memory_space<vmem>>
      tpu.enqueue_dma source(%dma_start3A_872 : memref<1024xf32, #tpu.memory_space<vmem>>) target(%dma_start3A_871 : memref<1024xf32, #tpu.memory_space<hbm>>) target_semaphore(%dma_start3A_868 : memref<!tpu.dma_semaphore, #tpu.memory_space<semaphore_mem>>)
      %mul3A_873 = arith.constant 64 : i32
      %mul3A_874 = arith.muli %rem3A_758, %mul3A_873 : i32
      %mul3A_875 = arith.constant 128 : i32
      %mul3A_876 = arith.muli %mul3A_874, %mul3A_875 : i32
      %add3A_877 = arith.constant 5120 : i32
      %add3A_878 = arith.addi %mul3A_876, %add3A_877 : i32
      %dma_start3A_879 = arith.constant 5 : i32
      %dma_start3A_880 = tpu.memref_slice %arg7[%add3A_878] : memref<24576xf32, #tpu.memory_space<vmem>> -> memref<1024xf32, #tpu.memory_space<vmem>>
      %dma_start3A_881 = arith.constant 0 : i32
      %dma_start3A_882 = tpu.memref_slice %arg4[%scan3A_754, %dma_start3A_879, %add3A, %dma_start3A_881] : memref<200x8x32x1024xf32, #tpu.memory_space<hbm>> -> memref<1x1x1x1024xf32, #tpu.memory_space<hbm>>
      %dma_start3A_883 = tpu.memref_squeeze %dma_start3A_882 : memref<1x1x1x1024xf32, #tpu.memory_space<hbm>> -> memref<1024xf32, #tpu.memory_space<hbm>>
      %dma_start3A_884 = tpu.memref_slice %arg9[%rem3A_758] : memref<3x!tpu.dma_semaphore, #tpu.memory_space<semaphore_mem>> -> memref<1x!tpu.dma_semaphore, #tpu.memory_space<semaphore_mem>>
      %dma_start3A_885 = tpu.memref_squeeze %dma_start3A_884 : memref<1x!tpu.dma_semaphore, #tpu.memory_space<semaphore_mem>> -> memref<!tpu.dma_semaphore, #tpu.memory_space<semaphore_mem>>
      %dma_start3A_886 = arith.constant 0 : i32
      %dma_start3A_887 = tpu.memref_slice %arg4[%scan3A_754, %dma_start3A_879, %add3A, %dma_start3A_886] : memref<200x8x32x1024xf32, #tpu.memory_space<hbm>> -> memref<1x1x1x1024xf32, #tpu.memory_space<hbm>>
      %dma_start3A_888 = tpu.memref_squeeze %dma_start3A_887 : memref<1x1x1x1024xf32, #tpu.memory_space<hbm>> -> memref<1024xf32, #tpu.memory_space<hbm>>
      %dma_start3A_889 = tpu.memref_slice %arg7[%add3A_878] : memref<24576xf32, #tpu.memory_space<vmem>> -> memref<1024xf32, #tpu.memory_space<vmem>>
      tpu.enqueue_dma source(%dma_start3A_889 : memref<1024xf32, #tpu.memory_space<vmem>>) target(%dma_start3A_888 : memref<1024xf32, #tpu.memory_space<hbm>>) target_semaphore(%dma_start3A_885 : memref<!tpu.dma_semaphore, #tpu.memory_space<semaphore_mem>>)
      %mul3A_890 = arith.constant 64 : i32
      %mul3A_891 = arith.muli %rem3A_758, %mul3A_890 : i32
      %mul3A_892 = arith.constant 128 : i32
      %mul3A_893 = arith.muli %mul3A_891, %mul3A_892 : i32
      %add3A_894 = arith.constant 6144 : i32
      %add3A_895 = arith.addi %mul3A_893, %add3A_894 : i32
      %dma_start3A_896 = arith.constant 6 : i32
      %dma_start3A_897 = tpu.memref_slice %arg7[%add3A_895] : memref<24576xf32, #tpu.memory_space<vmem>> -> memref<1024xf32, #tpu.memory_space<vmem>>
      %dma_start3A_898 = arith.constant 0 : i32
      %dma_start3A_899 = tpu.memref_slice %arg4[%scan3A_754, %dma_start3A_896, %add3A, %dma_start3A_898] : memref<200x8x32x1024xf32, #tpu.memory_space<hbm>> -> memref<1x1x1x1024xf32, #tpu.memory_space<hbm>>
      %dma_start3A_900 = tpu.memref_squeeze %dma_start3A_899 : memref<1x1x1x1024xf32, #tpu.memory_space<hbm>> -> memref<1024xf32, #tpu.memory_space<hbm>>
      %dma_start3A_901 = tpu.memref_slice %arg9[%rem3A_758] : memref<3x!tpu.dma_semaphore, #tpu.memory_space<semaphore_mem>> -> memref<1x!tpu.dma_semaphore, #tpu.memory_space<semaphore_mem>>
      %dma_start3A_902 = tpu.memref_squeeze %dma_start3A_901 : memref<1x!tpu.dma_semaphore, #tpu.memory_space<semaphore_mem>> -> memref<!tpu.dma_semaphore, #tpu.memory_space<semaphore_mem>>
      %dma_start3A_903 = arith.constant 0 : i32
      %dma_start3A_904 = tpu.memref_slice %arg4[%scan3A_754, %dma_start3A_896, %add3A, %dma_start3A_903] : memref<200x8x32x1024xf32, #tpu.memory_space<hbm>> -> memref<1x1x1x1024xf32, #tpu.memory_space<hbm>>
      %dma_start3A_905 = tpu.memref_squeeze %dma_start3A_904 : memref<1x1x1x1024xf32, #tpu.memory_space<hbm>> -> memref<1024xf32, #tpu.memory_space<hbm>>
      %dma_start3A_906 = tpu.memref_slice %arg7[%add3A_895] : memref<24576xf32, #tpu.memory_space<vmem>> -> memref<1024xf32, #tpu.memory_space<vmem>>
      tpu.enqueue_dma source(%dma_start3A_906 : memref<1024xf32, #tpu.memory_space<vmem>>) target(%dma_start3A_905 : memref<1024xf32, #tpu.memory_space<hbm>>) target_semaphore(%dma_start3A_902 : memref<!tpu.dma_semaphore, #tpu.memory_space<semaphore_mem>>)
      %mul3A_907 = arith.constant 64 : i32
      %mul3A_908 = arith.muli %rem3A_758, %mul3A_907 : i32
      %mul3A_909 = arith.constant 128 : i32
      %mul3A_910 = arith.muli %mul3A_908, %mul3A_909 : i32
      %add3A_911 = arith.constant 7168 : i32
      %add3A_912 = arith.addi %mul3A_910, %add3A_911 : i32
      %dma_start3A_913 = arith.constant 7 : i32
      %dma_start3A_914 = tpu.memref_slice %arg7[%add3A_912] : memref<24576xf32, #tpu.memory_space<vmem>> -> memref<1024xf32, #tpu.memory_space<vmem>>
      %dma_start3A_915 = arith.constant 0 : i32
      %dma_start3A_916 = tpu.memref_slice %arg4[%scan3A_754, %dma_start3A_913, %add3A, %dma_start3A_915] : memref<200x8x32x1024xf32, #tpu.memory_space<hbm>> -> memref<1x1x1x1024xf32, #tpu.memory_space<hbm>>
      %dma_start3A_917 = tpu.memref_squeeze %dma_start3A_916 : memref<1x1x1x1024xf32, #tpu.memory_space<hbm>> -> memref<1024xf32, #tpu.memory_space<hbm>>
      %dma_start3A_918 = tpu.memref_slice %arg9[%rem3A_758] : memref<3x!tpu.dma_semaphore, #tpu.memory_space<semaphore_mem>> -> memref<1x!tpu.dma_semaphore, #tpu.memory_space<semaphore_mem>>
      %dma_start3A_919 = tpu.memref_squeeze %dma_start3A_918 : memref<1x!tpu.dma_semaphore, #tpu.memory_space<semaphore_mem>> -> memref<!tpu.dma_semaphore, #tpu.memory_space<semaphore_mem>>
      %dma_start3A_920 = arith.constant 0 : i32
      %dma_start3A_921 = tpu.memref_slice %arg4[%scan3A_754, %dma_start3A_913, %add3A, %dma_start3A_920] : memref<200x8x32x1024xf32, #tpu.memory_space<hbm>> -> memref<1x1x1x1024xf32, #tpu.memory_space<hbm>>
      %dma_start3A_922 = tpu.memref_squeeze %dma_start3A_921 : memref<1x1x1x1024xf32, #tpu.memory_space<hbm>> -> memref<1024xf32, #tpu.memory_space<hbm>>
      %dma_start3A_923 = tpu.memref_slice %arg7[%add3A_912] : memref<24576xf32, #tpu.memory_space<vmem>> -> memref<1024xf32, #tpu.memory_space<vmem>>
      tpu.enqueue_dma source(%dma_start3A_923 : memref<1024xf32, #tpu.memory_space<vmem>>) target(%dma_start3A_922 : memref<1024xf32, #tpu.memory_space<hbm>>) target_semaphore(%dma_start3A_919 : memref<!tpu.dma_semaphore, #tpu.memory_space<semaphore_mem>>)
      %add3A_924 = arith.constant 5 : i32
      %add3A_925 = arith.addi %scan3A_754, %add3A_924 : i32
      %lt3A = arith.constant 200 : i32
      %lt3A_926 = arith.cmpi slt, %add3A_925, %lt3A : i32
      %convert_element_type3A_927 = arith.extui %lt3A_926 : i1 to i32
      %cond3A_928 = arith.constant 0 : i32
      %cond3A_929 = arith.cmpi ne, %convert_element_type3A_927, %cond3A_928 : i32
      scf.if %cond3A_929 {
        %rem3A_930 = arith.constant 6 : i32
        %rem3A_931 = arith.remsi %add3A_925, %rem3A_930 : i32
        %dma_start3A_932 = arith.constant 0 : i32
        %dma_start3A_933 = arith.constant 0 : i32
        %dma_start3A_934 = tpu.memref_slice %arg6[%rem3A_931, %dma_start3A_932, %dma_start3A_933] : memref<6x128x64xf32, #tpu.memory_space<vmem>> -> memref<1x128x64xf32, #tpu.memory_space<vmem>>
        %dma_start3A_935 = tpu.memref_squeeze %dma_start3A_934 : memref<1x128x64xf32, #tpu.memory_space<vmem>> -> memref<128x64xf32, #tpu.memory_space<vmem>>
        %dma_start3A_936 = arith.constant 0 : i32
        %dma_start3A_937 = tpu.memref_slice %arg5[%add3A_925, %dma_start3A_936] : memref<200x128xi32, #tpu.memory_space<vmem>> -> memref<1x128xi32, #tpu.memory_space<vmem>>
        %dma_start3A_938 = tpu.memref_squeeze %dma_start3A_937 : memref<1x128xi32, #tpu.memory_space<vmem>> -> memref<128xi32, #tpu.memory_space<vmem>>
        %dma_start3A_939 = arith.constant 0 : i32
        %dma_start3A_940 = arith.constant 0 : i32
        %dma_start3A_941 = tpu.memref_slice %arg2[%dma_start3A_939, %dma_start3A_940] : memref<1000000x64xf32, #tpu.memory_space<hbm>> -> memref<1000000x64xf32, #tpu.memory_space<hbm>>
        %dma_start3A_942 = tpu.memref_slice %arg8[%rem3A_931] : memref<6x!tpu.dma_semaphore, #tpu.memory_space<semaphore_mem>> -> memref<1x!tpu.dma_semaphore, #tpu.memory_space<semaphore_mem>>
        %dma_start3A_943 = tpu.memref_squeeze %dma_start3A_942 : memref<1x!tpu.dma_semaphore, #tpu.memory_space<semaphore_mem>> -> memref<!tpu.dma_semaphore, #tpu.memory_space<semaphore_mem>>
        tpu.enqueue_indirect_dma source(%dma_start3A_941 : memref<1000000x64xf32, #tpu.memory_space<hbm>>) target(%dma_start3A_935 : memref<128x64xf32, #tpu.memory_space<vmem>>) offsets(%dma_start3A_938 : memref<128xi32, #tpu.memory_space<vmem>>) semaphore(%dma_start3A_943 : memref<!tpu.dma_semaphore, #tpu.memory_space<semaphore_mem>>)
      } else {
      }
    }
    %scan3A_250 = arith.constant 200 : i32
    %rem3A_251 = arith.constant 197 : i32
    %rem3A_252 = arith.constant 3 : i32
    %rem3A_253 = arith.remsi %rem3A_251, %rem3A_252 : i32
    %mul3A_254 = arith.constant 64 : i32
    %mul3A_255 = arith.muli %rem3A_253, %mul3A_254 : i32
    %mul3A_256 = arith.constant 128 : i32
    %mul3A_257 = arith.muli %mul3A_255, %mul3A_256 : i32
    %add3A_258 = arith.constant 0 : i32
    %add3A_259 = arith.addi %mul3A_257, %add3A_258 : i32
    %dma_wait3A = arith.constant 197 : i32
    %dma_wait3A_260 = arith.constant 0 : i32
    %dma_wait3A_261 = tpu.memref_slice %arg7[%add3A_259] : memref<24576xf32, #tpu.memory_space<vmem>> -> memref<1024xf32, #tpu.memory_space<vmem>>
    %dma_wait3A_262 = arith.constant 0 : i32
    %dma_wait3A_263 = tpu.memref_slice %arg4[%dma_wait3A, %dma_wait3A_260, %add3A, %dma_wait3A_262] : memref<200x8x32x1024xf32, #tpu.memory_space<hbm>> -> memref<1x1x1x1024xf32, #tpu.memory_space<hbm>>
    %dma_wait3A_264 = tpu.memref_squeeze %dma_wait3A_263 : memref<1x1x1x1024xf32, #tpu.memory_space<hbm>> -> memref<1024xf32, #tpu.memory_space<hbm>>
    %dma_wait3A_265 = tpu.memref_slice %arg9[%rem3A_253] : memref<3x!tpu.dma_semaphore, #tpu.memory_space<semaphore_mem>> -> memref<1x!tpu.dma_semaphore, #tpu.memory_space<semaphore_mem>>
    %dma_wait3A_266 = tpu.memref_squeeze %dma_wait3A_265 : memref<1x!tpu.dma_semaphore, #tpu.memory_space<semaphore_mem>> -> memref<!tpu.dma_semaphore, #tpu.memory_space<semaphore_mem>>
    %dma_wait3A_267 = arith.constant 0 : i32
    %dma_wait3A_268 = tpu.memref_slice %arg4[%dma_wait3A, %dma_wait3A_260, %add3A, %dma_wait3A_267] : memref<200x8x32x1024xf32, #tpu.memory_space<hbm>> -> memref<1x1x1x1024xf32, #tpu.memory_space<hbm>>
    %dma_wait3A_269 = tpu.memref_squeeze %dma_wait3A_268 : memref<1x1x1x1024xf32, #tpu.memory_space<hbm>> -> memref<1024xf32, #tpu.memory_space<hbm>>
    %dma_wait3A_270 = tpu.memref_slice %arg7[%add3A_259] : memref<24576xf32, #tpu.memory_space<vmem>> -> memref<1024xf32, #tpu.memory_space<vmem>>
    tpu.wait_dma2 semaphore(%dma_wait3A_266 : memref<!tpu.dma_semaphore, #tpu.memory_space<semaphore_mem>>) src(%dma_wait3A_270 : memref<1024xf32, #tpu.memory_space<vmem>>) dst(%dma_wait3A_269 : memref<1024xf32, #tpu.memory_space<hbm>>)
    %rem3A_271 = arith.constant 197 : i32
    %rem3A_272 = arith.constant 3 : i32
    %rem3A_273 = arith.remsi %rem3A_271, %rem3A_272 : i32
    %mul3A_274 = arith.constant 64 : i32
    %mul3A_275 = arith.muli %rem3A_273, %mul3A_274 : i32
    %mul3A_276 = arith.constant 128 : i32
    %mul3A_277 = arith.muli %mul3A_275, %mul3A_276 : i32
    %add3A_278 = arith.constant 1024 : i32
    %add3A_279 = arith.addi %mul3A_277, %add3A_278 : i32
    %dma_wait3A_280 = arith.constant 197 : i32
    %dma_wait3A_281 = arith.constant 1 : i32
    %dma_wait3A_282 = tpu.memref_slice %arg7[%add3A_279] : memref<24576xf32, #tpu.memory_space<vmem>> -> memref<1024xf32, #tpu.memory_space<vmem>>
    %dma_wait3A_283 = arith.constant 0 : i32
    %dma_wait3A_284 = tpu.memref_slice %arg4[%dma_wait3A_280, %dma_wait3A_281, %add3A, %dma_wait3A_283] : memref<200x8x32x1024xf32, #tpu.memory_space<hbm>> -> memref<1x1x1x1024xf32, #tpu.memory_space<hbm>>
    %dma_wait3A_285 = tpu.memref_squeeze %dma_wait3A_284 : memref<1x1x1x1024xf32, #tpu.memory_space<hbm>> -> memref<1024xf32, #tpu.memory_space<hbm>>
    %dma_wait3A_286 = tpu.memref_slice %arg9[%rem3A_273] : memref<3x!tpu.dma_semaphore, #tpu.memory_space<semaphore_mem>> -> memref<1x!tpu.dma_semaphore, #tpu.memory_space<semaphore_mem>>
    %dma_wait3A_287 = tpu.memref_squeeze %dma_wait3A_286 : memref<1x!tpu.dma_semaphore, #tpu.memory_space<semaphore_mem>> -> memref<!tpu.dma_semaphore, #tpu.memory_space<semaphore_mem>>
    %dma_wait3A_288 = arith.constant 0 : i32
    %dma_wait3A_289 = tpu.memref_slice %arg4[%dma_wait3A_280, %dma_wait3A_281, %add3A, %dma_wait3A_288] : memref<200x8x32x1024xf32, #tpu.memory_space<hbm>> -> memref<1x1x1x1024xf32, #tpu.memory_space<hbm>>
    %dma_wait3A_290 = tpu.memref_squeeze %dma_wait3A_289 : memref<1x1x1x1024xf32, #tpu.memory_space<hbm>> -> memref<1024xf32, #tpu.memory_space<hbm>>
    %dma_wait3A_291 = tpu.memref_slice %arg7[%add3A_279] : memref<24576xf32, #tpu.memory_space<vmem>> -> memref<1024xf32, #tpu.memory_space<vmem>>
    tpu.wait_dma2 semaphore(%dma_wait3A_287 : memref<!tpu.dma_semaphore, #tpu.memory_space<semaphore_mem>>) src(%dma_wait3A_291 : memref<1024xf32, #tpu.memory_space<vmem>>) dst(%dma_wait3A_290 : memref<1024xf32, #tpu.memory_space<hbm>>)
    %rem3A_292 = arith.constant 197 : i32
    %rem3A_293 = arith.constant 3 : i32
    %rem3A_294 = arith.remsi %rem3A_292, %rem3A_293 : i32
    %mul3A_295 = arith.constant 64 : i32
    %mul3A_296 = arith.muli %rem3A_294, %mul3A_295 : i32
    %mul3A_297 = arith.constant 128 : i32
    %mul3A_298 = arith.muli %mul3A_296, %mul3A_297 : i32
    %add3A_299 = arith.constant 2048 : i32
    %add3A_300 = arith.addi %mul3A_298, %add3A_299 : i32
    %dma_wait3A_301 = arith.constant 197 : i32
    %dma_wait3A_302 = arith.constant 2 : i32
    %dma_wait3A_303 = tpu.memref_slice %arg7[%add3A_300] : memref<24576xf32, #tpu.memory_space<vmem>> -> memref<1024xf32, #tpu.memory_space<vmem>>
    %dma_wait3A_304 = arith.constant 0 : i32
    %dma_wait3A_305 = tpu.memref_slice %arg4[%dma_wait3A_301, %dma_wait3A_302, %add3A, %dma_wait3A_304] : memref<200x8x32x1024xf32, #tpu.memory_space<hbm>> -> memref<1x1x1x1024xf32, #tpu.memory_space<hbm>>
    %dma_wait3A_306 = tpu.memref_squeeze %dma_wait3A_305 : memref<1x1x1x1024xf32, #tpu.memory_space<hbm>> -> memref<1024xf32, #tpu.memory_space<hbm>>
    %dma_wait3A_307 = tpu.memref_slice %arg9[%rem3A_294] : memref<3x!tpu.dma_semaphore, #tpu.memory_space<semaphore_mem>> -> memref<1x!tpu.dma_semaphore, #tpu.memory_space<semaphore_mem>>
    %dma_wait3A_308 = tpu.memref_squeeze %dma_wait3A_307 : memref<1x!tpu.dma_semaphore, #tpu.memory_space<semaphore_mem>> -> memref<!tpu.dma_semaphore, #tpu.memory_space<semaphore_mem>>
    %dma_wait3A_309 = arith.constant 0 : i32
    %dma_wait3A_310 = tpu.memref_slice %arg4[%dma_wait3A_301, %dma_wait3A_302, %add3A, %dma_wait3A_309] : memref<200x8x32x1024xf32, #tpu.memory_space<hbm>> -> memref<1x1x1x1024xf32, #tpu.memory_space<hbm>>
    %dma_wait3A_311 = tpu.memref_squeeze %dma_wait3A_310 : memref<1x1x1x1024xf32, #tpu.memory_space<hbm>> -> memref<1024xf32, #tpu.memory_space<hbm>>
    %dma_wait3A_312 = tpu.memref_slice %arg7[%add3A_300] : memref<24576xf32, #tpu.memory_space<vmem>> -> memref<1024xf32, #tpu.memory_space<vmem>>
    tpu.wait_dma2 semaphore(%dma_wait3A_308 : memref<!tpu.dma_semaphore, #tpu.memory_space<semaphore_mem>>) src(%dma_wait3A_312 : memref<1024xf32, #tpu.memory_space<vmem>>) dst(%dma_wait3A_311 : memref<1024xf32, #tpu.memory_space<hbm>>)
    %rem3A_313 = arith.constant 197 : i32
    %rem3A_314 = arith.constant 3 : i32
    %rem3A_315 = arith.remsi %rem3A_313, %rem3A_314 : i32
    %mul3A_316 = arith.constant 64 : i32
    %mul3A_317 = arith.muli %rem3A_315, %mul3A_316 : i32
    %mul3A_318 = arith.constant 128 : i32
    %mul3A_319 = arith.muli %mul3A_317, %mul3A_318 : i32
    %add3A_320 = arith.constant 3072 : i32
    %add3A_321 = arith.addi %mul3A_319, %add3A_320 : i32
    %dma_wait3A_322 = arith.constant 197 : i32
    %dma_wait3A_323 = arith.constant 3 : i32
    %dma_wait3A_324 = tpu.memref_slice %arg7[%add3A_321] : memref<24576xf32, #tpu.memory_space<vmem>> -> memref<1024xf32, #tpu.memory_space<vmem>>
    %dma_wait3A_325 = arith.constant 0 : i32
    %dma_wait3A_326 = tpu.memref_slice %arg4[%dma_wait3A_322, %dma_wait3A_323, %add3A, %dma_wait3A_325] : memref<200x8x32x1024xf32, #tpu.memory_space<hbm>> -> memref<1x1x1x1024xf32, #tpu.memory_space<hbm>>
    %dma_wait3A_327 = tpu.memref_squeeze %dma_wait3A_326 : memref<1x1x1x1024xf32, #tpu.memory_space<hbm>> -> memref<1024xf32, #tpu.memory_space<hbm>>
    %dma_wait3A_328 = tpu.memref_slice %arg9[%rem3A_315] : memref<3x!tpu.dma_semaphore, #tpu.memory_space<semaphore_mem>> -> memref<1x!tpu.dma_semaphore, #tpu.memory_space<semaphore_mem>>
    %dma_wait3A_329 = tpu.memref_squeeze %dma_wait3A_328 : memref<1x!tpu.dma_semaphore, #tpu.memory_space<semaphore_mem>> -> memref<!tpu.dma_semaphore, #tpu.memory_space<semaphore_mem>>
    %dma_wait3A_330 = arith.constant 0 : i32
    %dma_wait3A_331 = tpu.memref_slice %arg4[%dma_wait3A_322, %dma_wait3A_323, %add3A, %dma_wait3A_330] : memref<200x8x32x1024xf32, #tpu.memory_space<hbm>> -> memref<1x1x1x1024xf32, #tpu.memory_space<hbm>>
    %dma_wait3A_332 = tpu.memref_squeeze %dma_wait3A_331 : memref<1x1x1x1024xf32, #tpu.memory_space<hbm>> -> memref<1024xf32, #tpu.memory_space<hbm>>
    %dma_wait3A_333 = tpu.memref_slice %arg7[%add3A_321] : memref<24576xf32, #tpu.memory_space<vmem>> -> memref<1024xf32, #tpu.memory_space<vmem>>
    tpu.wait_dma2 semaphore(%dma_wait3A_329 : memref<!tpu.dma_semaphore, #tpu.memory_space<semaphore_mem>>) src(%dma_wait3A_333 : memref<1024xf32, #tpu.memory_space<vmem>>) dst(%dma_wait3A_332 : memref<1024xf32, #tpu.memory_space<hbm>>)
    %rem3A_334 = arith.constant 197 : i32
    %rem3A_335 = arith.constant 3 : i32
    %rem3A_336 = arith.remsi %rem3A_334, %rem3A_335 : i32
    %mul3A_337 = arith.constant 64 : i32
    %mul3A_338 = arith.muli %rem3A_336, %mul3A_337 : i32
    %mul3A_339 = arith.constant 128 : i32
    %mul3A_340 = arith.muli %mul3A_338, %mul3A_339 : i32
    %add3A_341 = arith.constant 4096 : i32
    %add3A_342 = arith.addi %mul3A_340, %add3A_341 : i32
    %dma_wait3A_343 = arith.constant 197 : i32
    %dma_wait3A_344 = arith.constant 4 : i32
    %dma_wait3A_345 = tpu.memref_slice %arg7[%add3A_342] : memref<24576xf32, #tpu.memory_space<vmem>> -> memref<1024xf32, #tpu.memory_space<vmem>>
    %dma_wait3A_346 = arith.constant 0 : i32
    %dma_wait3A_347 = tpu.memref_slice %arg4[%dma_wait3A_343, %dma_wait3A_344, %add3A, %dma_wait3A_346] : memref<200x8x32x1024xf32, #tpu.memory_space<hbm>> -> memref<1x1x1x1024xf32, #tpu.memory_space<hbm>>
    %dma_wait3A_348 = tpu.memref_squeeze %dma_wait3A_347 : memref<1x1x1x1024xf32, #tpu.memory_space<hbm>> -> memref<1024xf32, #tpu.memory_space<hbm>>
    %dma_wait3A_349 = tpu.memref_slice %arg9[%rem3A_336] : memref<3x!tpu.dma_semaphore, #tpu.memory_space<semaphore_mem>> -> memref<1x!tpu.dma_semaphore, #tpu.memory_space<semaphore_mem>>
    %dma_wait3A_350 = tpu.memref_squeeze %dma_wait3A_349 : memref<1x!tpu.dma_semaphore, #tpu.memory_space<semaphore_mem>> -> memref<!tpu.dma_semaphore, #tpu.memory_space<semaphore_mem>>
    %dma_wait3A_351 = arith.constant 0 : i32
    %dma_wait3A_352 = tpu.memref_slice %arg4[%dma_wait3A_343, %dma_wait3A_344, %add3A, %dma_wait3A_351] : memref<200x8x32x1024xf32, #tpu.memory_space<hbm>> -> memref<1x1x1x1024xf32, #tpu.memory_space<hbm>>
    %dma_wait3A_353 = tpu.memref_squeeze %dma_wait3A_352 : memref<1x1x1x1024xf32, #tpu.memory_space<hbm>> -> memref<1024xf32, #tpu.memory_space<hbm>>
    %dma_wait3A_354 = tpu.memref_slice %arg7[%add3A_342] : memref<24576xf32, #tpu.memory_space<vmem>> -> memref<1024xf32, #tpu.memory_space<vmem>>
    tpu.wait_dma2 semaphore(%dma_wait3A_350 : memref<!tpu.dma_semaphore, #tpu.memory_space<semaphore_mem>>) src(%dma_wait3A_354 : memref<1024xf32, #tpu.memory_space<vmem>>) dst(%dma_wait3A_353 : memref<1024xf32, #tpu.memory_space<hbm>>)
    %rem3A_355 = arith.constant 197 : i32
    %rem3A_356 = arith.constant 3 : i32
    %rem3A_357 = arith.remsi %rem3A_355, %rem3A_356 : i32
    %mul3A_358 = arith.constant 64 : i32
    %mul3A_359 = arith.muli %rem3A_357, %mul3A_358 : i32
    %mul3A_360 = arith.constant 128 : i32
    %mul3A_361 = arith.muli %mul3A_359, %mul3A_360 : i32
    %add3A_362 = arith.constant 5120 : i32
    %add3A_363 = arith.addi %mul3A_361, %add3A_362 : i32
    %dma_wait3A_364 = arith.constant 197 : i32
    %dma_wait3A_365 = arith.constant 5 : i32
    %dma_wait3A_366 = tpu.memref_slice %arg7[%add3A_363] : memref<24576xf32, #tpu.memory_space<vmem>> -> memref<1024xf32, #tpu.memory_space<vmem>>
    %dma_wait3A_367 = arith.constant 0 : i32
    %dma_wait3A_368 = tpu.memref_slice %arg4[%dma_wait3A_364, %dma_wait3A_365, %add3A, %dma_wait3A_367] : memref<200x8x32x1024xf32, #tpu.memory_space<hbm>> -> memref<1x1x1x1024xf32, #tpu.memory_space<hbm>>
    %dma_wait3A_369 = tpu.memref_squeeze %dma_wait3A_368 : memref<1x1x1x1024xf32, #tpu.memory_space<hbm>> -> memref<1024xf32, #tpu.memory_space<hbm>>
    %dma_wait3A_370 = tpu.memref_slice %arg9[%rem3A_357] : memref<3x!tpu.dma_semaphore, #tpu.memory_space<semaphore_mem>> -> memref<1x!tpu.dma_semaphore, #tpu.memory_space<semaphore_mem>>
    %dma_wait3A_371 = tpu.memref_squeeze %dma_wait3A_370 : memref<1x!tpu.dma_semaphore, #tpu.memory_space<semaphore_mem>> -> memref<!tpu.dma_semaphore, #tpu.memory_space<semaphore_mem>>
    %dma_wait3A_372 = arith.constant 0 : i32
    %dma_wait3A_373 = tpu.memref_slice %arg4[%dma_wait3A_364, %dma_wait3A_365, %add3A, %dma_wait3A_372] : memref<200x8x32x1024xf32, #tpu.memory_space<hbm>> -> memref<1x1x1x1024xf32, #tpu.memory_space<hbm>>
    %dma_wait3A_374 = tpu.memref_squeeze %dma_wait3A_373 : memref<1x1x1x1024xf32, #tpu.memory_space<hbm>> -> memref<1024xf32, #tpu.memory_space<hbm>>
    %dma_wait3A_375 = tpu.memref_slice %arg7[%add3A_363] : memref<24576xf32, #tpu.memory_space<vmem>> -> memref<1024xf32, #tpu.memory_space<vmem>>
    tpu.wait_dma2 semaphore(%dma_wait3A_371 : memref<!tpu.dma_semaphore, #tpu.memory_space<semaphore_mem>>) src(%dma_wait3A_375 : memref<1024xf32, #tpu.memory_space<vmem>>) dst(%dma_wait3A_374 : memref<1024xf32, #tpu.memory_space<hbm>>)
    %rem3A_376 = arith.constant 197 : i32
    %rem3A_377 = arith.constant 3 : i32
    %rem3A_378 = arith.remsi %rem3A_376, %rem3A_377 : i32
    %mul3A_379 = arith.constant 64 : i32
    %mul3A_380 = arith.muli %rem3A_378, %mul3A_379 : i32
    %mul3A_381 = arith.constant 128 : i32
    %mul3A_382 = arith.muli %mul3A_380, %mul3A_381 : i32
    %add3A_383 = arith.constant 6144 : i32
    %add3A_384 = arith.addi %mul3A_382, %add3A_383 : i32
    %dma_wait3A_385 = arith.constant 197 : i32
    %dma_wait3A_386 = arith.constant 6 : i32
    %dma_wait3A_387 = tpu.memref_slice %arg7[%add3A_384] : memref<24576xf32, #tpu.memory_space<vmem>> -> memref<1024xf32, #tpu.memory_space<vmem>>
    %dma_wait3A_388 = arith.constant 0 : i32
    %dma_wait3A_389 = tpu.memref_slice %arg4[%dma_wait3A_385, %dma_wait3A_386, %add3A, %dma_wait3A_388] : memref<200x8x32x1024xf32, #tpu.memory_space<hbm>> -> memref<1x1x1x1024xf32, #tpu.memory_space<hbm>>
    %dma_wait3A_390 = tpu.memref_squeeze %dma_wait3A_389 : memref<1x1x1x1024xf32, #tpu.memory_space<hbm>> -> memref<1024xf32, #tpu.memory_space<hbm>>
    %dma_wait3A_391 = tpu.memref_slice %arg9[%rem3A_378] : memref<3x!tpu.dma_semaphore, #tpu.memory_space<semaphore_mem>> -> memref<1x!tpu.dma_semaphore, #tpu.memory_space<semaphore_mem>>
    %dma_wait3A_392 = tpu.memref_squeeze %dma_wait3A_391 : memref<1x!tpu.dma_semaphore, #tpu.memory_space<semaphore_mem>> -> memref<!tpu.dma_semaphore, #tpu.memory_space<semaphore_mem>>
    %dma_wait3A_393 = arith.constant 0 : i32
    %dma_wait3A_394 = tpu.memref_slice %arg4[%dma_wait3A_385, %dma_wait3A_386, %add3A, %dma_wait3A_393] : memref<200x8x32x1024xf32, #tpu.memory_space<hbm>> -> memref<1x1x1x1024xf32, #tpu.memory_space<hbm>>
    %dma_wait3A_395 = tpu.memref_squeeze %dma_wait3A_394 : memref<1x1x1x1024xf32, #tpu.memory_space<hbm>> -> memref<1024xf32, #tpu.memory_space<hbm>>
    %dma_wait3A_396 = tpu.memref_slice %arg7[%add3A_384] : memref<24576xf32, #tpu.memory_space<vmem>> -> memref<1024xf32, #tpu.memory_space<vmem>>
    tpu.wait_dma2 semaphore(%dma_wait3A_392 : memref<!tpu.dma_semaphore, #tpu.memory_space<semaphore_mem>>) src(%dma_wait3A_396 : memref<1024xf32, #tpu.memory_space<vmem>>) dst(%dma_wait3A_395 : memref<1024xf32, #tpu.memory_space<hbm>>)
    %rem3A_397 = arith.constant 197 : i32
    %rem3A_398 = arith.constant 3 : i32
    %rem3A_399 = arith.remsi %rem3A_397, %rem3A_398 : i32
    %mul3A_400 = arith.constant 64 : i32
    %mul3A_401 = arith.muli %rem3A_399, %mul3A_400 : i32
    %mul3A_402 = arith.constant 128 : i32
    %mul3A_403 = arith.muli %mul3A_401, %mul3A_402 : i32
    %add3A_404 = arith.constant 7168 : i32
    %add3A_405 = arith.addi %mul3A_403, %add3A_404 : i32
    %dma_wait3A_406 = arith.constant 197 : i32
    %dma_wait3A_407 = arith.constant 7 : i32
    %dma_wait3A_408 = tpu.memref_slice %arg7[%add3A_405] : memref<24576xf32, #tpu.memory_space<vmem>> -> memref<1024xf32, #tpu.memory_space<vmem>>
    %dma_wait3A_409 = arith.constant 0 : i32
    %dma_wait3A_410 = tpu.memref_slice %arg4[%dma_wait3A_406, %dma_wait3A_407, %add3A, %dma_wait3A_409] : memref<200x8x32x1024xf32, #tpu.memory_space<hbm>> -> memref<1x1x1x1024xf32, #tpu.memory_space<hbm>>
    %dma_wait3A_411 = tpu.memref_squeeze %dma_wait3A_410 : memref<1x1x1x1024xf32, #tpu.memory_space<hbm>> -> memref<1024xf32, #tpu.memory_space<hbm>>
    %dma_wait3A_412 = tpu.memref_slice %arg9[%rem3A_399] : memref<3x!tpu.dma_semaphore, #tpu.memory_space<semaphore_mem>> -> memref<1x!tpu.dma_semaphore, #tpu.memory_space<semaphore_mem>>
    %dma_wait3A_413 = tpu.memref_squeeze %dma_wait3A_412 : memref<1x!tpu.dma_semaphore, #tpu.memory_space<semaphore_mem>> -> memref<!tpu.dma_semaphore, #tpu.memory_space<semaphore_mem>>
    %dma_wait3A_414 = arith.constant 0 : i32
    %dma_wait3A_415 = tpu.memref_slice %arg4[%dma_wait3A_406, %dma_wait3A_407, %add3A, %dma_wait3A_414] : memref<200x8x32x1024xf32, #tpu.memory_space<hbm>> -> memref<1x1x1x1024xf32, #tpu.memory_space<hbm>>
    %dma_wait3A_416 = tpu.memref_squeeze %dma_wait3A_415 : memref<1x1x1x1024xf32, #tpu.memory_space<hbm>> -> memref<1024xf32, #tpu.memory_space<hbm>>
    %dma_wait3A_417 = tpu.memref_slice %arg7[%add3A_405] : memref<24576xf32, #tpu.memory_space<vmem>> -> memref<1024xf32, #tpu.memory_space<vmem>>
    tpu.wait_dma2 semaphore(%dma_wait3A_413 : memref<!tpu.dma_semaphore, #tpu.memory_space<semaphore_mem>>) src(%dma_wait3A_417 : memref<1024xf32, #tpu.memory_space<vmem>>) dst(%dma_wait3A_416 : memref<1024xf32, #tpu.memory_space<hbm>>)
    %rem3A_418 = arith.constant 198 : i32
    %rem3A_419 = arith.constant 3 : i32
    %rem3A_420 = arith.remsi %rem3A_418, %rem3A_419 : i32
    %mul3A_421 = arith.constant 64 : i32
    %mul3A_422 = arith.muli %rem3A_420, %mul3A_421 : i32
    %mul3A_423 = arith.constant 128 : i32
    %mul3A_424 = arith.muli %mul3A_422, %mul3A_423 : i32
    %add3A_425 = arith.constant 0 : i32
    %add3A_426 = arith.addi %mul3A_424, %add3A_425 : i32
    %dma_wait3A_427 = arith.constant 198 : i32
    %dma_wait3A_428 = arith.constant 0 : i32
    %dma_wait3A_429 = tpu.memref_slice %arg7[%add3A_426] : memref<24576xf32, #tpu.memory_space<vmem>> -> memref<1024xf32, #tpu.memory_space<vmem>>
    %dma_wait3A_430 = arith.constant 0 : i32
    %dma_wait3A_431 = tpu.memref_slice %arg4[%dma_wait3A_427, %dma_wait3A_428, %add3A, %dma_wait3A_430] : memref<200x8x32x1024xf32, #tpu.memory_space<hbm>> -> memref<1x1x1x1024xf32, #tpu.memory_space<hbm>>
    %dma_wait3A_432 = tpu.memref_squeeze %dma_wait3A_431 : memref<1x1x1x1024xf32, #tpu.memory_space<hbm>> -> memref<1024xf32, #tpu.memory_space<hbm>>
    %dma_wait3A_433 = tpu.memref_slice %arg9[%rem3A_420] : memref<3x!tpu.dma_semaphore, #tpu.memory_space<semaphore_mem>> -> memref<1x!tpu.dma_semaphore, #tpu.memory_space<semaphore_mem>>
    %dma_wait3A_434 = tpu.memref_squeeze %dma_wait3A_433 : memref<1x!tpu.dma_semaphore, #tpu.memory_space<semaphore_mem>> -> memref<!tpu.dma_semaphore, #tpu.memory_space<semaphore_mem>>
    %dma_wait3A_435 = arith.constant 0 : i32
    %dma_wait3A_436 = tpu.memref_slice %arg4[%dma_wait3A_427, %dma_wait3A_428, %add3A, %dma_wait3A_435] : memref<200x8x32x1024xf32, #tpu.memory_space<hbm>> -> memref<1x1x1x1024xf32, #tpu.memory_space<hbm>>
    %dma_wait3A_437 = tpu.memref_squeeze %dma_wait3A_436 : memref<1x1x1x1024xf32, #tpu.memory_space<hbm>> -> memref<1024xf32, #tpu.memory_space<hbm>>
    %dma_wait3A_438 = tpu.memref_slice %arg7[%add3A_426] : memref<24576xf32, #tpu.memory_space<vmem>> -> memref<1024xf32, #tpu.memory_space<vmem>>
    tpu.wait_dma2 semaphore(%dma_wait3A_434 : memref<!tpu.dma_semaphore, #tpu.memory_space<semaphore_mem>>) src(%dma_wait3A_438 : memref<1024xf32, #tpu.memory_space<vmem>>) dst(%dma_wait3A_437 : memref<1024xf32, #tpu.memory_space<hbm>>)
    %rem3A_439 = arith.constant 198 : i32
    %rem3A_440 = arith.constant 3 : i32
    %rem3A_441 = arith.remsi %rem3A_439, %rem3A_440 : i32
    %mul3A_442 = arith.constant 64 : i32
    %mul3A_443 = arith.muli %rem3A_441, %mul3A_442 : i32
    %mul3A_444 = arith.constant 128 : i32
    %mul3A_445 = arith.muli %mul3A_443, %mul3A_444 : i32
    %add3A_446 = arith.constant 1024 : i32
    %add3A_447 = arith.addi %mul3A_445, %add3A_446 : i32
    %dma_wait3A_448 = arith.constant 198 : i32
    %dma_wait3A_449 = arith.constant 1 : i32
    %dma_wait3A_450 = tpu.memref_slice %arg7[%add3A_447] : memref<24576xf32, #tpu.memory_space<vmem>> -> memref<1024xf32, #tpu.memory_space<vmem>>
    %dma_wait3A_451 = arith.constant 0 : i32
    %dma_wait3A_452 = tpu.memref_slice %arg4[%dma_wait3A_448, %dma_wait3A_449, %add3A, %dma_wait3A_451] : memref<200x8x32x1024xf32, #tpu.memory_space<hbm>> -> memref<1x1x1x1024xf32, #tpu.memory_space<hbm>>
    %dma_wait3A_453 = tpu.memref_squeeze %dma_wait3A_452 : memref<1x1x1x1024xf32, #tpu.memory_space<hbm>> -> memref<1024xf32, #tpu.memory_space<hbm>>
    %dma_wait3A_454 = tpu.memref_slice %arg9[%rem3A_441] : memref<3x!tpu.dma_semaphore, #tpu.memory_space<semaphore_mem>> -> memref<1x!tpu.dma_semaphore, #tpu.memory_space<semaphore_mem>>
    %dma_wait3A_455 = tpu.memref_squeeze %dma_wait3A_454 : memref<1x!tpu.dma_semaphore, #tpu.memory_space<semaphore_mem>> -> memref<!tpu.dma_semaphore, #tpu.memory_space<semaphore_mem>>
    %dma_wait3A_456 = arith.constant 0 : i32
    %dma_wait3A_457 = tpu.memref_slice %arg4[%dma_wait3A_448, %dma_wait3A_449, %add3A, %dma_wait3A_456] : memref<200x8x32x1024xf32, #tpu.memory_space<hbm>> -> memref<1x1x1x1024xf32, #tpu.memory_space<hbm>>
    %dma_wait3A_458 = tpu.memref_squeeze %dma_wait3A_457 : memref<1x1x1x1024xf32, #tpu.memory_space<hbm>> -> memref<1024xf32, #tpu.memory_space<hbm>>
    %dma_wait3A_459 = tpu.memref_slice %arg7[%add3A_447] : memref<24576xf32, #tpu.memory_space<vmem>> -> memref<1024xf32, #tpu.memory_space<vmem>>
    tpu.wait_dma2 semaphore(%dma_wait3A_455 : memref<!tpu.dma_semaphore, #tpu.memory_space<semaphore_mem>>) src(%dma_wait3A_459 : memref<1024xf32, #tpu.memory_space<vmem>>) dst(%dma_wait3A_458 : memref<1024xf32, #tpu.memory_space<hbm>>)
    %rem3A_460 = arith.constant 198 : i32
    %rem3A_461 = arith.constant 3 : i32
    %rem3A_462 = arith.remsi %rem3A_460, %rem3A_461 : i32
    %mul3A_463 = arith.constant 64 : i32
    %mul3A_464 = arith.muli %rem3A_462, %mul3A_463 : i32
    %mul3A_465 = arith.constant 128 : i32
    %mul3A_466 = arith.muli %mul3A_464, %mul3A_465 : i32
    %add3A_467 = arith.constant 2048 : i32
    %add3A_468 = arith.addi %mul3A_466, %add3A_467 : i32
    %dma_wait3A_469 = arith.constant 198 : i32
    %dma_wait3A_470 = arith.constant 2 : i32
    %dma_wait3A_471 = tpu.memref_slice %arg7[%add3A_468] : memref<24576xf32, #tpu.memory_space<vmem>> -> memref<1024xf32, #tpu.memory_space<vmem>>
    %dma_wait3A_472 = arith.constant 0 : i32
    %dma_wait3A_473 = tpu.memref_slice %arg4[%dma_wait3A_469, %dma_wait3A_470, %add3A, %dma_wait3A_472] : memref<200x8x32x1024xf32, #tpu.memory_space<hbm>> -> memref<1x1x1x1024xf32, #tpu.memory_space<hbm>>
    %dma_wait3A_474 = tpu.memref_squeeze %dma_wait3A_473 : memref<1x1x1x1024xf32, #tpu.memory_space<hbm>> -> memref<1024xf32, #tpu.memory_space<hbm>>
    %dma_wait3A_475 = tpu.memref_slice %arg9[%rem3A_462] : memref<3x!tpu.dma_semaphore, #tpu.memory_space<semaphore_mem>> -> memref<1x!tpu.dma_semaphore, #tpu.memory_space<semaphore_mem>>
    %dma_wait3A_476 = tpu.memref_squeeze %dma_wait3A_475 : memref<1x!tpu.dma_semaphore, #tpu.memory_space<semaphore_mem>> -> memref<!tpu.dma_semaphore, #tpu.memory_space<semaphore_mem>>
    %dma_wait3A_477 = arith.constant 0 : i32
    %dma_wait3A_478 = tpu.memref_slice %arg4[%dma_wait3A_469, %dma_wait3A_470, %add3A, %dma_wait3A_477] : memref<200x8x32x1024xf32, #tpu.memory_space<hbm>> -> memref<1x1x1x1024xf32, #tpu.memory_space<hbm>>
    %dma_wait3A_479 = tpu.memref_squeeze %dma_wait3A_478 : memref<1x1x1x1024xf32, #tpu.memory_space<hbm>> -> memref<1024xf32, #tpu.memory_space<hbm>>
    %dma_wait3A_480 = tpu.memref_slice %arg7[%add3A_468] : memref<24576xf32, #tpu.memory_space<vmem>> -> memref<1024xf32, #tpu.memory_space<vmem>>
    tpu.wait_dma2 semaphore(%dma_wait3A_476 : memref<!tpu.dma_semaphore, #tpu.memory_space<semaphore_mem>>) src(%dma_wait3A_480 : memref<1024xf32, #tpu.memory_space<vmem>>) dst(%dma_wait3A_479 : memref<1024xf32, #tpu.memory_space<hbm>>)
    %rem3A_481 = arith.constant 198 : i32
    %rem3A_482 = arith.constant 3 : i32
    %rem3A_483 = arith.remsi %rem3A_481, %rem3A_482 : i32
    %mul3A_484 = arith.constant 64 : i32
    %mul3A_485 = arith.muli %rem3A_483, %mul3A_484 : i32
    %mul3A_486 = arith.constant 128 : i32
    %mul3A_487 = arith.muli %mul3A_485, %mul3A_486 : i32
    %add3A_488 = arith.constant 3072 : i32
    %add3A_489 = arith.addi %mul3A_487, %add3A_488 : i32
    %dma_wait3A_490 = arith.constant 198 : i32
    %dma_wait3A_491 = arith.constant 3 : i32
    %dma_wait3A_492 = tpu.memref_slice %arg7[%add3A_489] : memref<24576xf32, #tpu.memory_space<vmem>> -> memref<1024xf32, #tpu.memory_space<vmem>>
    %dma_wait3A_493 = arith.constant 0 : i32
    %dma_wait3A_494 = tpu.memref_slice %arg4[%dma_wait3A_490, %dma_wait3A_491, %add3A, %dma_wait3A_493] : memref<200x8x32x1024xf32, #tpu.memory_space<hbm>> -> memref<1x1x1x1024xf32, #tpu.memory_space<hbm>>
    %dma_wait3A_495 = tpu.memref_squeeze %dma_wait3A_494 : memref<1x1x1x1024xf32, #tpu.memory_space<hbm>> -> memref<1024xf32, #tpu.memory_space<hbm>>
    %dma_wait3A_496 = tpu.memref_slice %arg9[%rem3A_483] : memref<3x!tpu.dma_semaphore, #tpu.memory_space<semaphore_mem>> -> memref<1x!tpu.dma_semaphore, #tpu.memory_space<semaphore_mem>>
    %dma_wait3A_497 = tpu.memref_squeeze %dma_wait3A_496 : memref<1x!tpu.dma_semaphore, #tpu.memory_space<semaphore_mem>> -> memref<!tpu.dma_semaphore, #tpu.memory_space<semaphore_mem>>
    %dma_wait3A_498 = arith.constant 0 : i32
    %dma_wait3A_499 = tpu.memref_slice %arg4[%dma_wait3A_490, %dma_wait3A_491, %add3A, %dma_wait3A_498] : memref<200x8x32x1024xf32, #tpu.memory_space<hbm>> -> memref<1x1x1x1024xf32, #tpu.memory_space<hbm>>
    %dma_wait3A_500 = tpu.memref_squeeze %dma_wait3A_499 : memref<1x1x1x1024xf32, #tpu.memory_space<hbm>> -> memref<1024xf32, #tpu.memory_space<hbm>>
    %dma_wait3A_501 = tpu.memref_slice %arg7[%add3A_489] : memref<24576xf32, #tpu.memory_space<vmem>> -> memref<1024xf32, #tpu.memory_space<vmem>>
    tpu.wait_dma2 semaphore(%dma_wait3A_497 : memref<!tpu.dma_semaphore, #tpu.memory_space<semaphore_mem>>) src(%dma_wait3A_501 : memref<1024xf32, #tpu.memory_space<vmem>>) dst(%dma_wait3A_500 : memref<1024xf32, #tpu.memory_space<hbm>>)
    %rem3A_502 = arith.constant 198 : i32
    %rem3A_503 = arith.constant 3 : i32
    %rem3A_504 = arith.remsi %rem3A_502, %rem3A_503 : i32
    %mul3A_505 = arith.constant 64 : i32
    %mul3A_506 = arith.muli %rem3A_504, %mul3A_505 : i32
    %mul3A_507 = arith.constant 128 : i32
    %mul3A_508 = arith.muli %mul3A_506, %mul3A_507 : i32
    %add3A_509 = arith.constant 4096 : i32
    %add3A_510 = arith.addi %mul3A_508, %add3A_509 : i32
    %dma_wait3A_511 = arith.constant 198 : i32
    %dma_wait3A_512 = arith.constant 4 : i32
    %dma_wait3A_513 = tpu.memref_slice %arg7[%add3A_510] : memref<24576xf32, #tpu.memory_space<vmem>> -> memref<1024xf32, #tpu.memory_space<vmem>>
    %dma_wait3A_514 = arith.constant 0 : i32
    %dma_wait3A_515 = tpu.memref_slice %arg4[%dma_wait3A_511, %dma_wait3A_512, %add3A, %dma_wait3A_514] : memref<200x8x32x1024xf32, #tpu.memory_space<hbm>> -> memref<1x1x1x1024xf32, #tpu.memory_space<hbm>>
    %dma_wait3A_516 = tpu.memref_squeeze %dma_wait3A_515 : memref<1x1x1x1024xf32, #tpu.memory_space<hbm>> -> memref<1024xf32, #tpu.memory_space<hbm>>
    %dma_wait3A_517 = tpu.memref_slice %arg9[%rem3A_504] : memref<3x!tpu.dma_semaphore, #tpu.memory_space<semaphore_mem>> -> memref<1x!tpu.dma_semaphore, #tpu.memory_space<semaphore_mem>>
    %dma_wait3A_518 = tpu.memref_squeeze %dma_wait3A_517 : memref<1x!tpu.dma_semaphore, #tpu.memory_space<semaphore_mem>> -> memref<!tpu.dma_semaphore, #tpu.memory_space<semaphore_mem>>
    %dma_wait3A_519 = arith.constant 0 : i32
    %dma_wait3A_520 = tpu.memref_slice %arg4[%dma_wait3A_511, %dma_wait3A_512, %add3A, %dma_wait3A_519] : memref<200x8x32x1024xf32, #tpu.memory_space<hbm>> -> memref<1x1x1x1024xf32, #tpu.memory_space<hbm>>
    %dma_wait3A_521 = tpu.memref_squeeze %dma_wait3A_520 : memref<1x1x1x1024xf32, #tpu.memory_space<hbm>> -> memref<1024xf32, #tpu.memory_space<hbm>>
    %dma_wait3A_522 = tpu.memref_slice %arg7[%add3A_510] : memref<24576xf32, #tpu.memory_space<vmem>> -> memref<1024xf32, #tpu.memory_space<vmem>>
    tpu.wait_dma2 semaphore(%dma_wait3A_518 : memref<!tpu.dma_semaphore, #tpu.memory_space<semaphore_mem>>) src(%dma_wait3A_522 : memref<1024xf32, #tpu.memory_space<vmem>>) dst(%dma_wait3A_521 : memref<1024xf32, #tpu.memory_space<hbm>>)
    %rem3A_523 = arith.constant 198 : i32
    %rem3A_524 = arith.constant 3 : i32
    %rem3A_525 = arith.remsi %rem3A_523, %rem3A_524 : i32
    %mul3A_526 = arith.constant 64 : i32
    %mul3A_527 = arith.muli %rem3A_525, %mul3A_526 : i32
    %mul3A_528 = arith.constant 128 : i32
    %mul3A_529 = arith.muli %mul3A_527, %mul3A_528 : i32
    %add3A_530 = arith.constant 5120 : i32
    %add3A_531 = arith.addi %mul3A_529, %add3A_530 : i32
    %dma_wait3A_532 = arith.constant 198 : i32
    %dma_wait3A_533 = arith.constant 5 : i32
    %dma_wait3A_534 = tpu.memref_slice %arg7[%add3A_531] : memref<24576xf32, #tpu.memory_space<vmem>> -> memref<1024xf32, #tpu.memory_space<vmem>>
    %dma_wait3A_535 = arith.constant 0 : i32
    %dma_wait3A_536 = tpu.memref_slice %arg4[%dma_wait3A_532, %dma_wait3A_533, %add3A, %dma_wait3A_535] : memref<200x8x32x1024xf32, #tpu.memory_space<hbm>> -> memref<1x1x1x1024xf32, #tpu.memory_space<hbm>>
    %dma_wait3A_537 = tpu.memref_squeeze %dma_wait3A_536 : memref<1x1x1x1024xf32, #tpu.memory_space<hbm>> -> memref<1024xf32, #tpu.memory_space<hbm>>
    %dma_wait3A_538 = tpu.memref_slice %arg9[%rem3A_525] : memref<3x!tpu.dma_semaphore, #tpu.memory_space<semaphore_mem>> -> memref<1x!tpu.dma_semaphore, #tpu.memory_space<semaphore_mem>>
    %dma_wait3A_539 = tpu.memref_squeeze %dma_wait3A_538 : memref<1x!tpu.dma_semaphore, #tpu.memory_space<semaphore_mem>> -> memref<!tpu.dma_semaphore, #tpu.memory_space<semaphore_mem>>
    %dma_wait3A_540 = arith.constant 0 : i32
    %dma_wait3A_541 = tpu.memref_slice %arg4[%dma_wait3A_532, %dma_wait3A_533, %add3A, %dma_wait3A_540] : memref<200x8x32x1024xf32, #tpu.memory_space<hbm>> -> memref<1x1x1x1024xf32, #tpu.memory_space<hbm>>
    %dma_wait3A_542 = tpu.memref_squeeze %dma_wait3A_541 : memref<1x1x1x1024xf32, #tpu.memory_space<hbm>> -> memref<1024xf32, #tpu.memory_space<hbm>>
    %dma_wait3A_543 = tpu.memref_slice %arg7[%add3A_531] : memref<24576xf32, #tpu.memory_space<vmem>> -> memref<1024xf32, #tpu.memory_space<vmem>>
    tpu.wait_dma2 semaphore(%dma_wait3A_539 : memref<!tpu.dma_semaphore, #tpu.memory_space<semaphore_mem>>) src(%dma_wait3A_543 : memref<1024xf32, #tpu.memory_space<vmem>>) dst(%dma_wait3A_542 : memref<1024xf32, #tpu.memory_space<hbm>>)
    %rem3A_544 = arith.constant 198 : i32
    %rem3A_545 = arith.constant 3 : i32
    %rem3A_546 = arith.remsi %rem3A_544, %rem3A_545 : i32
    %mul3A_547 = arith.constant 64 : i32
    %mul3A_548 = arith.muli %rem3A_546, %mul3A_547 : i32
    %mul3A_549 = arith.constant 128 : i32
    %mul3A_550 = arith.muli %mul3A_548, %mul3A_549 : i32
    %add3A_551 = arith.constant 6144 : i32
    %add3A_552 = arith.addi %mul3A_550, %add3A_551 : i32
    %dma_wait3A_553 = arith.constant 198 : i32
    %dma_wait3A_554 = arith.constant 6 : i32
    %dma_wait3A_555 = tpu.memref_slice %arg7[%add3A_552] : memref<24576xf32, #tpu.memory_space<vmem>> -> memref<1024xf32, #tpu.memory_space<vmem>>
    %dma_wait3A_556 = arith.constant 0 : i32
    %dma_wait3A_557 = tpu.memref_slice %arg4[%dma_wait3A_553, %dma_wait3A_554, %add3A, %dma_wait3A_556] : memref<200x8x32x1024xf32, #tpu.memory_space<hbm>> -> memref<1x1x1x1024xf32, #tpu.memory_space<hbm>>
    %dma_wait3A_558 = tpu.memref_squeeze %dma_wait3A_557 : memref<1x1x1x1024xf32, #tpu.memory_space<hbm>> -> memref<1024xf32, #tpu.memory_space<hbm>>
    %dma_wait3A_559 = tpu.memref_slice %arg9[%rem3A_546] : memref<3x!tpu.dma_semaphore, #tpu.memory_space<semaphore_mem>> -> memref<1x!tpu.dma_semaphore, #tpu.memory_space<semaphore_mem>>
    %dma_wait3A_560 = tpu.memref_squeeze %dma_wait3A_559 : memref<1x!tpu.dma_semaphore, #tpu.memory_space<semaphore_mem>> -> memref<!tpu.dma_semaphore, #tpu.memory_space<semaphore_mem>>
    %dma_wait3A_561 = arith.constant 0 : i32
    %dma_wait3A_562 = tpu.memref_slice %arg4[%dma_wait3A_553, %dma_wait3A_554, %add3A, %dma_wait3A_561] : memref<200x8x32x1024xf32, #tpu.memory_space<hbm>> -> memref<1x1x1x1024xf32, #tpu.memory_space<hbm>>
    %dma_wait3A_563 = tpu.memref_squeeze %dma_wait3A_562 : memref<1x1x1x1024xf32, #tpu.memory_space<hbm>> -> memref<1024xf32, #tpu.memory_space<hbm>>
    %dma_wait3A_564 = tpu.memref_slice %arg7[%add3A_552] : memref<24576xf32, #tpu.memory_space<vmem>> -> memref<1024xf32, #tpu.memory_space<vmem>>
    tpu.wait_dma2 semaphore(%dma_wait3A_560 : memref<!tpu.dma_semaphore, #tpu.memory_space<semaphore_mem>>) src(%dma_wait3A_564 : memref<1024xf32, #tpu.memory_space<vmem>>) dst(%dma_wait3A_563 : memref<1024xf32, #tpu.memory_space<hbm>>)
    %rem3A_565 = arith.constant 198 : i32
    %rem3A_566 = arith.constant 3 : i32
    %rem3A_567 = arith.remsi %rem3A_565, %rem3A_566 : i32
    %mul3A_568 = arith.constant 64 : i32
    %mul3A_569 = arith.muli %rem3A_567, %mul3A_568 : i32
    %mul3A_570 = arith.constant 128 : i32
    %mul3A_571 = arith.muli %mul3A_569, %mul3A_570 : i32
    %add3A_572 = arith.constant 7168 : i32
    %add3A_573 = arith.addi %mul3A_571, %add3A_572 : i32
    %dma_wait3A_574 = arith.constant 198 : i32
    %dma_wait3A_575 = arith.constant 7 : i32
    %dma_wait3A_576 = tpu.memref_slice %arg7[%add3A_573] : memref<24576xf32, #tpu.memory_space<vmem>> -> memref<1024xf32, #tpu.memory_space<vmem>>
    %dma_wait3A_577 = arith.constant 0 : i32
    %dma_wait3A_578 = tpu.memref_slice %arg4[%dma_wait3A_574, %dma_wait3A_575, %add3A, %dma_wait3A_577] : memref<200x8x32x1024xf32, #tpu.memory_space<hbm>> -> memref<1x1x1x1024xf32, #tpu.memory_space<hbm>>
    %dma_wait3A_579 = tpu.memref_squeeze %dma_wait3A_578 : memref<1x1x1x1024xf32, #tpu.memory_space<hbm>> -> memref<1024xf32, #tpu.memory_space<hbm>>
    %dma_wait3A_580 = tpu.memref_slice %arg9[%rem3A_567] : memref<3x!tpu.dma_semaphore, #tpu.memory_space<semaphore_mem>> -> memref<1x!tpu.dma_semaphore, #tpu.memory_space<semaphore_mem>>
    %dma_wait3A_581 = tpu.memref_squeeze %dma_wait3A_580 : memref<1x!tpu.dma_semaphore, #tpu.memory_space<semaphore_mem>> -> memref<!tpu.dma_semaphore, #tpu.memory_space<semaphore_mem>>
    %dma_wait3A_582 = arith.constant 0 : i32
    %dma_wait3A_583 = tpu.memref_slice %arg4[%dma_wait3A_574, %dma_wait3A_575, %add3A, %dma_wait3A_582] : memref<200x8x32x1024xf32, #tpu.memory_space<hbm>> -> memref<1x1x1x1024xf32, #tpu.memory_space<hbm>>
    %dma_wait3A_584 = tpu.memref_squeeze %dma_wait3A_583 : memref<1x1x1x1024xf32, #tpu.memory_space<hbm>> -> memref<1024xf32, #tpu.memory_space<hbm>>
    %dma_wait3A_585 = tpu.memref_slice %arg7[%add3A_573] : memref<24576xf32, #tpu.memory_space<vmem>> -> memref<1024xf32, #tpu.memory_space<vmem>>
    tpu.wait_dma2 semaphore(%dma_wait3A_581 : memref<!tpu.dma_semaphore, #tpu.memory_space<semaphore_mem>>) src(%dma_wait3A_585 : memref<1024xf32, #tpu.memory_space<vmem>>) dst(%dma_wait3A_584 : memref<1024xf32, #tpu.memory_space<hbm>>)
    %rem3A_586 = arith.constant 199 : i32
    %rem3A_587 = arith.constant 3 : i32
    %rem3A_588 = arith.remsi %rem3A_586, %rem3A_587 : i32
    %mul3A_589 = arith.constant 64 : i32
    %mul3A_590 = arith.muli %rem3A_588, %mul3A_589 : i32
    %mul3A_591 = arith.constant 128 : i32
    %mul3A_592 = arith.muli %mul3A_590, %mul3A_591 : i32
    %add3A_593 = arith.constant 0 : i32
    %add3A_594 = arith.addi %mul3A_592, %add3A_593 : i32
    %dma_wait3A_595 = arith.constant 199 : i32
    %dma_wait3A_596 = arith.constant 0 : i32
    %dma_wait3A_597 = tpu.memref_slice %arg7[%add3A_594] : memref<24576xf32, #tpu.memory_space<vmem>> -> memref<1024xf32, #tpu.memory_space<vmem>>
    %dma_wait3A_598 = arith.constant 0 : i32
    %dma_wait3A_599 = tpu.memref_slice %arg4[%dma_wait3A_595, %dma_wait3A_596, %add3A, %dma_wait3A_598] : memref<200x8x32x1024xf32, #tpu.memory_space<hbm>> -> memref<1x1x1x1024xf32, #tpu.memory_space<hbm>>
    %dma_wait3A_600 = tpu.memref_squeeze %dma_wait3A_599 : memref<1x1x1x1024xf32, #tpu.memory_space<hbm>> -> memref<1024xf32, #tpu.memory_space<hbm>>
    %dma_wait3A_601 = tpu.memref_slice %arg9[%rem3A_588] : memref<3x!tpu.dma_semaphore, #tpu.memory_space<semaphore_mem>> -> memref<1x!tpu.dma_semaphore, #tpu.memory_space<semaphore_mem>>
    %dma_wait3A_602 = tpu.memref_squeeze %dma_wait3A_601 : memref<1x!tpu.dma_semaphore, #tpu.memory_space<semaphore_mem>> -> memref<!tpu.dma_semaphore, #tpu.memory_space<semaphore_mem>>
    %dma_wait3A_603 = arith.constant 0 : i32
    %dma_wait3A_604 = tpu.memref_slice %arg4[%dma_wait3A_595, %dma_wait3A_596, %add3A, %dma_wait3A_603] : memref<200x8x32x1024xf32, #tpu.memory_space<hbm>> -> memref<1x1x1x1024xf32, #tpu.memory_space<hbm>>
    %dma_wait3A_605 = tpu.memref_squeeze %dma_wait3A_604 : memref<1x1x1x1024xf32, #tpu.memory_space<hbm>> -> memref<1024xf32, #tpu.memory_space<hbm>>
    %dma_wait3A_606 = tpu.memref_slice %arg7[%add3A_594] : memref<24576xf32, #tpu.memory_space<vmem>> -> memref<1024xf32, #tpu.memory_space<vmem>>
    tpu.wait_dma2 semaphore(%dma_wait3A_602 : memref<!tpu.dma_semaphore, #tpu.memory_space<semaphore_mem>>) src(%dma_wait3A_606 : memref<1024xf32, #tpu.memory_space<vmem>>) dst(%dma_wait3A_605 : memref<1024xf32, #tpu.memory_space<hbm>>)
    %rem3A_607 = arith.constant 199 : i32
    %rem3A_608 = arith.constant 3 : i32
    %rem3A_609 = arith.remsi %rem3A_607, %rem3A_608 : i32
    %mul3A_610 = arith.constant 64 : i32
    %mul3A_611 = arith.muli %rem3A_609, %mul3A_610 : i32
    %mul3A_612 = arith.constant 128 : i32
    %mul3A_613 = arith.muli %mul3A_611, %mul3A_612 : i32
    %add3A_614 = arith.constant 1024 : i32
    %add3A_615 = arith.addi %mul3A_613, %add3A_614 : i32
    %dma_wait3A_616 = arith.constant 199 : i32
    %dma_wait3A_617 = arith.constant 1 : i32
    %dma_wait3A_618 = tpu.memref_slice %arg7[%add3A_615] : memref<24576xf32, #tpu.memory_space<vmem>> -> memref<1024xf32, #tpu.memory_space<vmem>>
    %dma_wait3A_619 = arith.constant 0 : i32
    %dma_wait3A_620 = tpu.memref_slice %arg4[%dma_wait3A_616, %dma_wait3A_617, %add3A, %dma_wait3A_619] : memref<200x8x32x1024xf32, #tpu.memory_space<hbm>> -> memref<1x1x1x1024xf32, #tpu.memory_space<hbm>>
    %dma_wait3A_621 = tpu.memref_squeeze %dma_wait3A_620 : memref<1x1x1x1024xf32, #tpu.memory_space<hbm>> -> memref<1024xf32, #tpu.memory_space<hbm>>
    %dma_wait3A_622 = tpu.memref_slice %arg9[%rem3A_609] : memref<3x!tpu.dma_semaphore, #tpu.memory_space<semaphore_mem>> -> memref<1x!tpu.dma_semaphore, #tpu.memory_space<semaphore_mem>>
    %dma_wait3A_623 = tpu.memref_squeeze %dma_wait3A_622 : memref<1x!tpu.dma_semaphore, #tpu.memory_space<semaphore_mem>> -> memref<!tpu.dma_semaphore, #tpu.memory_space<semaphore_mem>>
    %dma_wait3A_624 = arith.constant 0 : i32
    %dma_wait3A_625 = tpu.memref_slice %arg4[%dma_wait3A_616, %dma_wait3A_617, %add3A, %dma_wait3A_624] : memref<200x8x32x1024xf32, #tpu.memory_space<hbm>> -> memref<1x1x1x1024xf32, #tpu.memory_space<hbm>>
    %dma_wait3A_626 = tpu.memref_squeeze %dma_wait3A_625 : memref<1x1x1x1024xf32, #tpu.memory_space<hbm>> -> memref<1024xf32, #tpu.memory_space<hbm>>
    %dma_wait3A_627 = tpu.memref_slice %arg7[%add3A_615] : memref<24576xf32, #tpu.memory_space<vmem>> -> memref<1024xf32, #tpu.memory_space<vmem>>
    tpu.wait_dma2 semaphore(%dma_wait3A_623 : memref<!tpu.dma_semaphore, #tpu.memory_space<semaphore_mem>>) src(%dma_wait3A_627 : memref<1024xf32, #tpu.memory_space<vmem>>) dst(%dma_wait3A_626 : memref<1024xf32, #tpu.memory_space<hbm>>)
    %rem3A_628 = arith.constant 199 : i32
    %rem3A_629 = arith.constant 3 : i32
    %rem3A_630 = arith.remsi %rem3A_628, %rem3A_629 : i32
    %mul3A_631 = arith.constant 64 : i32
    %mul3A_632 = arith.muli %rem3A_630, %mul3A_631 : i32
    %mul3A_633 = arith.constant 128 : i32
    %mul3A_634 = arith.muli %mul3A_632, %mul3A_633 : i32
    %add3A_635 = arith.constant 2048 : i32
    %add3A_636 = arith.addi %mul3A_634, %add3A_635 : i32
    %dma_wait3A_637 = arith.constant 199 : i32
    %dma_wait3A_638 = arith.constant 2 : i32
    %dma_wait3A_639 = tpu.memref_slice %arg7[%add3A_636] : memref<24576xf32, #tpu.memory_space<vmem>> -> memref<1024xf32, #tpu.memory_space<vmem>>
    %dma_wait3A_640 = arith.constant 0 : i32
    %dma_wait3A_641 = tpu.memref_slice %arg4[%dma_wait3A_637, %dma_wait3A_638, %add3A, %dma_wait3A_640] : memref<200x8x32x1024xf32, #tpu.memory_space<hbm>> -> memref<1x1x1x1024xf32, #tpu.memory_space<hbm>>
    %dma_wait3A_642 = tpu.memref_squeeze %dma_wait3A_641 : memref<1x1x1x1024xf32, #tpu.memory_space<hbm>> -> memref<1024xf32, #tpu.memory_space<hbm>>
    %dma_wait3A_643 = tpu.memref_slice %arg9[%rem3A_630] : memref<3x!tpu.dma_semaphore, #tpu.memory_space<semaphore_mem>> -> memref<1x!tpu.dma_semaphore, #tpu.memory_space<semaphore_mem>>
    %dma_wait3A_644 = tpu.memref_squeeze %dma_wait3A_643 : memref<1x!tpu.dma_semaphore, #tpu.memory_space<semaphore_mem>> -> memref<!tpu.dma_semaphore, #tpu.memory_space<semaphore_mem>>
    %dma_wait3A_645 = arith.constant 0 : i32
    %dma_wait3A_646 = tpu.memref_slice %arg4[%dma_wait3A_637, %dma_wait3A_638, %add3A, %dma_wait3A_645] : memref<200x8x32x1024xf32, #tpu.memory_space<hbm>> -> memref<1x1x1x1024xf32, #tpu.memory_space<hbm>>
    %dma_wait3A_647 = tpu.memref_squeeze %dma_wait3A_646 : memref<1x1x1x1024xf32, #tpu.memory_space<hbm>> -> memref<1024xf32, #tpu.memory_space<hbm>>
    %dma_wait3A_648 = tpu.memref_slice %arg7[%add3A_636] : memref<24576xf32, #tpu.memory_space<vmem>> -> memref<1024xf32, #tpu.memory_space<vmem>>
    tpu.wait_dma2 semaphore(%dma_wait3A_644 : memref<!tpu.dma_semaphore, #tpu.memory_space<semaphore_mem>>) src(%dma_wait3A_648 : memref<1024xf32, #tpu.memory_space<vmem>>) dst(%dma_wait3A_647 : memref<1024xf32, #tpu.memory_space<hbm>>)
    %rem3A_649 = arith.constant 199 : i32
    %rem3A_650 = arith.constant 3 : i32
    %rem3A_651 = arith.remsi %rem3A_649, %rem3A_650 : i32
    %mul3A_652 = arith.constant 64 : i32
    %mul3A_653 = arith.muli %rem3A_651, %mul3A_652 : i32
    %mul3A_654 = arith.constant 128 : i32
    %mul3A_655 = arith.muli %mul3A_653, %mul3A_654 : i32
    %add3A_656 = arith.constant 3072 : i32
    %add3A_657 = arith.addi %mul3A_655, %add3A_656 : i32
    %dma_wait3A_658 = arith.constant 199 : i32
    %dma_wait3A_659 = arith.constant 3 : i32
    %dma_wait3A_660 = tpu.memref_slice %arg7[%add3A_657] : memref<24576xf32, #tpu.memory_space<vmem>> -> memref<1024xf32, #tpu.memory_space<vmem>>
    %dma_wait3A_661 = arith.constant 0 : i32
    %dma_wait3A_662 = tpu.memref_slice %arg4[%dma_wait3A_658, %dma_wait3A_659, %add3A, %dma_wait3A_661] : memref<200x8x32x1024xf32, #tpu.memory_space<hbm>> -> memref<1x1x1x1024xf32, #tpu.memory_space<hbm>>
    %dma_wait3A_663 = tpu.memref_squeeze %dma_wait3A_662 : memref<1x1x1x1024xf32, #tpu.memory_space<hbm>> -> memref<1024xf32, #tpu.memory_space<hbm>>
    %dma_wait3A_664 = tpu.memref_slice %arg9[%rem3A_651] : memref<3x!tpu.dma_semaphore, #tpu.memory_space<semaphore_mem>> -> memref<1x!tpu.dma_semaphore, #tpu.memory_space<semaphore_mem>>
    %dma_wait3A_665 = tpu.memref_squeeze %dma_wait3A_664 : memref<1x!tpu.dma_semaphore, #tpu.memory_space<semaphore_mem>> -> memref<!tpu.dma_semaphore, #tpu.memory_space<semaphore_mem>>
    %dma_wait3A_666 = arith.constant 0 : i32
    %dma_wait3A_667 = tpu.memref_slice %arg4[%dma_wait3A_658, %dma_wait3A_659, %add3A, %dma_wait3A_666] : memref<200x8x32x1024xf32, #tpu.memory_space<hbm>> -> memref<1x1x1x1024xf32, #tpu.memory_space<hbm>>
    %dma_wait3A_668 = tpu.memref_squeeze %dma_wait3A_667 : memref<1x1x1x1024xf32, #tpu.memory_space<hbm>> -> memref<1024xf32, #tpu.memory_space<hbm>>
    %dma_wait3A_669 = tpu.memref_slice %arg7[%add3A_657] : memref<24576xf32, #tpu.memory_space<vmem>> -> memref<1024xf32, #tpu.memory_space<vmem>>
    tpu.wait_dma2 semaphore(%dma_wait3A_665 : memref<!tpu.dma_semaphore, #tpu.memory_space<semaphore_mem>>) src(%dma_wait3A_669 : memref<1024xf32, #tpu.memory_space<vmem>>) dst(%dma_wait3A_668 : memref<1024xf32, #tpu.memory_space<hbm>>)
    %rem3A_670 = arith.constant 199 : i32
    %rem3A_671 = arith.constant 3 : i32
    %rem3A_672 = arith.remsi %rem3A_670, %rem3A_671 : i32
    %mul3A_673 = arith.constant 64 : i32
    %mul3A_674 = arith.muli %rem3A_672, %mul3A_673 : i32
    %mul3A_675 = arith.constant 128 : i32
    %mul3A_676 = arith.muli %mul3A_674, %mul3A_675 : i32
    %add3A_677 = arith.constant 4096 : i32
    %add3A_678 = arith.addi %mul3A_676, %add3A_677 : i32
    %dma_wait3A_679 = arith.constant 199 : i32
    %dma_wait3A_680 = arith.constant 4 : i32
    %dma_wait3A_681 = tpu.memref_slice %arg7[%add3A_678] : memref<24576xf32, #tpu.memory_space<vmem>> -> memref<1024xf32, #tpu.memory_space<vmem>>
    %dma_wait3A_682 = arith.constant 0 : i32
    %dma_wait3A_683 = tpu.memref_slice %arg4[%dma_wait3A_679, %dma_wait3A_680, %add3A, %dma_wait3A_682] : memref<200x8x32x1024xf32, #tpu.memory_space<hbm>> -> memref<1x1x1x1024xf32, #tpu.memory_space<hbm>>
    %dma_wait3A_684 = tpu.memref_squeeze %dma_wait3A_683 : memref<1x1x1x1024xf32, #tpu.memory_space<hbm>> -> memref<1024xf32, #tpu.memory_space<hbm>>
    %dma_wait3A_685 = tpu.memref_slice %arg9[%rem3A_672] : memref<3x!tpu.dma_semaphore, #tpu.memory_space<semaphore_mem>> -> memref<1x!tpu.dma_semaphore, #tpu.memory_space<semaphore_mem>>
    %dma_wait3A_686 = tpu.memref_squeeze %dma_wait3A_685 : memref<1x!tpu.dma_semaphore, #tpu.memory_space<semaphore_mem>> -> memref<!tpu.dma_semaphore, #tpu.memory_space<semaphore_mem>>
    %dma_wait3A_687 = arith.constant 0 : i32
    %dma_wait3A_688 = tpu.memref_slice %arg4[%dma_wait3A_679, %dma_wait3A_680, %add3A, %dma_wait3A_687] : memref<200x8x32x1024xf32, #tpu.memory_space<hbm>> -> memref<1x1x1x1024xf32, #tpu.memory_space<hbm>>
    %dma_wait3A_689 = tpu.memref_squeeze %dma_wait3A_688 : memref<1x1x1x1024xf32, #tpu.memory_space<hbm>> -> memref<1024xf32, #tpu.memory_space<hbm>>
    %dma_wait3A_690 = tpu.memref_slice %arg7[%add3A_678] : memref<24576xf32, #tpu.memory_space<vmem>> -> memref<1024xf32, #tpu.memory_space<vmem>>
    tpu.wait_dma2 semaphore(%dma_wait3A_686 : memref<!tpu.dma_semaphore, #tpu.memory_space<semaphore_mem>>) src(%dma_wait3A_690 : memref<1024xf32, #tpu.memory_space<vmem>>) dst(%dma_wait3A_689 : memref<1024xf32, #tpu.memory_space<hbm>>)
    %rem3A_691 = arith.constant 199 : i32
    %rem3A_692 = arith.constant 3 : i32
    %rem3A_693 = arith.remsi %rem3A_691, %rem3A_692 : i32
    %mul3A_694 = arith.constant 64 : i32
    %mul3A_695 = arith.muli %rem3A_693, %mul3A_694 : i32
    %mul3A_696 = arith.constant 128 : i32
    %mul3A_697 = arith.muli %mul3A_695, %mul3A_696 : i32
    %add3A_698 = arith.constant 5120 : i32
    %add3A_699 = arith.addi %mul3A_697, %add3A_698 : i32
    %dma_wait3A_700 = arith.constant 199 : i32
    %dma_wait3A_701 = arith.constant 5 : i32
    %dma_wait3A_702 = tpu.memref_slice %arg7[%add3A_699] : memref<24576xf32, #tpu.memory_space<vmem>> -> memref<1024xf32, #tpu.memory_space<vmem>>
    %dma_wait3A_703 = arith.constant 0 : i32
    %dma_wait3A_704 = tpu.memref_slice %arg4[%dma_wait3A_700, %dma_wait3A_701, %add3A, %dma_wait3A_703] : memref<200x8x32x1024xf32, #tpu.memory_space<hbm>> -> memref<1x1x1x1024xf32, #tpu.memory_space<hbm>>
    %dma_wait3A_705 = tpu.memref_squeeze %dma_wait3A_704 : memref<1x1x1x1024xf32, #tpu.memory_space<hbm>> -> memref<1024xf32, #tpu.memory_space<hbm>>
    %dma_wait3A_706 = tpu.memref_slice %arg9[%rem3A_693] : memref<3x!tpu.dma_semaphore, #tpu.memory_space<semaphore_mem>> -> memref<1x!tpu.dma_semaphore, #tpu.memory_space<semaphore_mem>>
    %dma_wait3A_707 = tpu.memref_squeeze %dma_wait3A_706 : memref<1x!tpu.dma_semaphore, #tpu.memory_space<semaphore_mem>> -> memref<!tpu.dma_semaphore, #tpu.memory_space<semaphore_mem>>
    %dma_wait3A_708 = arith.constant 0 : i32
    %dma_wait3A_709 = tpu.memref_slice %arg4[%dma_wait3A_700, %dma_wait3A_701, %add3A, %dma_wait3A_708] : memref<200x8x32x1024xf32, #tpu.memory_space<hbm>> -> memref<1x1x1x1024xf32, #tpu.memory_space<hbm>>
    %dma_wait3A_710 = tpu.memref_squeeze %dma_wait3A_709 : memref<1x1x1x1024xf32, #tpu.memory_space<hbm>> -> memref<1024xf32, #tpu.memory_space<hbm>>
    %dma_wait3A_711 = tpu.memref_slice %arg7[%add3A_699] : memref<24576xf32, #tpu.memory_space<vmem>> -> memref<1024xf32, #tpu.memory_space<vmem>>
    tpu.wait_dma2 semaphore(%dma_wait3A_707 : memref<!tpu.dma_semaphore, #tpu.memory_space<semaphore_mem>>) src(%dma_wait3A_711 : memref<1024xf32, #tpu.memory_space<vmem>>) dst(%dma_wait3A_710 : memref<1024xf32, #tpu.memory_space<hbm>>)
    %rem3A_712 = arith.constant 199 : i32
    %rem3A_713 = arith.constant 3 : i32
    %rem3A_714 = arith.remsi %rem3A_712, %rem3A_713 : i32
    %mul3A_715 = arith.constant 64 : i32
    %mul3A_716 = arith.muli %rem3A_714, %mul3A_715 : i32
    %mul3A_717 = arith.constant 128 : i32
    %mul3A_718 = arith.muli %mul3A_716, %mul3A_717 : i32
    %add3A_719 = arith.constant 6144 : i32
    %add3A_720 = arith.addi %mul3A_718, %add3A_719 : i32
    %dma_wait3A_721 = arith.constant 199 : i32
    %dma_wait3A_722 = arith.constant 6 : i32
    %dma_wait3A_723 = tpu.memref_slice %arg7[%add3A_720] : memref<24576xf32, #tpu.memory_space<vmem>> -> memref<1024xf32, #tpu.memory_space<vmem>>
    %dma_wait3A_724 = arith.constant 0 : i32
    %dma_wait3A_725 = tpu.memref_slice %arg4[%dma_wait3A_721, %dma_wait3A_722, %add3A, %dma_wait3A_724] : memref<200x8x32x1024xf32, #tpu.memory_space<hbm>> -> memref<1x1x1x1024xf32, #tpu.memory_space<hbm>>
    %dma_wait3A_726 = tpu.memref_squeeze %dma_wait3A_725 : memref<1x1x1x1024xf32, #tpu.memory_space<hbm>> -> memref<1024xf32, #tpu.memory_space<hbm>>
    %dma_wait3A_727 = tpu.memref_slice %arg9[%rem3A_714] : memref<3x!tpu.dma_semaphore, #tpu.memory_space<semaphore_mem>> -> memref<1x!tpu.dma_semaphore, #tpu.memory_space<semaphore_mem>>
    %dma_wait3A_728 = tpu.memref_squeeze %dma_wait3A_727 : memref<1x!tpu.dma_semaphore, #tpu.memory_space<semaphore_mem>> -> memref<!tpu.dma_semaphore, #tpu.memory_space<semaphore_mem>>
    %dma_wait3A_729 = arith.constant 0 : i32
    %dma_wait3A_730 = tpu.memref_slice %arg4[%dma_wait3A_721, %dma_wait3A_722, %add3A, %dma_wait3A_729] : memref<200x8x32x1024xf32, #tpu.memory_space<hbm>> -> memref<1x1x1x1024xf32, #tpu.memory_space<hbm>>
    %dma_wait3A_731 = tpu.memref_squeeze %dma_wait3A_730 : memref<1x1x1x1024xf32, #tpu.memory_space<hbm>> -> memref<1024xf32, #tpu.memory_space<hbm>>
    %dma_wait3A_732 = tpu.memref_slice %arg7[%add3A_720] : memref<24576xf32, #tpu.memory_space<vmem>> -> memref<1024xf32, #tpu.memory_space<vmem>>
    tpu.wait_dma2 semaphore(%dma_wait3A_728 : memref<!tpu.dma_semaphore, #tpu.memory_space<semaphore_mem>>) src(%dma_wait3A_732 : memref<1024xf32, #tpu.memory_space<vmem>>) dst(%dma_wait3A_731 : memref<1024xf32, #tpu.memory_space<hbm>>)
    %rem3A_733 = arith.constant 199 : i32
    %rem3A_734 = arith.constant 3 : i32
    %rem3A_735 = arith.remsi %rem3A_733, %rem3A_734 : i32
    %mul3A_736 = arith.constant 64 : i32
    %mul3A_737 = arith.muli %rem3A_735, %mul3A_736 : i32
    %mul3A_738 = arith.constant 128 : i32
    %mul3A_739 = arith.muli %mul3A_737, %mul3A_738 : i32
    %add3A_740 = arith.constant 7168 : i32
    %add3A_741 = arith.addi %mul3A_739, %add3A_740 : i32
    %dma_wait3A_742 = arith.constant 199 : i32
    %dma_wait3A_743 = arith.constant 7 : i32
    %dma_wait3A_744 = tpu.memref_slice %arg7[%add3A_741] : memref<24576xf32, #tpu.memory_space<vmem>> -> memref<1024xf32, #tpu.memory_space<vmem>>
    %dma_wait3A_745 = arith.constant 0 : i32
    %dma_wait3A_746 = tpu.memref_slice %arg4[%dma_wait3A_742, %dma_wait3A_743, %add3A, %dma_wait3A_745] : memref<200x8x32x1024xf32, #tpu.memory_space<hbm>> -> memref<1x1x1x1024xf32, #tpu.memory_space<hbm>>
    %dma_wait3A_747 = tpu.memref_squeeze %dma_wait3A_746 : memref<1x1x1x1024xf32, #tpu.memory_space<hbm>> -> memref<1024xf32, #tpu.memory_space<hbm>>
    %dma_wait3A_748 = tpu.memref_slice %arg9[%rem3A_735] : memref<3x!tpu.dma_semaphore, #tpu.memory_space<semaphore_mem>> -> memref<1x!tpu.dma_semaphore, #tpu.memory_space<semaphore_mem>>
    %dma_wait3A_749 = tpu.memref_squeeze %dma_wait3A_748 : memref<1x!tpu.dma_semaphore, #tpu.memory_space<semaphore_mem>> -> memref<!tpu.dma_semaphore, #tpu.memory_space<semaphore_mem>>
    %dma_wait3A_750 = arith.constant 0 : i32
    %dma_wait3A_751 = tpu.memref_slice %arg4[%dma_wait3A_742, %dma_wait3A_743, %add3A, %dma_wait3A_750] : memref<200x8x32x1024xf32, #tpu.memory_space<hbm>> -> memref<1x1x1x1024xf32, #tpu.memory_space<hbm>>
    %dma_wait3A_752 = tpu.memref_squeeze %dma_wait3A_751 : memref<1x1x1x1024xf32, #tpu.memory_space<hbm>> -> memref<1024xf32, #tpu.memory_space<hbm>>
    %dma_wait3A_753 = tpu.memref_slice %arg7[%add3A_741] : memref<24576xf32, #tpu.memory_space<vmem>> -> memref<1024xf32, #tpu.memory_space<vmem>>
    tpu.wait_dma2 semaphore(%dma_wait3A_749 : memref<!tpu.dma_semaphore, #tpu.memory_space<semaphore_mem>>) src(%dma_wait3A_753 : memref<1024xf32, #tpu.memory_space<vmem>>) dst(%dma_wait3A_752 : memref<1024xf32, #tpu.memory_space<hbm>>)
    return
  }
}

</mosaic_0001>

<sc_bundles>
// kernel: kernel.3.cloned.1.call-start
scs
__scs_entry_jumppad:
0x0: {  	(pc) =	sbr.rel $0x88, $3  }
0x1: {  	(tag) =	ssettag $0x0;
	lr =	simm.s32 $0x1  }
0x2: {  	[smem:$0x3F9F] =	sst lr;
	_ =	strace $0xD0000000  }
0x3: {  	_ = 	snop  }
0x4: {  	_ = 	snop  }
0x5: {  	_ = 	snop  }
0x6: {  	_ = 	snop  }
0x7: {  	_ = 	snop  }
__scs_overlays_trampoline_lowered:
0x8: {  	[smem:$0x3FAE] =	sst s0  }
0x9: {  	[smem:$0x3FAF] =	sst s1  }
0xa: {  	[smem:$0x3FB0] =	sst s2  }
0xb: {  	[smem:$0x3FB1] =	sst s3  }
0xc: {  	[smem:$0x3FB2] =	sst s4  }
0xd: {  	[smem:$0x3FB3] =	sst s5  }
0xe: {  	[smem:$0x3FB4] =	sst s6  }
0xf: {  	[smem:$0x3FB5] =	sst s7  }
0x10: {  	[smem:$0x3FB6] =	sst s8  }
0x11: {  	[smem:$0x3FB7] =	sst s9;
	s0 =	simm.s32 @!p0 $0x0  }
0x12: {  	s1 =	sld [smem:$0x3F9D];
	s0 =	simm.s32 @p0 $0x1  }
0x13: {  	[smem:$0x3FB8] =	sst s0;
	s0 =	simm.s32 @!p1 $0x0  }
0x14: {  	s2 =	sld [smem:$0x3F9C];
	s0 =	simm.s32 @p1 $0x1  }
0x15: {  	[smem:$0x3FB9] =	sst s0;
	s0 =	simm.s32 @!p2 $0x0  }
0x16: {  	s3 =	sld [smem:$0x3FDB];
	s0 =	simm.s32 @p2 $0x1  }
0x17: {  	s4 =	simm.s32 $0x1BF5;
	[smem:$0x3FBB] =	sst s0  }
0x18: {  	s0 =	sld [smem:$0x3F9E];
	_ =	swait.ge [sflag:s4], $0x0  }
0x19: {  	s7 =	sld [smem:$0x3F9F]  }
0x1a: {  	s8 =	sadd.s32 $0xFFFFE003, lr  }
0x1b: {  	s9 =	sadd.s32 $0xFFFFFEF7, lr;
	s5 =	simm.s32 $0xFFFFFFFF;
	p2 =	slt.u32 s8, $0xFFFFF086  }
0x1c: {  	p1 =	slt.u32 s9, $0xF7A;
	s5 =	simm.s32 @!p2 $0x0  }
0x1d: {  	s5 =	simm.s32 @p1 $0x1;
	p0 =	seq.s32 s7, s2  }
0x1e: {  	s7 =	smul.u32 @!p0 $0xF7A, s2;
	p2 =	seq.s32 @!p0 s5, $0x0  }
0x1f: {  	s9 =	smul.u32 $0xF7A, s1;
	s8 =	simm.s32 @!p0 $0x1BF5;
	p2 =	por !p2, p0  }
0x20: {  	[sflag:s8] =	ssyncset.s32 @!p0 $0xFFFFF086;
	s6 =	sadd.s32 @!p0 s3, s7;
	s7 =	simm.s32 @!p0 $0x108  }
0x21: {  	s3 =	sadd.s32 s3, s9;
	s6 =	sadd.s32 @!p0 $0x88, s6;
	s7 =	simm.s32 @p2 $0x1082  }
0x22: {  	[simem:s7], [sflag:s8] =	dma.local @!p0 [hbm:s6], $0xF7A  }
0x23: {  	s9 =	sor.u32 $0xD0000000, s2;
	s6 =	simm.s32 $0x108;
	_ =	swait.ge @!p0 [sflag:s8], $0x0  }
0x24: {  	s3 =	sadd.s32 $0x88, s3;
	s6 =	simm.s32 @!p1 $0x1082;
	[sflag:s4] =	ssyncset.s32 $0xFFFFF086  }
0x25: {  	[simem:s6], [sflag:s4] =	dma.local [hbm:s3], $0xF7A  }
0x26: {  	[smem:$0x3F9F] =	sst s1;
	(tag) =	ssettag s2;
	_ =	strace s9  }
0x27: {  	s1 =	sld [smem:$0x3FAF]  }
0x28: {  	s2 =	sld [smem:$0x3FB0]  }
0x29: {  	s4 =	sld [smem:$0x3FB2]  }
0x2a: {  	p0 =	seq.s32 s5, $0x0;
	s5 =	sld [smem:$0x3FB3]  }
0x2b: {  	s6 =	sld [smem:$0x3FB4]  }
0x2c: {  	s7 =	sld [smem:$0x3FB5]  }
0x2d: {  	s3 =	simm.s32 $0x108;
	s8 =	sld [smem:$0x3FB6]  }
0x2e: {  	s3 =	simm.s32 @!p0 $0x1082;
	s9 =	sld [smem:$0x3FB7]  }
0x2f: {  	lr =	sadd.s32 s0, s3;
	s0 =	sld [smem:$0x3FAE]  }
0x30: {  	s3 =	sld [smem:$0x3FB1]  }
0x31: {  	[smem:$0x3FBA] =	sst s10  }
0x32: {  	s10 =	sld [smem:$0x3FB8];
	_ =	sdelay $0x3  }
0x33: {  	p0 =	seq.s32 s10, $0x1;
	s10 =	sld [smem:$0x3FBA];
	_ =	sdelay $0x3  }
0x34: {  	[smem:$0x3FBA] =	sst s10  }
0x35: {  	s10 =	sld [smem:$0x3FB9];
	_ =	sdelay $0x3  }
0x36: {  	p1 =	seq.s32 s10, $0x1;
	s10 =	sld [smem:$0x3FBA];
	_ =	sdelay $0x3  }
0x37: {  	[smem:$0x3FBA] =	sst s10  }
0x38: {  	s10 =	sld [smem:$0x3FBB]  }
0x39: {  	_ = 	snop;
	(pc) =	sbr.ind lr, $3  }
0x3a: {  	_ = 	snop  }
0x3b: {  	_ = 	snop  }
0x3c: {  	p2 =	seq.s32 s10, $0x1;
	s10 =	sld [smem:$0x3FBA]  }
0x3d: {  	_ =	shalt  }
0x3e: {  	_ =	shalt  }
0x3f: {  	_ =	shalt  }
0x40: {  	_ =	shalt  }
0x41: {  	_ =	shalt  }
0x42: {  	_ =	shalt  }
0x43: {  	_ =	shalt  }
0x44: {  	_ =	shalt  }
0x45: {  	_ =	shalt  }
0x46: {  	_ =	shalt  }
0x47: {  	_ =	shalt  }
0x48: {  	_ =	shalt  }
0x49: {  	_ =	shalt  }
0x4a: {  	_ =	shalt  }
0x4b: {  	_ =	shalt  }
0x4c: {  	_ =	shalt  }
0x4d: {  	_ =	shalt  }
0x4e: {  	_ =	shalt  }
0x4f: {  	_ =	shalt  }
0x50: {  	_ =	shalt  }
0x51: {  	_ =	shalt  }
0x52: {  	_ =	shalt  }
0x53: {  	_ =	shalt  }
0x54: {  	_ =	shalt  }
0x55: {  	_ =	shalt  }
0x56: {  	_ =	shalt  }
0x57: {  	_ =	shalt  }
0x58: {  	_ =	shalt  }
0x59: {  	_ =	shalt  }
0x5a: {  	_ =	shalt  }
0x5b: {  	_ =	shalt  }
0x5c: {  	_ =	shalt  }
0x5d: {  	_ =	shalt  }
0x5e: {  	_ =	shalt  }
0x5f: {  	_ =	shalt  }
0x60: {  	_ =	shalt  }
0x61: {  	_ =	shalt  }
0x62: {  	_ =	shalt  }
0x63: {  	_ =	shalt  }
0x64: {  	_ =	shalt  }
0x65: {  	_ =	shalt  }
0x66: {  	_ =	shalt  }
0x67: {  	_ =	shalt  }
0x68: {  	_ =	shalt  }
0x69: {  	_ =	shalt  }
0x6a: {  	_ =	shalt  }
0x6b: {  	_ =	shalt  }
0x6c: {  	_ =	shalt  }
0x6d: {  	_ =	shalt  }
0x6e: {  	_ =	shalt  }
0x6f: {  	_ =	shalt  }
0x70: {  	_ =	shalt  }
0x71: {  	_ =	shalt  }
0x72: {  	_ =	shalt  }
0x73: {  	_ =	shalt  }
0x74: {  	_ =	shalt  }
0x75: {  	_ =	shalt  }
0x76: {  	_ =	shalt  }
0x77: {  	_ =	shalt  }
0x78: {  	_ =	shalt  }
0x79: {  	_ =	shalt  }
0x7a: {  	_ =	shalt  }
0x7b: {  	_ =	shalt  }
0x7c: {  	_ =	shalt  }
0x7d: {  	_ =	shalt  }
0x7e: {  	_ =	shalt  }
0x7f: {  	_ =	shalt  }
0x80: {  	_ =	shalt  }
0x81: {  	_ =	shalt  }
0x82: {  	_ =	shalt  }
0x83: {  	_ =	shalt  }
0x84: {  	_ =	shalt  }
0x85: {  	_ =	shalt  }
0x86: {  	_ =	shalt  }
0x87: {  	_ =	shalt  }
.Lfunc_end0:
.L_simem_size_0:
called_computation_lowered:
.L_overlay_start_0:
0x88: {  	s2 =	sld [smem:$0x3FD9]  }
0x89: {  	s3 =	sld [smem:$0x3FFE];
	_ =	sdelay $0x1  }
0x8a: {  	s1 =	srdreg.scid  }
0x8b: {  	s0 =	sand.u32 $0x1, s1  }
0x8c: {  	s17 =	sshll.u32 s0, $0xA;
	s2 =	sadd.s32 s3, s2  }
0x8d: {  	s2 =	sadd.s32 s2, s17  }
0x8e: {  	[smem:$0x3FC6] =	sst s2  }
0x8f: {  	_ = 	snop  }
0x90: {  	s2 =	sld [smem:$0x3FD0];
	(tm) =	ssettm $0x1  }
0x91: {  	s18 =	sld [smem:$0x3FFB];
	_ =	sdelay $0x3  }
0x92: {  	_ =	strace s18  }
0x93: {  	s3 =	sld [smem:$0x3FFC];
	_ =	sdelay $0x3  }
0x94: {  	_ =	strace s3  }
0x95: {  	s3 =	sld [smem:$0x3FFD];
	_ =	sdelay $0x3  }
0x96: {  	_ =	strace s3  }
0x97: {  	_ =	strace $0x8FFFFFFF  }
0x98: {  	s19 =	sld [smem:$0x3FDB];
	_ =	sdelay $0x1  }
0x99: {  	s4 =	simm.s32 $_scs_section_size  }
0x9a: {  	s5 =	simm.s32 $_size__tile_overlayer_lowered;
	s6 =	simm.s32 $_tile_overlayer_lowered  }
0x9b: {  	s22 =	simm.s32 $0x1BFF;
	s21 =	sshll.u32 s6, $0x1;
	s3 =	sadd.s32 s4, s19  }
0x9c: {  	s7 =	simm.s32 $0x0;
	s20 =	sshll.u32 s5, $0x1;
	s5 =	sadd.s32 s21, s3  }
0x9d: {  	[timem:s7], [sflag:s22] =	dma.local [hbm:s5], s20  }
0x9e: {  	_ =	swait.ge [sflag:s22], s20  }
0x9f: {  	s4 =	ssub.s32 $0x0, s20;
	[sflag:s22] =	ssyncset.done $0x0  }
0xa0: {  	[sflag:s22] =	ssyncadd.s32 s4;
	_ =	sdelay $0x1  }
0xa1: {  	s23 =	simm.s32 $0x1B8B  }
0xa2: {  	_ =	swait.ge [sflag:s23], $0x1  }
0xa3: {  	[sflag:s23] =	ssyncset.done $0x0  }
0xa4: {  	s25 =	simm.s32 $0x1B8E;
	s24 =	sld [smem:$0x3FFE];
	[sflag:s23] =	ssyncadd.s32 $0xFFFFFFFF  }
0xa5: {  	s26 =	simm.s32 $execute0_lowered;
	[smem:$0x3FD2] =	sst s25  }
0xa6: {  	s5 =	sshll.u32 s26, $0x1;
	_ =	strace $0x80000046;
	[dreg:$0x1] =	wrdreg $0xFFFFFFFF  }
0xa7: {  	s28 =	simm.s32 $_size_execute0_lowered;
	s3 =	sadd.s32 s3, s5;
	[dreg:$0x0] =	wrdreg $0x0  }
0xa8: {  	s5 =	sshll.u32 s28, $0x1;
	[dreg:$0x2] =	wrdreg s3  }
0xa9: {  	[dreg:$0x3] =	wrdreg s5  }
0xaa: {  	[dreg:$0x4] =	wrdreg $0xC0  }
0xab: {  	_ =	task [dreg:s7], $0x5FFFF  }
0xac: {  	[dreg:$0x1] =	wrdreg $0xFFFFFFFF  }
0xad: {  	[dreg:$0x0] =	wrdreg $0x60  }
0xae: {  	[dreg:$0x2] =	wrdreg s24  }
0xaf: {  	[dreg:$0x3] =	wrdreg s2  }
0xb0: {  	[dreg:$0x4] =	wrdreg $0x9  }
0xb1: {  	_ =	task.clear_ibuf [dreg:s7], $0x5FFFF;
	_ =	strace $0x90000046  }
0xb2: {  	s29 =	simm.s32 $0x9;
	_ =	strace $0x80000048  }
0xb3: {  	_ =	swait.ge [sflag:s29], $0x1  }
0xb4: {  	[sflag:s29] =	ssyncadd.s32 $0xFFFFFFFF  }
0xb5: {  	_ =	strace $0x90000048  }
0xb6: {  	_ =	sfence  }
0xb7: {  	s30 =	sld [smem:$0x0];
	_ =	sdelay $0x2  }
0xb8: {  	s31 =	sshll.u32 s1, $0xD;
	s1 =	sshrl.u32 s1, $0x2  }
0xb9: {  	s3 =	sand.u32 $0x4000, s31;
	s1 =	sadd.s32 s1, s30  }
0xba: {  	s0 =	sor.u32 s3, s0;
	s1 =	sshll.u32 s1, $0x11  }
0xbb: {  	s0 =	sor.u32 s1, s0  }
0xbc: {  	s0 =	sadd.s32 $0x8F2B, s0  }
0xbd: {  	[sflag:s0] =	ssyncadd.remote.s32 $0x1  }
0xbe: {  	_ =	sfence.sel $0xFFFF  }
0xbf: {  	[dreg:$0x0] =	wrdreg $0xFFFFFFFF;
	(pc) =	sbr.abs _section_cstart, $3  }
0xc0: {  	[dreg:$0x1] =	wrdreg $0xFFFFFFFF  }
0xc1: {  	_ =	task.clear_ibuf [dreg:s7], $0x2FFFF;
	_ =	strace $0x9FFFFFFF  }
0xc2: {  	(tm) =	ssettm $0x7FFFFFFF  }
0xc3: {  	_ =	shalt  }
tec
execute0_lowered:
.L_overlay_start_1:
0x0: {  	(tag) =	ssettag $0x1  }
0x1: {  	v0 =	vimm.s32 $0x300;
	vm9 =	vcmask $0x704  }
0x2: {  	v1 =	vimm.s32 $0xC0804000;
	vm8 =	vcmask $0xB08;
	vm7 =	vcmask $0xF0C  }
0x3: {  	vm11 =	vcmask $0x1F10;
	v11 =	vimm.s32 $0x100;
	vm6 =	vcmask $0x1310  }
0x4: {  	vm5 =	vcmask $0x1714;
	vm4 =	vcmask $0x1B18;
	v3 =	vimm.s32 $0x380  }
0x5: {  	vm10 =	vcmask $0x300;
	vm0 =	vcmask $0x1304;
	vm3 =	vcmask $0x1F1C  }
0x6: {  	vm2 =	vcmask $0x2320;
	v4 =	vimm.s32 $0x340;
	vm1 =	vcmask $0x2724  }
0x7: {  	vm12 =	vcmask $0x1708;
	v5 =	vimm.s32 $0x280;
	vm15 =	vcmask $0x2314  }
0x8: {  	vm13 =	vcmask $0x2B1C;
	vm14 =	vcmask $0x2F20;
	v15 =	vimm.s32 $0x780  }
0x9: {  	v16 =	vimm.s32 $0x781;
	v17 =	vimm.s32 $0x782;
	v18 =	vimm.s32 $0x783  }
0xa: {  	v19 =	vimm.s32 $0x784;
	v20 =	vimm.s32 $0x785;
	v21 =	vimm.s32 $0x786  }
0xb: {  	v22 =	vimm.s32 $0x787;
	v23 =	vimm.s32 $0x788;
	v24 =	vimm.s32 $0x789  }
0xc: {  	v25 =	vimm.s32 $0x78A;
	v26 =	vimm.s32 $0x78B;
	v27 =	vimm.s32 $0x78C  }
0xd: {  	v28 =	vimm.s32 $0x78D;
	v29 =	vimm.s32 $0x78E;
	v2 =	vsel vm9, $0x340, v0  }
0xe: {  	v1 =	vunpack.c.0.s8.s32 v1;
	v3 =	vsel vm10, $0x3C0, v3;
	v4 =	vsel vm10, $0x380, v4  }
0xf: {  	v0 =	vsel vm10, $0x340, v0;
	v14 =	vsel vm10, $0x140, v11;
	v11 =	vsel vm9, $0x140, v11  }
0x10: {  	v15 =	vsel vm10, $0x1, v15;
	v16 =	vsel vm10, $0x2, v16;
	v17 =	vsel vm10, $0x3, v17  }
0x11: {  	v18 =	vsel vm10, $0x4, v18;
	v19 =	vsel vm10, $0x5, v19;
	v20 =	vsel vm10, $0x6, v20  }
0x12: {  	v21 =	vsel vm10, $0x7, v21;
	v22 =	vsel vm10, $0x8, v22;
	v23 =	vsel vm10, $0x9, v23  }
0x13: {  	v24 =	vsel vm10, $0xA, v24;
	v25 =	vsel vm10, $0xB, v25;
	v26 =	vsel vm10, $0xC, v26  }
0x14: {  	v27 =	vsel vm10, $0xD, v27;
	v28 =	vsel vm10, $0xE, v28;
	v29 =	vsel vm10, $0xF, v29  }
0x15: {  	v2 =	vsel vm8, $0x380, v2;
	v4 =	vsel vm9, $0x3C0, v4;
	v0 =	vsel vm9, $0x380, v0  }
0x16: {  	v14 =	vsel vm9, $0x180, v14;
	v11 =	vsel vm8, $0x180, v11;
	v15 =	vsel vm9, $0x82, v15  }
0x17: {  	v16 =	vsel vm9, $0x83, v16;
	v17 =	vsel vm9, $0x84, v17;
	v18 =	vsel vm9, $0x85, v18  }
0x18: {  	v19 =	vsel vm9, $0x86, v19;
	v20 =	vsel vm9, $0x87, v20;
	v21 =	vsel vm9, $0x88, v21  }
0x19: {  	v22 =	vsel vm9, $0x89, v22;
	v23 =	vsel vm9, $0x8A, v23;
	v24 =	vsel vm9, $0x8B, v24  }
0x1a: {  	v25 =	vsel vm9, $0x8C, v25;
	v26 =	vsel vm9, $0x8D, v26;
	v27 =	vsel vm9, $0x8E, v27  }
0x1b: {  	v28 =	vsel vm9, $0x8F, v28;
	v29 =	vsel vm9, $0x80, v29;
	v2 =	vsel vm7, $0x3C0, v2  }
0x1c: {  	v1 =	vand.u32 $0xFF, v1;
	v0 =	vsel vm8, $0x3C0, v0;
	v14 =	vsel vm8, $0x1C0, v14  }
0x1d: {  	v11 =	vsel vm7, $0x1C0, v11;
	v15 =	vsel vm8, $0x103, v15;
	v16 =	vsel vm8, $0x104, v16  }
0x1e: {  	v17 =	vsel vm8, $0x105, v17;
	v18 =	vsel vm8, $0x106, v18;
	v19 =	vsel vm8, $0x107, v19  }
0x1f: {  	v20 =	vsel vm8, $0x108, v20;
	v21 =	vsel vm8, $0x109, v21;
	v22 =	vsel vm8, $0x10A, v22  }
0x20: {  	v23 =	vsel vm8, $0x10B, v23;
	v24 =	vsel vm8, $0x10C, v24;
	v25 =	vsel vm8, $0x10D, v25  }
0x21: {  	v26 =	vsel vm8, $0x10E, v26;
	v27 =	vsel vm8, $0x10F, v27;
	v28 =	vsel vm8, $0x100, v28  }
0x22: {  	v29 =	vsel vm8, $0x101, v29;
	v30 =	vsel vm11, v1, v2;
	v2 =	vimm.s32 $0x804000C0  }
0x23: {  	v14 =	vsel vm7, $0x200, v14;
	v11 =	vsel vm6, $0x200, v11;
	v15 =	vsel vm7, $0x184, v15  }
0x24: {  	v16 =	vsel vm7, $0x185, v16;
	v17 =	vsel vm7, $0x186, v17;
	v18 =	vsel vm7, $0x187, v18  }
0x25: {  	v19 =	vsel vm7, $0x188, v19;
	v20 =	vsel vm7, $0x189, v20;
	v21 =	vsel vm7, $0x18A, v21  }
0x26: {  	v22 =	vsel vm7, $0x18B, v22;
	v23 =	vsel vm7, $0x18C, v23;
	v24 =	vsel vm7, $0x18D, v24  }
0x27: {  	v25 =	vsel vm7, $0x18E, v25;
	v26 =	vsel vm7, $0x18F, v26;
	v27 =	vsel vm7, $0x180, v27  }
0x28: {  	v28 =	vsel vm7, $0x181, v28;
	v29 =	vsel vm7, $0x182, v29;
	v2 =	vunpack.c.0.s8.s32 v2  }
0x29: {  	v14 =	vsel vm6, $0x240, v14;
	v11 =	vsel vm5, $0x240, v11;
	v15 =	vsel vm6, $0x205, v15  }
0x2a: {  	v16 =	vsel vm6, $0x206, v16;
	v17 =	vsel vm6, $0x207, v17;
	v18 =	vsel vm6, $0x208, v18  }
0x2b: {  	v19 =	vsel vm6, $0x209, v19;
	v20 =	vsel vm6, $0x20A, v20;
	v21 =	vsel vm6, $0x20B, v21  }
0x2c: {  	v22 =	vsel vm6, $0x20C, v22;
	v23 =	vsel vm6, $0x20D, v23;
	v24 =	vsel vm6, $0x20E, v24  }
0x2d: {  	v25 =	vsel vm6, $0x20F, v25;
	v26 =	vsel vm6, $0x200, v26;
	v27 =	vsel vm6, $0x201, v27  }
0x2e: {  	v28 =	vsel vm6, $0x202, v28;
	v29 =	vsel vm6, $0x203, v29;
	v14 =	vsel vm5, $0x280, v14  }
0x2f: {  	v11 =	vsel vm4, $0x280, v11;
	v15 =	vsel vm5, $0x286, v15;
	v16 =	vsel vm5, $0x287, v16  }
0x30: {  	v17 =	vsel vm5, $0x288, v17;
	v18 =	vsel vm5, $0x289, v18;
	v19 =	vsel vm5, $0x28A, v19  }
0x31: {  	v20 =	vsel vm5, $0x28B, v20;
	v21 =	vsel vm5, $0x28C, v21;
	v22 =	vsel vm5, $0x28D, v22  }
0x32: {  	v23 =	vsel vm5, $0x28E, v23;
	v24 =	vsel vm5, $0x28F, v24;
	v25 =	vsel vm5, $0x280, v25  }
0x33: {  	v26 =	vsel vm5, $0x281, v26;
	v27 =	vsel vm5, $0x282, v27;
	v28 =	vsel vm5, $0x283, v28  }
0x34: {  	v29 =	vsel vm5, $0x284, v29;
	v2 =	vand.u32 $0xFF, v2;
	v14 =	vsel vm4, $0x2C0, v14  }
0x35: {  	v31 =	vsel vm3, $0x2C0, v11;
	v9 =	vsel vm0, v2, v3;
	v3 =	vimm.s32 $0x4000C080  }
0x36: {  	vm0 =	vcmask $0x2B28;
	v3 =	vunpack.c.0.s8.s32 v3;
	v9 =	vsel vm5, $0x100, v9  }
0x37: {  	v14 =	vsel vm3, $0x300, v14;
	v30 =	vcombine.low v31, v30;
	v9 =	vsel vm4, $0x140, v9  }
0x38: {  	v10 =	vand.u32 $0xFF, v3;
	v3 =	vimm.s32 $0xC08040;
	v9 =	vsel vm3, $0x180, v9  }
0x39: {  	v8 =	vsel vm12, v10, v4;
	v3 =	vunpack.c.0.s8.s32 v3;
	v4 =	vimm.s32 $0x2C0  }
0x3a: {  	vm12 =	vcmask $0x1B0C;
	v9 =	vsel vm2, $0x1C0, v9;
	v4 =	vsel vm10, $0x300, v4  }
0x3b: {  	v9 =	vsel vm1, $0x200, v9;
	v8 =	vsel vm4, $0x100, v8;
	v12 =	vand.u32 $0xFF, v3  }
0x3c: {  	v3 =	vsel vm9, $0x340, v4;
	v4 =	vsel vm10, $0x2C0, v5;
	v9 =	vsel vm0, $0x240, v9  }
0x3d: {  	v8 =	vsel vm3, $0x140, v8;
	v3 =	vsel vm8, $0x380, v3;
	v4 =	vsel vm9, $0x300, v4  }
0x3e: {  	v7 =	vsel vm12, v12, v0;
	vm12 =	vcmask $0x2718;
	v8 =	vsel vm2, $0x180, v8  }
0x3f: {  	v0 =	vsel vm7, $0x3C0, v3;
	v3 =	vsel vm8, $0x340, v4;
	v4 =	vimm.s32 $0x1C0  }
0x40: {  	v7 =	vsel vm3, $0x100, v7;
	v8 =	vsel vm1, $0x1C0, v8;
	v6 =	vsel vm11, v1, v0  }
0x41: {  	v0 =	vsel vm7, $0x380, v3;
	v3 =	vimm.s32 $0x240;
	v4 =	vsel vm10, $0x200, v4  }
0x42: {  	vm11 =	vcmask $0x3728;
	v0 =	vsel vm6, $0x3C0, v0;
	v3 =	vsel vm10, $0x280, v3  }
0x43: {  	v5 =	vsel vm15, v2, v0;
	v0 =	vsel vm9, $0x2C0, v3;
	v3 =	vimm.s32 $0x200  }
0x44: {  	v7 =	vsel vm2, $0x140, v7;
	v8 =	vsel vm0, $0x200, v8;
	v3 =	vsel vm10, $0x240, v3  }
0x45: {  	v4 =	vsel vm9, $0x240, v4;
	v0 =	vsel vm8, $0x300, v0;
	v3 =	vsel vm9, $0x280, v3  }
0x46: {  	v6 =	vsel vm2, $0x100, v6;
	v0 =	vsel vm7, $0x340, v0;
	v3 =	vsel vm8, $0x2C0, v3  }
0x47: {  	v4 =	vsel vm8, $0x280, v4;
	v0 =	vsel vm6, $0x380, v0;
	v3 =	vsel vm7, $0x300, v3  }
0x48: {  	v13 =	vsel vm7, $0x2C0, v4;
	v0 =	vsel vm5, $0x3C0, v0;
	v3 =	vsel vm6, $0x340, v3  }
0x49: {  	v4 =	vsel vm12, v10, v0;
	v0 =	vsel vm5, $0x380, v3;
	v3 =	vsel vm6, $0x300, v13  }
0x4a: {  	v7 =	vsel vm1, $0x180, v7;
	v0 =	vsel vm4, $0x3C0, v0;
	v13 =	vsel vm5, $0x340, v3  }
0x4b: {  	v3 =	vsel vm13, v12, v0;
	v0 =	vsel vm4, $0x380, v13;
	v13 =	vimm.s32 $0x180  }
0x4c: {  	vm15 =	vcmask $0x3324;
	v0 =	vsel vm3, $0x3C0, v0;
	v13 =	vsel vm10, $0x1C0, v13  }
0x4d: {  	v1 =	vsel vm14, v1, v0;
	v0 =	vsel vm9, $0x200, v13;
	v13 =	vimm.s32 $0x140  }
0x4e: {  	v6 =	vsel vm1, $0x140, v6;
	v7 =	vsel vm0, $0x1C0, v7;
	v13 =	vsel vm10, $0x180, v13  }
0x4f: {  	v5 =	vsel vm1, $0x100, v5;
	v0 =	vsel vm8, $0x240, v0;
	v13 =	vsel vm9, $0x1C0, v13  }
0x50: {  	v6 =	vsel vm0, $0x180, v6;
	v0 =	vsel vm7, $0x280, v0;
	v13 =	vsel vm8, $0x200, v13  }
0x51: {  	v5 =	vsel vm0, $0x140, v5;
	v0 =	vsel vm6, $0x2C0, v0;
	v13 =	vsel vm7, $0x240, v13  }
0x52: {  	vm12 =	vcmask $0x3B2C;
	v0 =	vsel vm5, $0x300, v0;
	v13 =	vsel vm6, $0x280, v13  }
0x53: {  	v4 =	vsel vm0, $0x100, v4;
	v0 =	vsel vm4, $0x340, v0;
	v13 =	vsel vm5, $0x2C0, v13  }
0x54: {  	vm13 =	vcmask $0xB00;
	v0 =	vsel vm3, $0x380, v0;
	v13 =	vsel vm4, $0x300, v13  }
0x55: {  	vm14 =	vcmask $0x3734;
	v0 =	vsel vm2, $0x3C0, v0;
	v13 =	vsel vm3, $0x340, v13  }
0x56: {  	v2 =	vsel vm15, v2, v0;
	vm15 =	vcmask $0x3B38;
	v0 =	vsel vm2, $0x380, v13  }
0x57: {  	v13 =	vsel vm2, $0x340, v14;
	v14 =	vimm.s32 $0x40;
	v34 =	vsel vm14, $0x100, v2  }
0x58: {  	v0 =	vsel vm1, $0x3C0, v0;
	v13 =	vsel vm1, $0x380, v13;
	v14 =	vsel vm10, $0x80, v14  }
0x59: {  	v13 =	vsel vm0, $0x3C0, v13;
	v10 =	vsel vm11, v10, v0;
	v14 =	vsel vm9, $0xC0, v14  }
0x5a: {  	v0 =	vsel vm12, v12, v13;
	v12 =	vnsel vm13, $0x0, v12;
	v13 =	vimm.s32 $0x80  }
0x5b: {  	v14 =	vsel vm8, $0x100, v14;
	vm12 =	vcmask $0x2F2C;
	vm13 =	vcmask $0x3330  }
0x5c: {  	v10 =	vsel vm15, $0x100, v10;
	v13 =	vsel vm10, $0xC0, v13;
	v14 =	vsel vm7, $0x140, v14  }
0x5d: {  	v12 =	vsel vm7, $0x100, v12;
	v9 =	vsel vm12, $0x280, v9;
	v8 =	vsel vm12, $0x240, v8  }
0x5e: {  	v7 =	vsel vm12, $0x200, v7;
	v6 =	vsel vm12, $0x1C0, v6;
	v5 =	vsel vm12, $0x180, v5  }
0x5f: {  	v4 =	vsel vm12, $0x140, v4;
	v3 =	vsel vm12, $0x100, v3;
	v1 =	vsel vm13, $0x100, v1  }
0x60: {  	v13 =	vsel vm9, $0x100, v13;
	v14 =	vsel vm6, $0x180, v14;
	v12 =	vsel vm6, $0x140, v12  }
0x61: {  	v9 =	vsel vm13, $0x2C0, v9;
	v8 =	vsel vm13, $0x280, v8;
	v7 =	vsel vm13, $0x240, v7  }
0x62: {  	v6 =	vsel vm13, $0x200, v6;
	v5 =	vsel vm13, $0x1C0, v5;
	v4 =	vsel vm13, $0x180, v4  }
0x63: {  	v3 =	vsel vm13, $0x140, v3;
	v33 =	vsel vm14, $0x140, v1;
	v13 =	vsel vm8, $0x140, v13  }
0x64: {  	v14 =	vsel vm5, $0x1C0, v14;
	v12 =	vsel vm5, $0x180, v12;
	v9 =	vsel vm14, $0x300, v9  }
0x65: {  	v8 =	vsel vm14, $0x2C0, v8;
	v7 =	vsel vm14, $0x280, v7;
	v6 =	vsel vm14, $0x240, v6  }
0x66: {  	v5 =	vsel vm14, $0x200, v5;
	v32 =	vsel vm14, $0x180, v3;
	v13 =	vsel vm7, $0x180, v13  }
0x67: {  	v12 =	vsel vm4, $0x1C0, v12;
	v1 =	vsel vm15, $0x340, v9;
	v2 =	vsel vm15, $0x300, v8  }
0x68: {  	v3 =	vsel vm15, $0x2C0, v7;
	v5 =	vsel vm15, $0x240, v5;
	v7 =	vsel vm15, $0x1C0, v32  }
0x69: {  	v8 =	vsel vm15, $0x180, v33;
	v13 =	vsel vm6, $0x1C0, v13;
	v12 =	vsel vm3, $0x200, v12  }
0x6a: {  	v9 =	vsel vm15, $0x140, v34;
	v13 =	vsel vm5, $0x200, v13;
	v12 =	vsel vm2, $0x240, v12  }
0x6b: {  	v11 =	vsel vm4, $0x240, v13;
	v13 =	vsel vm4, $0x200, v14;
	v14 =	vsel vm4, $0x307, v15  }
0x6c: {  	v15 =	vsel vm4, $0x308, v16;
	v16 =	vsel vm4, $0x309, v17;
	v17 =	vsel vm4, $0x30A, v18  }
0x6d: {  	v18 =	vsel vm4, $0x30B, v19;
	v19 =	vsel vm4, $0x30C, v20;
	v20 =	vsel vm4, $0x30D, v21  }
0x6e: {  	v21 =	vsel vm4, $0x30E, v22;
	v22 =	vsel vm4, $0x30F, v23;
	v23 =	vsel vm4, $0x300, v24  }
0x6f: {  	v24 =	vsel vm4, $0x301, v25;
	v25 =	vsel vm4, $0x302, v26;
	v26 =	vsel vm4, $0x303, v27  }
0x70: {  	v27 =	vsel vm4, $0x304, v28;
	v28 =	vsel vm4, $0x305, v29;
	v12 =	vsel vm1, $0x280, v12  }
0x71: {  	v29 =	vsel vm14, $0x1C0, v4;
	v4 =	vsel vm15, $0x280, v6;
	v11 =	vsel vm3, $0x280, v11  }
0x72: {  	v13 =	vsel vm3, $0x240, v13;
	v14 =	vsel vm3, $0x388, v14;
	v15 =	vsel vm3, $0x389, v15  }
0x73: {  	v16 =	vsel vm3, $0x38A, v16;
	v17 =	vsel vm3, $0x38B, v17;
	v18 =	vsel vm3, $0x38C, v18  }
0x74: {  	v19 =	vsel vm3, $0x38D, v19;
	v20 =	vsel vm3, $0x38E, v20;
	v21 =	vsel vm3, $0x38F, v21  }
0x75: {  	v22 =	vsel vm3, $0x380, v22;
	v23 =	vsel vm3, $0x381, v23;
	v24 =	vsel vm3, $0x382, v24  }
0x76: {  	v25 =	vsel vm3, $0x383, v25;
	v26 =	vsel vm3, $0x384, v26;
	v27 =	vsel vm3, $0x385, v27  }
0x77: {  	v28 =	vsel vm3, $0x386, v28;
	v12 =	vsel vm0, $0x2C0, v12;
	v6 =	vsel vm15, $0x200, v29  }
0x78: {  	v29 =	vlaneseq.u32;
	v11 =	vsel vm2, $0x2C0, v11;
	v13 =	vsel vm2, $0x280, v13  }
0x79: {  	v14 =	vsel vm2, $0x409, v14;
	v15 =	vsel vm2, $0x40A, v15;
	v16 =	vsel vm2, $0x40B, v16  }
0x7a: {  	v17 =	vsel vm2, $0x40C, v17;
	v18 =	vsel vm2, $0x40D, v18;
	v19 =	vsel vm2, $0x40E, v19  }
0x7b: {  	v20 =	vsel vm2, $0x40F, v20;
	v21 =	vsel vm2, $0x400, v21;
	v22 =	vsel vm2, $0x401, v22  }
0x7c: {  	v23 =	vsel vm2, $0x402, v23;
	v24 =	vsel vm2, $0x403, v24;
	v25 =	vsel vm2, $0x404, v25  }
0x7d: {  	v26 =	vsel vm2, $0x405, v26;
	v27 =	vsel vm2, $0x406, v27;
	v28 =	vsel vm2, $0x407, v28  }
0x7e: {  	v12 =	vsel vm12, $0x300, v12;
	v31 =	vmul.u32 $0x40, v29;
	v32 =	vmul.u32 $0x81, v29  }
0x7f: {  	v33 =	vor.u32 $0x10, v29;
	v34 =	vor.u32 $0x20, v29;
	v11 =	vsel vm1, $0x300, v11  }
0x80: {  	v13 =	vsel vm1, $0x2C0, v13;
	v14 =	vsel vm1, $0x48A, v14;
	v15 =	vsel vm1, $0x48B, v15  }
0x81: {  	v16 =	vsel vm1, $0x48C, v16;
	v17 =	vsel vm1, $0x48D, v17;
	v18 =	vsel vm1, $0x48E, v18  }
0x82: {  	v19 =	vsel vm1, $0x48F, v19;
	v20 =	vsel vm1, $0x480, v20;
	v21 =	vsel vm1, $0x481, v21  }
0x83: {  	v22 =	vsel vm1, $0x482, v22;
	v23 =	vsel vm1, $0x483, v23;
	v24 =	vsel vm1, $0x484, v24  }
0x84: {  	v25 =	vsel vm1, $0x485, v25;
	v26 =	vsel vm1, $0x486, v26;
	v27 =	vsel vm1, $0x487, v27  }
0x85: {  	v28 =	vsel vm1, $0x488, v28;
	v12 =	vsel vm13, $0x340, v12;
	v11 =	vsel vm0, $0x340, v11  }
0x86: {  	v13 =	vsel vm0, $0x300, v13;
	v14 =	vsel vm0, $0x50B, v14;
	v15 =	vsel vm0, $0x50C, v15  }
0x87: {  	v16 =	vsel vm0, $0x50D, v16;
	v17 =	vsel vm0, $0x50E, v17;
	v18 =	vsel vm0, $0x50F, v18  }
0x88: {  	v19 =	vsel vm0, $0x500, v19;
	v20 =	vsel vm0, $0x501, v20;
	v21 =	vsel vm0, $0x502, v21  }
0x89: {  	v22 =	vsel vm0, $0x503, v22;
	v23 =	vsel vm0, $0x504, v23;
	v24 =	vsel vm0, $0x505, v24  }
0x8a: {  	v25 =	vsel vm0, $0x506, v25;
	v26 =	vsel vm0, $0x507, v26;
	v27 =	vsel vm0, $0x508, v27  }
0x8b: {  	v28 =	vsel vm0, $0x509, v28;
	v35 =	vsel vm14, $0x380, v12;
	v11 =	vsel vm12, $0x380, v11  }
0x8c: {  	v13 =	vsel vm12, $0x340, v13;
	v14 =	vsel vm12, $0x58C, v14;
	v15 =	vsel vm12, $0x58D, v15  }
0x8d: {  	v16 =	vsel vm12, $0x58E, v16;
	v17 =	vsel vm12, $0x58F, v17;
	v18 =	vsel vm12, $0x580, v18  }
0x8e: {  	v19 =	vsel vm12, $0x581, v19;
	v20 =	vsel vm12, $0x582, v20;
	v21 =	vsel vm12, $0x583, v21  }
0x8f: {  	v22 =	vsel vm12, $0x584, v22;
	v23 =	vsel vm12, $0x585, v23;
	v24 =	vsel vm12, $0x586, v24  }
0x90: {  	v25 =	vsel vm12, $0x587, v25;
	v26 =	vsel vm12, $0x588, v26;
	v27 =	vsel vm12, $0x589, v27  }
0x91: {  	v28 =	vsel vm12, $0x58A, v28;
	v11 =	vsel vm13, $0x3C0, v11;
	v13 =	vsel vm13, $0x380, v13  }
0x92: {  	v14 =	vsel vm13, $0x60D, v14;
	v15 =	vsel vm13, $0x60E, v15;
	v16 =	vsel vm13, $0x60F, v16  }
0x93: {  	v17 =	vsel vm13, $0x600, v17;
	v18 =	vsel vm13, $0x601, v18;
	v19 =	vsel vm13, $0x602, v19  }
0x94: {  	v20 =	vsel vm13, $0x603, v20;
	v21 =	vsel vm13, $0x604, v21;
	v22 =	vsel vm13, $0x605, v22  }
0x95: {  	v23 =	vsel vm13, $0x606, v23;
	v24 =	vsel vm13, $0x607, v24;
	v25 =	vsel vm13, $0x608, v25  }
0x96: {  	v26 =	vsel vm13, $0x609, v26;
	v27 =	vsel vm13, $0x60A, v27;
	v28 =	vsel vm13, $0x60B, v28  }
0x97: {  	s0 =	srdreg.scid;
	s2 =	stileid.u32;
	v11 =	vsel vm14, $0x0, v11;
	v13 =	vsel vm14, $0x3C0, v13;
	v14 =	vsel vm14, $0x68E, v14  }
0x98: {  	s1 =	rddreg [dreg:$0x0];
	s15 =	simm.s32 $0xA;
	s16 =	simm.s32 $0x80;
	v15 =	vsel vm14, $0x68F, v15;
	v16 =	vsel vm14, $0x680, v16;
	v17 =	vsel vm14, $0x681, v17  }
0x99: {  	s23 =	simm.s32 $0x200;
	s24 =	simm.s32 $0xE400;
	s25 =	simm.s32 $0x12400;
	v18 =	vsel vm14, $0x682, v18;
	v19 =	vsel vm14, $0x683, v19;
	v20 =	vsel vm14, $0x684, v20  }
0x9a: {  	s26 =	simm.s32 $0x9;
	s28 =	simm.s32 $0x7;
	s29 =	simm.s32 $0x8;
	v21 =	vsel vm14, $0x685, v21;
	v22 =	vsel vm14, $0x686, v22;
	v23 =	vsel vm14, $0x687, v23  }
0x9b: {  	s30 =	simm.s32 $0x0;
	s0 =	sand.u32 $0x1, s0;
	s3 =	sshll.u32 s2, $0x1;
	v24 =	vsel vm14, $0x688, v24;
	v25 =	vsel vm14, $0x689, v25;
	v26 =	vsel vm14, $0x68A, v26  }
0x9c: {  	s2 =	rddreg [dreg:$0x1];
	s6 =	sor.u32 s0, s3;
	s3 =	simm.s32 $0x0;
	v27 =	vsel vm14, $0x68B, v27;
	v28 =	vsel vm14, $0x68C, v28;
	v11 =	vsel vm15, $0x40, v11  }
0x9d: {  	s0 =	ssub.s32 $0x2, s0;
	s8 =	sadd.s32 $0x2000, s2;
	s9 =	sadd.s32 $0x3000, s2;
	v12 =	vsel vm15, $0x0, v13;
	v13 =	vsel vm15, $0x3C0, v35;
	v14 =	vsel vm15, $0x70F, v14  }
0x9e: {  	s10 =	sadd.s32 $0x4000, s2;
	s11 =	sadd.s32 $0x5000, s2;
	s12 =	sadd.s32 $0x6000, s2;
	v15 =	vsel vm15, $0x700, v15;
	v16 =	vsel vm15, $0x701, v16;
	v17 =	vsel vm15, $0x702, v17  }
0x9f: {  	s13 =	sadd.s32 $0x7000, s2;
	s4 =	smul.u32 $0xC80, s6;
	[smem:$0x7FF] =	sst s3;
	v18 =	vsel vm15, $0x703, v18;
	v19 =	vsel vm15, $0x704, v19;
	v20 =	vsel vm15, $0x705, v20  }
0xa0: {  	s7 =	sshrl.u32 s0, $0x1;
	s6 =	sshll.u32 s6, $0x7;
	_ =	strace $0x80000047;
	v21 =	vsel vm15, $0x706, v21;
	v22 =	vsel vm15, $0x707, v22;
	v23 =	vsel vm15, $0x708, v23  }
0xa1: {  	s0 =	ssub.s32 s0, s7;
	s7 =	sadd.s32 $0x1000, s2;
	s5 =	sadd.s32 s4, s1;
	v24 =	vsel vm15, $0x709, v24;
	v25 =	vsel vm15, $0x70A, v25;
	v26 =	vsel vm15, $0x70B, v26  }
0xa2: {  	s4 =	sadd.s32 $0xF42A00, s1;
	s14 =	smax.u32 s0, $0x1;
	s5 =	sadd.s32 $0x600, s5;
	v27 =	vsel vm15, $0x70C, v27;
	v28 =	vsel vm15, $0x70D, v28;
	v35 =	vor.u32 $0x30, v29  }
.LBB2_1:
0xa3: {  	[tilespmem:s3], [sflag:$0xA] =	stream.linear.gather [hbm4b:s5+s3], $0x6400, $0x38;
	[tilespmem:$0x18400] =	vst v63  }
0xa4: {  	_ =	swait.ge [sflag:s15], $0x6400  }
0xa5: {  	[sflag:s15] =	ssyncset.done $0x0  }
0xa6: {  	s0 =	simm.s32 $0x6400;
	[sflag:s15] =	ssyncadd.s32 $0xFFFF9C00  }
0xa7: {  	[tilespmem:s0], [sflag:$0x1] =	stream.indirect.gather [hbm4b:s4+s16], $0x40, s3, s16, $0xb8;
	[tilespmem:$0x18400] =	vst v63  }
0xa8: {  	s19 =	simm.s32 $0x8400  }
0xa9: {  	[tilespmem:s19], [sflag:$0x2] =	stream.indirect.gather [hbm4b:s4+s16], $0x40, s16, s16, $0xb8;
	[tilespmem:$0x18400] =	vst v63  }
0xaa: {  	s20 =	simm.s32 $0x100;
	s1 =	simm.s32 $0xA400  }
0xab: {  	[tilespmem:s1], [sflag:$0x3] =	stream.indirect.gather [hbm4b:s4+s16], $0x40, s20, s16, $0xb8;
	[tilespmem:$0x18400] =	vst v63  }
0xac: {  	s21 =	simm.s32 $0x180;
	s22 =	simm.s32 $0xC400  }
0xad: {  	[tilespmem:s22], [sflag:$0x4] =	stream.indirect.gather [hbm4b:s4+s16], $0x40, s21, s16, $0xb8;
	[tilespmem:$0x18400] =	vst v63  }
0xae: {  	s31 =	simm.s32 $0x0  }
0xaf: {  	[tilespmem:s24], [sflag:$0x5] =	stream.indirect.gather [hbm4b:s4+s16], $0x40, s23, s16, $0xb8;
	[tilespmem:$0x18400] =	vst v63  }
.LBB2_2:
0xb0: {  	s0 =	smul.u32 $0xAB, s31;
	_ =	sdelay $0x1  }
0xb1: {  	s1 =	sshrl.u32 s0, $0xA  }
0xb2: {  	s1 =	sand.u32 $0x3F, s1  }
0xb3: {  	s1 =	smul.u32 $0x6, s1  }
0xb4: {  	s0 =	sshrl.u32 s0, $0x9  }
0xb5: {  	s0 =	sand.u32 $0x7F, s0;
	s1 =	ssub.s32 s31, s1  }
0xb6: {  	s0 =	smul.u32 $0x3, s0;
	s17 =	sand.u32 $0xFF, s1  }
0xb7: {  	s18 =	sadd.s32 $0x1, s17  }
0xb8: {  	s0 =	ssub.s32 s31, s0;
	_ =	swait.ge [sflag:s18], $0x2000  }
0xb9: {  	p0 =	slt.u32 s31, $0x3;
	s1 =	sand.u32 $0xFF, s0;
	[sflag:s18] =	ssyncset.done $0x0  }
0xba: {  	s0 =	sadd.s32 @!p0 $0x7, s1;
	[sflag:s18] =	ssyncadd.s32 $0xFFFFE000  }
0xbb: {  	_ =	swait.ge @!p0 [sflag:s0], $0x400  }
0xbc: {  	[sflag:s0] =	ssyncset.done @!p0 $0x0  }
0xbd: {  	[sflag:s0] =	ssyncadd.s32 @!p0 $0xFFFFFC00  }
0xbe: {  	_ =	swait.ge @!p0 [sflag:s0], $0x400  }
0xbf: {  	[sflag:s0] =	ssyncset.done @!p0 $0x0  }
0xc0: {  	[sflag:s0] =	ssyncadd.s32 @!p0 $0xFFFFFC00  }
0xc1: {  	_ =	swait.ge @!p0 [sflag:s0], $0x400  }
0xc2: {  	[sflag:s0] =	ssyncset.done @!p0 $0x0  }
0xc3: {  	[sflag:s0] =	ssyncadd.s32 @!p0 $0xFFFFFC00  }
0xc4: {  	_ =	swait.ge @!p0 [sflag:s0], $0x400  }
0xc5: {  	[sflag:s0] =	ssyncset.done @!p0 $0x0  }
0xc6: {  	[sflag:s0] =	ssyncadd.s32 @!p0 $0xFFFFFC00  }
0xc7: {  	_ =	swait.ge @!p0 [sflag:s0], $0x400  }
0xc8: {  	[sflag:s0] =	ssyncset.done @!p0 $0x0  }
0xc9: {  	[sflag:s0] =	ssyncadd.s32 @!p0 $0xFFFFFC00  }
0xca: {  	_ =	swait.ge @!p0 [sflag:s0], $0x400  }
0xcb: {  	[sflag:s0] =	ssyncset.done @!p0 $0x0  }
0xcc: {  	[sflag:s0] =	ssyncadd.s32 @!p0 $0xFFFFFC00  }
0xcd: {  	_ =	swait.ge @!p0 [sflag:s0], $0x400  }
0xce: {  	[sflag:s0] =	ssyncset.done @!p0 $0x0  }
0xcf: {  	[sflag:s0] =	ssyncadd.s32 @!p0 $0xFFFFFC00  }
0xd0: {  	s17 =	sshll.u32 s17, $0xD;
	_ =	swait.ge @!p0 [sflag:s0], $0x400  }
0xd1: {  	s17 =	sadd.s32 $0x6400, s17;
	s18 =	simm.s32 $0x0;
	[sflag:s0] =	ssyncset.done @!p0 $0x0  }
0xd2: {  	[sflag:s0] =	ssyncadd.s32 @!p0 $0xFFFFFC00;
	s0 =	sshll.u32 s1, $0xD;
	p0 =	por $0x1, $0x1  }
.LBB2_3:
0xd3: {  	v36 =	vmov s18  }
0xd4: {  	s19 =	sor.u32 $0x10, s18;
	v37 =	vshll.u32 v36, $0x6  }
0xd5: {  	s20 =	sor.u32 $0x20, s18;
	v52 =	vmov s19;
	v38 =	vor.u32 v31, v37  }
0xd6: {  	s21 =	sor.u32 $0x30, s18;
	v53 =	vmov s20;
	v39 =	vshll.u32 v52, $0x6;
	v40 =	vor.u32 v29, v38  }
0xd7: {  	v42 =	vmov s21;
	v36 =	vshll.u32 v53, $0x6;
	v54 =	vor.u32 v31, v39  }
0xd8: {  	v55 =	vor.u32 v31, v36;
	v38 =	vshll.u32 v42, $0x6;
	v41 =	vor.u32 v29, v54  }
0xd9: {  	v43 =	vor.u32 v29, v55;
	v42 =	vor.u32 v31, v38  }
0xda: {  	s22 =	sor.u32 s0, s18;
	v42 =	vor.u32 v29, v42  }
0xdb: {  	v44 =	vor.u32 s22, v32;
	v45 =	vor.u32 v13, v37;
	v40 =	vld.idx.msk [tilespmem:v40+s17+$0x0], $0xffff  }
0xdc: {  	s19 =	sor.u32 s0, s19;
	v45 =	vor.u32 v29, v45  }
0xdd: {  	s20 =	sor.u32 s0, s20;
	v46 =	vor.u32 s19, v32;
	v47 =	vor.u32 v13, v39;
	v41 =	vld.idx.msk [tilespmem:v41+s17+$0x0], $0xffff  }
0xde: {  	s21 =	sor.u32 s0, s21;
	v48 =	vor.u32 s20, v32;
	v49 =	vor.u32 v13, v36;
	v47 =	vor.u32 v29, v47;
	v43 =	vld.idx.msk [tilespmem:v43+s17+$0x0], $0xffff  }
0xdf: {  	v50 =	vor.u32 s21, v32;
	v49 =	vor.u32 v29, v49;
	v51 =	vor.u32 v13, v38;
	v42 =	vld.idx.msk [tilespmem:v42+s17+$0x0], $0xffff  }
0xe0: {  	v57 =	vor.u32 v29, v51;
	[tilespmem:v44+s25+$0x0] =	vst.idx.msk $0xffff, v40  }
0xe1: {  	v58 =	vor.u32 s22, v14;
	v56 =	vor.u32 v12, v37;
	v45 =	vld.idx.msk [tilespmem:v45+s17+$0x0], $0xffff  }
0xe2: {  	v40 =	vor.u32 v29, v56;
	[tilespmem:v46+s25+$0x0] =	vst.idx.msk $0xffff, v41  }
0xe3: {  	v59 =	vor.u32 s19, v14;
	v63 =	vor.u32 s20, v14;
	v60 =	vor.u32 v12, v39;
	[tilespmem:v48+s25+$0x0] =	vst.idx.msk $0xffff, v43;
	v41 =	vld.idx.msk [tilespmem:v47+s17+$0x0], $0xffff  }
0xe4: {  	v61 =	vor.u32 v29, v60;
	v54 =	vor.u32 v12, v36;
	v62 =	vld.idx.msk [tilespmem:v49+s17+$0x0], $0xffff;
	[tilespmem:v50+s25+$0x0] =	vst.idx.msk $0xffff, v42  }
0xe5: {  	v55 =	vor.u32 s21, v14;
	v56 =	vor.u32 v12, v38;
	v49 =	vor.u32 v29, v54;
	v42 =	vld.idx.msk [tilespmem:v57+s17+$0x0], $0xffff  }
0xe6: {  	v50 =	vor.u32 v29, v56;
	[tilespmem:v58+s25+$0x0] =	vst.idx.msk $0xffff, v45  }
0xe7: {  	v57 =	vor.u32 v11, v37;
	v58 =	vor.u32 s22, v15;
	v40 =	vld.idx.msk [tilespmem:v40+s17+$0x0], $0xffff  }
0xe8: {  	v60 =	vor.u32 v11, v39;
	v45 =	vor.u32 v29, v57;
	[tilespmem:v59+s25+$0x0] =	vst.idx.msk $0xffff, v41  }
0xe9: {  	v46 =	vor.u32 v29, v60;
	v59 =	vor.u32 s19, v15;
	[tilespmem:v63+s25+$0x0] =	vst.idx.msk $0xffff, v62;
	v41 =	vld.idx.msk [tilespmem:v61+s17+$0x0], $0xffff  }
0xea: {  	v62 =	vor.u32 v11, v36;
	v47 =	vld.idx.msk [tilespmem:v49+s17+$0x0], $0xffff;
	v61 =	vor.u32 s20, v15;
	[tilespmem:v55+s25+$0x0] =	vst.idx.msk $0xffff, v42  }
0xeb: {  	v54 =	vor.u32 v11, v38;
	v63 =	vor.u32 s21, v15;
	v49 =	vor.u32 v29, v62;
	v42 =	vld.idx.msk [tilespmem:v50+s17+$0x0], $0xffff  }
0xec: {  	v50 =	vor.u32 v29, v54;
	[tilespmem:v58+s25+$0x0] =	vst.idx.msk $0xffff, v40  }
0xed: {  	v56 =	vor.u32 s22, v16;
	v55 =	vor.u32 v30, v37;
	v45 =	vld.idx.msk [tilespmem:v45+s17+$0x0], $0xffff  }
0xee: {  	v60 =	vor.u32 v30, v36;
	v40 =	vor.u32 v29, v55;
	[tilespmem:v59+s25+$0x0] =	vst.idx.msk $0xffff, v41  }
0xef: {  	v57 =	vor.u32 s19, v16;
	v58 =	vor.u32 v30, v39;
	[tilespmem:v61+s25+$0x0] =	vst.idx.msk $0xffff, v47;
	v41 =	vld.idx.msk [tilespmem:v46+s17+$0x0], $0xffff  }
0xf0: {  	v59 =	vor.u32 s20, v16;
	v46 =	vor.u32 v29, v58;
	v47 =	vld.idx.msk [tilespmem:v49+s17+$0x0], $0xffff;
	[tilespmem:v63+s25+$0x0] =	vst.idx.msk $0xffff, v42  }
0xf1: {  	v62 =	vor.u32 v30, v38;
	v61 =	vor.u32 s21, v16;
	v49 =	vor.u32 v29, v60;
	v42 =	vld.idx.msk [tilespmem:v50+s17+$0x0], $0xffff  }
0xf2: {  	v50 =	vor.u32 v29, v62;
	[tilespmem:v56+s25+$0x0] =	vst.idx.msk $0xffff, v45  }
0xf3: {  	v54 =	vor.u32 s22, v17;
	v63 =	vor.u32 v0, v37;
	v40 =	vld.idx.msk [tilespmem:v40+s17+$0x0], $0xffff  }
0xf4: {  	v55 =	vor.u32 s19, v17;
	v45 =	vor.u32 v29, v63;
	[tilespmem:v57+s25+$0x0] =	vst.idx.msk $0xffff, v41  }
0xf5: {  	v58 =	vor.u32 v0, v36;
	v56 =	vor.u32 v0, v39;
	[tilespmem:v59+s25+$0x0] =	vst.idx.msk $0xffff, v47;
	v41 =	vld.idx.msk [tilespmem:v46+s17+$0x0], $0xffff  }
0xf6: {  	v57 =	vor.u32 s20, v17;
	v46 =	vor.u32 v29, v56;
	v47 =	vld.idx.msk [tilespmem:v49+s17+$0x0], $0xffff;
	[tilespmem:v61+s25+$0x0] =	vst.idx.msk $0xffff, v42  }
0xf7: {  	v60 =	vor.u32 v0, v38;
	v59 =	vor.u32 s21, v17;
	v49 =	vor.u32 v29, v58;
	v42 =	vld.idx.msk [tilespmem:v50+s17+$0x0], $0xffff  }
0xf8: {  	v50 =	vor.u32 v29, v60;
	[tilespmem:v54+s25+$0x0] =	vst.idx.msk $0xffff, v40  }
0xf9: {  	v62 =	vor.u32 s22, v18;
	v61 =	vor.u32 v10, v37;
	v45 =	vld.idx.msk [tilespmem:v45+s17+$0x0], $0xffff  }
0xfa: {  	v63 =	vor.u32 s19, v18;
	v40 =	vor.u32 v29, v61;
	[tilespmem:v55+s25+$0x0] =	vst.idx.msk $0xffff, v41  }
0xfb: {  	v56 =	vor.u32 v10, v36;
	v54 =	vor.u32 v10, v39;
	[tilespmem:v57+s25+$0x0] =	vst.idx.msk $0xffff, v47;
	v41 =	vld.idx.msk [tilespmem:v46+s17+$0x0], $0xffff  }
0xfc: {  	v55 =	vor.u32 s20, v18;
	v46 =	vor.u32 v29, v54;
	v47 =	vld.idx.msk [tilespmem:v49+s17+$0x0], $0xffff;
	[tilespmem:v59+s25+$0x0] =	vst.idx.msk $0xffff, v42  }
0xfd: {  	v58 =	vor.u32 v10, v38;
	v57 =	vor.u32 s21, v18;
	v49 =	vor.u32 v29, v56;
	v42 =	vld.idx.msk [tilespmem:v50+s17+$0x0], $0xffff  }
0xfe: {  	v50 =	vor.u32 v29, v58;
	[tilespmem:v62+s25+$0x0] =	vst.idx.msk $0xffff, v45  }
0xff: {  	v60 =	vor.u32 s22, v19;
	v59 =	vor.u32 v9, v37;
	v40 =	vld.idx.msk [tilespmem:v40+s17+$0x0], $0xffff  }
0x100: {  	v61 =	vor.u32 s19, v19;
	v45 =	vor.u32 v29, v59;
	[tilespmem:v63+s25+$0x0] =	vst.idx.msk $0xffff, v41  }
0x101: {  	v54 =	vor.u32 v9, v36;
	v62 =	vor.u32 v9, v39;
	[tilespmem:v55+s25+$0x0] =	vst.idx.msk $0xffff, v47;
	v41 =	vld.idx.msk [tilespmem:v46+s17+$0x0], $0xffff  }
0x102: {  	v63 =	vor.u32 s20, v19;
	v46 =	vor.u32 v29, v62;
	v47 =	vld.idx.msk [tilespmem:v49+s17+$0x0], $0xffff;
	[tilespmem:v57+s25+$0x0] =	vst.idx.msk $0xffff, v42  }
0x103: {  	v56 =	vor.u32 v9, v38;
	v55 =	vor.u32 s21, v19;
	v49 =	vor.u32 v29, v54;
	v42 =	vld.idx.msk [tilespmem:v50+s17+$0x0], $0xffff  }
0x104: {  	v50 =	vor.u32 v29, v56;
	[tilespmem:v60+s25+$0x0] =	vst.idx.msk $0xffff, v40  }
0x105: {  	v58 =	vor.u32 s22, v20;
	v57 =	vor.u32 v8, v37;
	v45 =	vld.idx.msk [tilespmem:v45+s17+$0x0], $0xffff  }
0x106: {  	v59 =	vor.u32 s19, v20;
	v40 =	vor.u32 v29, v57;
	[tilespmem:v61+s25+$0x0] =	vst.idx.msk $0xffff, v41  }
0x107: {  	v62 =	vor.u32 v8, v36;
	v60 =	vor.u32 v8, v39;
	[tilespmem:v63+s25+$0x0] =	vst.idx.msk $0xffff, v47;
	v41 =	vld.idx.msk [tilespmem:v46+s17+$0x0], $0xffff  }
0x108: {  	v61 =	vor.u32 s20, v20;
	v46 =	vor.u32 v29, v60;
	v47 =	vld.idx.msk [tilespmem:v49+s17+$0x0], $0xffff;
	[tilespmem:v55+s25+$0x0] =	vst.idx.msk $0xffff, v42  }
0x109: {  	v54 =	vor.u32 v8, v38;
	v63 =	vor.u32 s21, v20;
	v49 =	vor.u32 v29, v62;
	v42 =	vld.idx.msk [tilespmem:v50+s17+$0x0], $0xffff  }
0x10a: {  	v50 =	vor.u32 v29, v54;
	[tilespmem:v58+s25+$0x0] =	vst.idx.msk $0xffff, v45  }
0x10b: {  	v56 =	vor.u32 s22, v21;
	v55 =	vor.u32 v7, v37;
	v40 =	vld.idx.msk [tilespmem:v40+s17+$0x0], $0xffff  }
0x10c: {  	v57 =	vor.u32 s19, v21;
	v45 =	vor.u32 v29, v55;
	[tilespmem:v59+s25+$0x0] =	vst.idx.msk $0xffff, v41  }
0x10d: {  	v60 =	vor.u32 v7, v36;
	v58 =	vor.u32 v7, v39;
	[tilespmem:v61+s25+$0x0] =	vst.idx.msk $0xffff, v47;
	v41 =	vld.idx.msk [tilespmem:v46+s17+$0x0], $0xffff  }
0x10e: {  	v59 =	vor.u32 s20, v21;
	v46 =	vor.u32 v29, v58;
	v47 =	vld.idx.msk [tilespmem:v49+s17+$0x0], $0xffff;
	[tilespmem:v63+s25+$0x0] =	vst.idx.msk $0xffff, v42  }
0x10f: {  	v62 =	vor.u32 v7, v38;
	v61 =	vor.u32 s21, v21;
	v49 =	vor.u32 v29, v60;
	v42 =	vld.idx.msk [tilespmem:v50+s17+$0x0], $0xffff  }
0x110: {  	v50 =	vor.u32 v29, v62;
	[tilespmem:v56+s25+$0x0] =	vst.idx.msk $0xffff, v40  }
0x111: {  	v54 =	vor.u32 s22, v22;
	v63 =	vor.u32 v6, v37;
	v45 =	vld.idx.msk [tilespmem:v45+s17+$0x0], $0xffff  }
0x112: {  	v55 =	vor.u32 s19, v22;
	v40 =	vor.u32 v29, v63;
	[tilespmem:v57+s25+$0x0] =	vst.idx.msk $0xffff, v41  }
0x113: {  	v58 =	vor.u32 v6, v36;
	v56 =	vor.u32 v6, v39;
	[tilespmem:v59+s25+$0x0] =	vst.idx.msk $0xffff, v47;
	v41 =	vld.idx.msk [tilespmem:v46+s17+$0x0], $0xffff  }
0x114: {  	v57 =	vor.u32 s20, v22;
	v46 =	vor.u32 v29, v56;
	v47 =	vld.idx.msk [tilespmem:v49+s17+$0x0], $0xffff;
	[tilespmem:v61+s25+$0x0] =	vst.idx.msk $0xffff, v42  }
0x115: {  	v60 =	vor.u32 v6, v38;
	v59 =	vor.u32 s21, v22;
	v49 =	vor.u32 v29, v58;
	v42 =	vld.idx.msk [tilespmem:v50+s17+$0x0], $0xffff  }
0x116: {  	v50 =	vor.u32 v29, v60;
	[tilespmem:v54+s25+$0x0] =	vst.idx.msk $0xffff, v45  }
0x117: {  	v62 =	vor.u32 s22, v23;
	v61 =	vor.u32 v5, v37;
	v40 =	vld.idx.msk [tilespmem:v40+s17+$0x0], $0xffff  }
0x118: {  	v63 =	vor.u32 s19, v23;
	v45 =	vor.u32 v29, v61;
	[tilespmem:v55+s25+$0x0] =	vst.idx.msk $0xffff, v41  }
0x119: {  	v56 =	vor.u32 v5, v36;
	v54 =	vor.u32 v5, v39;
	[tilespmem:v57+s25+$0x0] =	vst.idx.msk $0xffff, v47;
	v41 =	vld.idx.msk [tilespmem:v46+s17+$0x0], $0xffff  }
0x11a: {  	v55 =	vor.u32 s20, v23;
	v46 =	vor.u32 v29, v54;
	v47 =	vld.idx.msk [tilespmem:v49+s17+$0x0], $0xffff;
	[tilespmem:v59+s25+$0x0] =	vst.idx.msk $0xffff, v42  }
0x11b: {  	v58 =	vor.u32 v5, v38;
	v57 =	vor.u32 s21, v23;
	v49 =	vor.u32 v29, v56;
	v42 =	vld.idx.msk [tilespmem:v50+s17+$0x0], $0xffff  }
0x11c: {  	v50 =	vor.u32 v29, v58;
	[tilespmem:v62+s25+$0x0] =	vst.idx.msk $0xffff, v40  }
0x11d: {  	v60 =	vor.u32 s22, v24;
	v59 =	vor.u32 v4, v37;
	v45 =	vld.idx.msk [tilespmem:v45+s17+$0x0], $0xffff  }
0x11e: {  	v61 =	vor.u32 s19, v24;
	v40 =	vor.u32 v29, v59;
	[tilespmem:v63+s25+$0x0] =	vst.idx.msk $0xffff, v41  }
0x11f: {  	v54 =	vor.u32 v4, v36;
	v62 =	vor.u32 v4, v39;
	[tilespmem:v55+s25+$0x0] =	vst.idx.msk $0xffff, v47;
	v41 =	vld.idx.msk [tilespmem:v46+s17+$0x0], $0xffff  }
0x120: {  	v63 =	vor.u32 s20, v24;
	v46 =	vor.u32 v29, v62;
	v47 =	vld.idx.msk [tilespmem:v49+s17+$0x0], $0xffff;
	[tilespmem:v57+s25+$0x0] =	vst.idx.msk $0xffff, v42  }
0x121: {  	v56 =	vor.u32 v4, v38;
	v55 =	vor.u32 s21, v24;
	v49 =	vor.u32 v29, v54;
	v42 =	vld.idx.msk [tilespmem:v50+s17+$0x0], $0xffff  }
0x122: {  	v50 =	vor.u32 v29, v56;
	[tilespmem:v60+s25+$0x0] =	vst.idx.msk $0xffff, v45  }
0x123: {  	v58 =	vor.u32 s22, v25;
	v57 =	vor.u32 v3, v37;
	v40 =	vld.idx.msk [tilespmem:v40+s17+$0x0], $0xffff  }
0x124: {  	v59 =	vor.u32 s19, v25;
	v45 =	vor.u32 v29, v57;
	[tilespmem:v61+s25+$0x0] =	vst.idx.msk $0xffff, v41  }
0x125: {  	v62 =	vor.u32 v3, v36;
	v60 =	vor.u32 v3, v39;
	[tilespmem:v63+s25+$0x0] =	vst.idx.msk $0xffff, v47;
	v41 =	vld.idx.msk [tilespmem:v46+s17+$0x0], $0xffff  }
0x126: {  	v61 =	vor.u32 s20, v25;
	v46 =	vor.u32 v29, v60;
	v47 =	vld.idx.msk [tilespmem:v49+s17+$0x0], $0xffff;
	[tilespmem:v55+s25+$0x0] =	vst.idx.msk $0xffff, v42  }
0x127: {  	v53 =	vor.u32 v3, v38;
	v63 =	vor.u32 s21, v25;
	v49 =	vor.u32 v29, v62;
	v42 =	vld.idx.msk [tilespmem:v50+s17+$0x0], $0xffff  }
0x128: {  	v54 =	vor.u32 v29, v53;
	[tilespmem:v58+s25+$0x0] =	vst.idx.msk $0xffff, v40  }
0x129: {  	v56 =	vor.u32 v2, v37;
	v55 =	vor.u32 s22, v26;
	v45 =	vld.idx.msk [tilespmem:v45+s17+$0x0], $0xffff  }
0x12a: {  	v57 =	vor.u32 v29, v56;
	[tilespmem:v59+s25+$0x0] =	vst.idx.msk $0xffff, v41  }
0x12b: {  	v60 =	vor.u32 s20, v26;
	v58 =	vor.u32 s19, v26;
	[tilespmem:v61+s25+$0x0] =	vst.idx.msk $0xffff, v47;
	v59 =	vor.u32 v2, v39;
	v43 =	vld.idx.msk [tilespmem:v46+s17+$0x0], $0xffff  }
0x12c: {  	v61 =	vor.u32 v2, v36;
	v48 =	vld.idx.msk [tilespmem:v49+s17+$0x0], $0xffff;
	v47 =	vor.u32 v29, v59;
	[tilespmem:v63+s25+$0x0] =	vst.idx.msk $0xffff, v42  }
0x12d: {  	v62 =	vor.u32 v29, v61;
	v63 =	vor.u32 s21, v26;
	v40 =	vld.idx.msk [tilespmem:v54+s17+$0x0], $0xffff;
	v54 =	vor.u32 v2, v38  }
0x12e: {  	v37 =	vor.u32 v1, v37;
	[tilespmem:v55+s25+$0x0] =	vst.idx.msk $0xffff, v45;
	v55 =	vor.u32 v29, v54  }
0x12f: {  	v37 =	vor.u32 v29, v37  }
0x130: {  	v56 =	vor.u32 s22, v27;
	v39 =	vor.u32 v1, v39;
	[tilespmem:v58+s25+$0x0] =	vst.idx.msk $0xffff, v43;
	v41 =	vld.idx.msk [tilespmem:v57+s17+$0x0], $0xffff  }
0x131: {  	v36 =	vor.u32 v1, v36;
	[tilespmem:v60+s25+$0x0] =	vst.idx.msk $0xffff, v48;
	v57 =	vor.u32 s19, v27;
	v46 =	vld.idx.msk [tilespmem:v47+s17+$0x0], $0xffff  }
0x132: {  	v39 =	vor.u32 v29, v39;
	v58 =	vor.u32 s20, v27;
	v42 =	vld.idx.msk [tilespmem:v62+s17+$0x0], $0xffff;
	[tilespmem:v63+s25+$0x0] =	vst.idx.msk $0xffff, v40  }
0x133: {  	v36 =	vor.u32 v29, v36;
	v59 =	vor.u32 s21, v27;
	v38 =	vor.u32 v1, v38;
	v44 =	vld.idx.msk [tilespmem:v55+s17+$0x0], $0xffff  }
0x134: {  	v38 =	vor.u32 v29, v38  }
0x135: {  	[tilespmem:v56+s25+$0x0] =	vst.idx.msk $0xffff, v41  }
0x136: {  	v60 =	vor.u32 s22, v28;
	[tilespmem:v57+s25+$0x0] =	vst.idx.msk $0xffff, v46;
	v37 =	vld.idx.msk [tilespmem:v37+s17+$0x0], $0xffff  }
0x137: {  	v61 =	vor.u32 s19, v28;
	[tilespmem:v58+s25+$0x0] =	vst.idx.msk $0xffff, v42;
	v39 =	vld.idx.msk [tilespmem:v39+s17+$0x0], $0xffff  }
0x138: {  	v62 =	vor.u32 s20, v28;
	v36 =	vld.idx.msk [tilespmem:v36+s17+$0x0], $0xffff;
	[tilespmem:v59+s25+$0x0] =	vst.idx.msk $0xffff, v44  }
0x139: {  	p1 =	por p0, p0;
	v63 =	vor.u32 s21, v28;
	v38 =	vld.idx.msk [tilespmem:v38+s17+$0x0], $0xffff  }
.Ltmp0:
0x13a: {  	_ = 	snop;
	(pc) =	sbr.rel @p1 .LBB2_3-.Ltmp0, $4  }
0x13b: {  	[tilespmem:v60+s25+$0x0] =	vst.idx.msk $0xffff, v37  }
0x13c: {  	[tilespmem:v61+s25+$0x0] =	vst.idx.msk $0xffff, v39  }
0x13d: {  	[tilespmem:v62+s25+$0x0] =	vst.idx.msk $0xffff, v36  }
0x13e: {  	s18 =	simm.s32 $0x40;
	p0 =	por $0x0, $0x0;
	[tilespmem:v63+s25+$0x0] =	vst.idx.msk $0xffff, v38  }
0x13f: {  	s18 =	sor.u32 $0x800, s0;
	s19 =	simm.s32 $0x0;
	p0 =	por $0x1, $0x1  }
.LBB2_5:
0x140: {  	v36 =	vmov s19  }
0x141: {  	s20 =	sor.u32 $0x10, s19;
	v37 =	vshll.u32 v36, $0x6  }
0x142: {  	s21 =	sor.u32 $0x20, s19;
	v52 =	vmov s20;
	v38 =	vor.u32 v31, v37  }
0x143: {  	s22 =	sor.u32 $0x30, s19;
	v53 =	vmov s21;
	v39 =	vshll.u32 v52, $0x6;
	v40 =	vor.u32 v33, v38  }
0x144: {  	v42 =	vmov s22;
	v36 =	vshll.u32 v53, $0x6;
	v54 =	vor.u32 v31, v39  }
0x145: {  	v55 =	vor.u32 v31, v36;
	v38 =	vshll.u32 v42, $0x6;
	v41 =	vor.u32 v33, v54  }
0x146: {  	v43 =	vor.u32 v33, v55;
	v42 =	vor.u32 v31, v38  }
0x147: {  	s19 =	sor.u32 s18, s19;
	v42 =	vor.u32 v33, v42  }
0x148: {  	v44 =	vor.u32 s19, v32;
	v45 =	vor.u32 v13, v37;
	v40 =	vld.idx.msk [tilespmem:v40+s17+$0x0], $0xffff  }
0x149: {  	s20 =	sor.u32 s18, s20;
	v45 =	vor.u32 v33, v45  }
0x14a: {  	s21 =	sor.u32 s18, s21;
	v46 =	vor.u32 s20, v32;
	v47 =	vor.u32 v13, v39;
	v41 =	vld.idx.msk [tilespmem:v41+s17+$0x0], $0xffff  }
0x14b: {  	s22 =	sor.u32 s18, s22;
	v48 =	vor.u32 s21, v32;
	v49 =	vor.u32 v13, v36;
	v47 =	vor.u32 v33, v47;
	v43 =	vld.idx.msk [tilespmem:v43+s17+$0x0], $0xffff  }
0x14c: {  	v50 =	vor.u32 s22, v32;
	v49 =	vor.u32 v33, v49;
	v51 =	vor.u32 v13, v38;
	v42 =	vld.idx.msk [tilespmem:v42+s17+$0x0], $0xffff  }
0x14d: {  	v57 =	vor.u32 v33, v51;
	[tilespmem:v44+s25+$0x0] =	vst.idx.msk $0xffff, v40  }
0x14e: {  	v58 =	vor.u32 s19, v14;
	v56 =	vor.u32 v12, v37;
	v45 =	vld.idx.msk [tilespmem:v45+s17+$0x0], $0xffff  }
0x14f: {  	v40 =	vor.u32 v33, v56;
	[tilespmem:v46+s25+$0x0] =	vst.idx.msk $0xffff, v41  }
0x150: {  	v59 =	vor.u32 s20, v14;
	v63 =	vor.u32 s21, v14;
	v60 =	vor.u32 v12, v39;
	[tilespmem:v48+s25+$0x0] =	vst.idx.msk $0xffff, v43;
	v41 =	vld.idx.msk [tilespmem:v47+s17+$0x0], $0xffff  }
0x151: {  	v61 =	vor.u32 v33, v60;
	v54 =	vor.u32 v12, v36;
	v62 =	vld.idx.msk [tilespmem:v49+s17+$0x0], $0xffff;
	[tilespmem:v50+s25+$0x0] =	vst.idx.msk $0xffff, v42  }
0x152: {  	v55 =	vor.u32 s22, v14;
	v56 =	vor.u32 v12, v38;
	v49 =	vor.u32 v33, v54;
	v42 =	vld.idx.msk [tilespmem:v57+s17+$0x0], $0xffff  }
0x153: {  	v50 =	vor.u32 v33, v56;
	[tilespmem:v58+s25+$0x0] =	vst.idx.msk $0xffff, v45  }
0x154: {  	v57 =	vor.u32 v11, v37;
	v58 =	vor.u32 s19, v15;
	v40 =	vld.idx.msk [tilespmem:v40+s17+$0x0], $0xffff  }
0x155: {  	v60 =	vor.u32 v11, v39;
	v45 =	vor.u32 v33, v57;
	[tilespmem:v59+s25+$0x0] =	vst.idx.msk $0xffff, v41  }
0x156: {  	v46 =	vor.u32 v33, v60;
	v59 =	vor.u32 s20, v15;
	[tilespmem:v63+s25+$0x0] =	vst.idx.msk $0xffff, v62;
	v41 =	vld.idx.msk [tilespmem:v61+s17+$0x0], $0xffff  }
0x157: {  	v62 =	vor.u32 v11, v36;
	v47 =	vld.idx.msk [tilespmem:v49+s17+$0x0], $0xffff;
	v61 =	vor.u32 s21, v15;
	[tilespmem:v55+s25+$0x0] =	vst.idx.msk $0xffff, v42  }
0x158: {  	v54 =	vor.u32 v11, v38;
	v63 =	vor.u32 s22, v15;
	v49 =	vor.u32 v33, v62;
	v42 =	vld.idx.msk [tilespmem:v50+s17+$0x0], $0xffff  }
0x159: {  	v50 =	vor.u32 v33, v54;
	[tilespmem:v58+s25+$0x0] =	vst.idx.msk $0xffff, v40  }
0x15a: {  	v56 =	vor.u32 s19, v16;
	v55 =	vor.u32 v30, v37;
	v45 =	vld.idx.msk [tilespmem:v45+s17+$0x0], $0xffff  }
0x15b: {  	v60 =	vor.u32 v30, v36;
	v40 =	vor.u32 v33, v55;
	[tilespmem:v59+s25+$0x0] =	vst.idx.msk $0xffff, v41  }
0x15c: {  	v57 =	vor.u32 s20, v16;
	v58 =	vor.u32 v30, v39;
	[tilespmem:v61+s25+$0x0] =	vst.idx.msk $0xffff, v47;
	v41 =	vld.idx.msk [tilespmem:v46+s17+$0x0], $0xffff  }
0x15d: {  	v59 =	vor.u32 s21, v16;
	v46 =	vor.u32 v33, v58;
	v47 =	vld.idx.msk [tilespmem:v49+s17+$0x0], $0xffff;
	[tilespmem:v63+s25+$0x0] =	vst.idx.msk $0xffff, v42  }
0x15e: {  	v62 =	vor.u32 v30, v38;
	v61 =	vor.u32 s22, v16;
	v49 =	vor.u32 v33, v60;
	v42 =	vld.idx.msk [tilespmem:v50+s17+$0x0], $0xffff  }
0x15f: {  	v50 =	vor.u32 v33, v62;
	[tilespmem:v56+s25+$0x0] =	vst.idx.msk $0xffff, v45  }
0x160: {  	v54 =	vor.u32 s19, v17;
	v63 =	vor.u32 v0, v37;
	v40 =	vld.idx.msk [tilespmem:v40+s17+$0x0], $0xffff  }
0x161: {  	v55 =	vor.u32 s20, v17;
	v45 =	vor.u32 v33, v63;
	[tilespmem:v57+s25+$0x0] =	vst.idx.msk $0xffff, v41  }
0x162: {  	v58 =	vor.u32 v0, v36;
	v56 =	vor.u32 v0, v39;
	[tilespmem:v59+s25+$0x0] =	vst.idx.msk $0xffff, v47;
	v41 =	vld.idx.msk [tilespmem:v46+s17+$0x0], $0xffff  }
0x163: {  	v57 =	vor.u32 s21, v17;
	v46 =	vor.u32 v33, v56;
	v47 =	vld.idx.msk [tilespmem:v49+s17+$0x0], $0xffff;
	[tilespmem:v61+s25+$0x0] =	vst.idx.msk $0xffff, v42  }
0x164: {  	v60 =	vor.u32 v0, v38;
	v59 =	vor.u32 s22, v17;
	v49 =	vor.u32 v33, v58;
	v42 =	vld.idx.msk [tilespmem:v50+s17+$0x0], $0xffff  }
0x165: {  	v50 =	vor.u32 v33, v60;
	[tilespmem:v54+s25+$0x0] =	vst.idx.msk $0xffff, v40  }
0x166: {  	v62 =	vor.u32 s19, v18;
	v61 =	vor.u32 v10, v37;
	v45 =	vld.idx.msk [tilespmem:v45+s17+$0x0], $0xffff  }
0x167: {  	v63 =	vor.u32 s20, v18;
	v40 =	vor.u32 v33, v61;
	[tilespmem:v55+s25+$0x0] =	vst.idx.msk $0xffff, v41  }
0x168: {  	v56 =	vor.u32 v10, v36;
	v54 =	vor.u32 v10, v39;
	[tilespmem:v57+s25+$0x0] =	vst.idx.msk $0xffff, v47;
	v41 =	vld.idx.msk [tilespmem:v46+s17+$0x0], $0xffff  }
0x169: {  	v55 =	vor.u32 s21, v18;
	v46 =	vor.u32 v33, v54;
	v47 =	vld.idx.msk [tilespmem:v49+s17+$0x0], $0xffff;
	[tilespmem:v59+s25+$0x0] =	vst.idx.msk $0xffff, v42  }
0x16a: {  	v58 =	vor.u32 v10, v38;
	v57 =	vor.u32 s22, v18;
	v49 =	vor.u32 v33, v56;
	v42 =	vld.idx.msk [tilespmem:v50+s17+$0x0], $0xffff  }
0x16b: {  	v50 =	vor.u32 v33, v58;
	[tilespmem:v62+s25+$0x0] =	vst.idx.msk $0xffff, v45  }
0x16c: {  	v60 =	vor.u32 s19, v19;
	v59 =	vor.u32 v9, v37;
	v40 =	vld.idx.msk [tilespmem:v40+s17+$0x0], $0xffff  }
0x16d: {  	v61 =	vor.u32 s20, v19;
	v45 =	vor.u32 v33, v59;
	[tilespmem:v63+s25+$0x0] =	vst.idx.msk $0xffff, v41  }
0x16e: {  	v54 =	vor.u32 v9, v36;
	v62 =	vor.u32 v9, v39;
	[tilespmem:v55+s25+$0x0] =	vst.idx.msk $0xffff, v47;
	v41 =	vld.idx.msk [tilespmem:v46+s17+$0x0], $0xffff  }
0x16f: {  	v63 =	vor.u32 s21, v19;
	v46 =	vor.u32 v33, v62;
	v47 =	vld.idx.msk [tilespmem:v49+s17+$0x0], $0xffff;
	[tilespmem:v57+s25+$0x0] =	vst.idx.msk $0xffff, v42  }
0x170: {  	v56 =	vor.u32 v9, v38;
	v55 =	vor.u32 s22, v19;
	v49 =	vor.u32 v33, v54;
	v42 =	vld.idx.msk [tilespmem:v50+s17+$0x0], $0xffff  }
0x171: {  	v50 =	vor.u32 v33, v56;
	[tilespmem:v60+s25+$0x0] =	vst.idx.msk $0xffff, v40  }
0x172: {  	v58 =	vor.u32 s19, v20;
	v57 =	vor.u32 v8, v37;
	v45 =	vld.idx.msk [tilespmem:v45+s17+$0x0], $0xffff  }
0x173: {  	v59 =	vor.u32 s20, v20;
	v40 =	vor.u32 v33, v57;
	[tilespmem:v61+s25+$0x0] =	vst.idx.msk $0xffff, v41  }
0x174: {  	v62 =	vor.u32 v8, v36;
	v60 =	vor.u32 v8, v39;
	[tilespmem:v63+s25+$0x0] =	vst.idx.msk $0xffff, v47;
	v41 =	vld.idx.msk [tilespmem:v46+s17+$0x0], $0xffff  }
0x175: {  	v61 =	vor.u32 s21, v20;
	v46 =	vor.u32 v33, v60;
	v47 =	vld.idx.msk [tilespmem:v49+s17+$0x0], $0xffff;
	[tilespmem:v55+s25+$0x0] =	vst.idx.msk $0xffff, v42  }
0x176: {  	v54 =	vor.u32 v8, v38;
	v63 =	vor.u32 s22, v20;
	v49 =	vor.u32 v33, v62;
	v42 =	vld.idx.msk [tilespmem:v50+s17+$0x0], $0xffff  }
0x177: {  	v50 =	vor.u32 v33, v54;
	[tilespmem:v58+s25+$0x0] =	vst.idx.msk $0xffff, v45  }
0x178: {  	v56 =	vor.u32 s19, v21;
	v55 =	vor.u32 v7, v37;
	v40 =	vld.idx.msk [tilespmem:v40+s17+$0x0], $0xffff  }
0x179: {  	v57 =	vor.u32 s20, v21;
	v45 =	vor.u32 v33, v55;
	[tilespmem:v59+s25+$0x0] =	vst.idx.msk $0xffff, v41  }
0x17a: {  	v60 =	vor.u32 v7, v36;
	v58 =	vor.u32 v7, v39;
	[tilespmem:v61+s25+$0x0] =	vst.idx.msk $0xffff, v47;
	v41 =	vld.idx.msk [tilespmem:v46+s17+$0x0], $0xffff  }
0x17b: {  	v59 =	vor.u32 s21, v21;
	v46 =	vor.u32 v33, v58;
	v47 =	vld.idx.msk [tilespmem:v49+s17+$0x0], $0xffff;
	[tilespmem:v63+s25+$0x0] =	vst.idx.msk $0xffff, v42  }
0x17c: {  	v62 =	vor.u32 v7, v38;
	v61 =	vor.u32 s22, v21;
	v49 =	vor.u32 v33, v60;
	v42 =	vld.idx.msk [tilespmem:v50+s17+$0x0], $0xffff  }
0x17d: {  	v50 =	vor.u32 v33, v62;
	[tilespmem:v56+s25+$0x0] =	vst.idx.msk $0xffff, v40  }
0x17e: {  	v54 =	vor.u32 s19, v22;
	v63 =	vor.u32 v6, v37;
	v45 =	vld.idx.msk [tilespmem:v45+s17+$0x0], $0xffff  }
0x17f: {  	v55 =	vor.u32 s20, v22;
	v40 =	vor.u32 v33, v63;
	[tilespmem:v57+s25+$0x0] =	vst.idx.msk $0xffff, v41  }
0x180: {  	v58 =	vor.u32 v6, v36;
	v56 =	vor.u32 v6, v39;
	[tilespmem:v59+s25+$0x0] =	vst.idx.msk $0xffff, v47;
	v41 =	vld.idx.msk [tilespmem:v46+s17+$0x0], $0xffff  }
0x181: {  	v57 =	vor.u32 s21, v22;
	v46 =	vor.u32 v33, v56;
	v47 =	vld.idx.msk [tilespmem:v49+s17+$0x0], $0xffff;
	[tilespmem:v61+s25+$0x0] =	vst.idx.msk $0xffff, v42  }
0x182: {  	v60 =	vor.u32 v6, v38;
	v59 =	vor.u32 s22, v22;
	v49 =	vor.u32 v33, v58;
	v42 =	vld.idx.msk [tilespmem:v50+s17+$0x0], $0xffff  }
0x183: {  	v50 =	vor.u32 v33, v60;
	[tilespmem:v54+s25+$0x0] =	vst.idx.msk $0xffff, v45  }
0x184: {  	v62 =	vor.u32 s19, v23;
	v61 =	vor.u32 v5, v37;
	v40 =	vld.idx.msk [tilespmem:v40+s17+$0x0], $0xffff  }
0x185: {  	v63 =	vor.u32 s20, v23;
	v45 =	vor.u32 v33, v61;
	[tilespmem:v55+s25+$0x0] =	vst.idx.msk $0xffff, v41  }
0x186: {  	v56 =	vor.u32 v5, v36;
	v54 =	vor.u32 v5, v39;
	[tilespmem:v57+s25+$0x0] =	vst.idx.msk $0xffff, v47;
	v41 =	vld.idx.msk [tilespmem:v46+s17+$0x0], $0xffff  }
0x187: {  	v55 =	vor.u32 s21, v23;
	v46 =	vor.u32 v33, v54;
	v47 =	vld.idx.msk [tilespmem:v49+s17+$0x0], $0xffff;
	[tilespmem:v59+s25+$0x0] =	vst.idx.msk $0xffff, v42  }
0x188: {  	v58 =	vor.u32 v5, v38;
	v57 =	vor.u32 s22, v23;
	v49 =	vor.u32 v33, v56;
	v42 =	vld.idx.msk [tilespmem:v50+s17+$0x0], $0xffff  }
0x189: {  	v50 =	vor.u32 v33, v58;
	[tilespmem:v62+s25+$0x0] =	vst.idx.msk $0xffff, v40  }
0x18a: {  	v60 =	vor.u32 s19, v24;
	v59 =	vor.u32 v4, v37;
	v45 =	vld.idx.msk [tilespmem:v45+s17+$0x0], $0xffff  }
0x18b: {  	v61 =	vor.u32 s20, v24;
	v40 =	vor.u32 v33, v59;
	[tilespmem:v63+s25+$0x0] =	vst.idx.msk $0xffff, v41  }
0x18c: {  	v54 =	vor.u32 v4, v36;
	v62 =	vor.u32 v4, v39;
	[tilespmem:v55+s25+$0x0] =	vst.idx.msk $0xffff, v47;
	v41 =	vld.idx.msk [tilespmem:v46+s17+$0x0], $0xffff  }
0x18d: {  	v63 =	vor.u32 s21, v24;
	v46 =	vor.u32 v33, v62;
	v47 =	vld.idx.msk [tilespmem:v49+s17+$0x0], $0xffff;
	[tilespmem:v57+s25+$0x0] =	vst.idx.msk $0xffff, v42  }
0x18e: {  	v56 =	vor.u32 v4, v38;
	v55 =	vor.u32 s22, v24;
	v49 =	vor.u32 v33, v54;
	v42 =	vld.idx.msk [tilespmem:v50+s17+$0x0], $0xffff  }
0x18f: {  	v50 =	vor.u32 v33, v56;
	[tilespmem:v60+s25+$0x0] =	vst.idx.msk $0xffff, v45  }
0x190: {  	v58 =	vor.u32 s19, v25;
	v57 =	vor.u32 v3, v37;
	v40 =	vld.idx.msk [tilespmem:v40+s17+$0x0], $0xffff  }
0x191: {  	v59 =	vor.u32 s20, v25;
	v45 =	vor.u32 v33, v57;
	[tilespmem:v61+s25+$0x0] =	vst.idx.msk $0xffff, v41  }
0x192: {  	v62 =	vor.u32 v3, v36;
	v60 =	vor.u32 v3, v39;
	[tilespmem:v63+s25+$0x0] =	vst.idx.msk $0xffff, v47;
	v41 =	vld.idx.msk [tilespmem:v46+s17+$0x0], $0xffff  }
0x193: {  	v61 =	vor.u32 s21, v25;
	v46 =	vor.u32 v33, v60;
	v47 =	vld.idx.msk [tilespmem:v49+s17+$0x0], $0xffff;
	[tilespmem:v55+s25+$0x0] =	vst.idx.msk $0xffff, v42  }
0x194: {  	v53 =	vor.u32 v3, v38;
	v63 =	vor.u32 s22, v25;
	v49 =	vor.u32 v33, v62;
	v42 =	vld.idx.msk [tilespmem:v50+s17+$0x0], $0xffff  }
0x195: {  	v54 =	vor.u32 v33, v53;
	[tilespmem:v58+s25+$0x0] =	vst.idx.msk $0xffff, v40  }
0x196: {  	v56 =	vor.u32 v2, v37;
	v55 =	vor.u32 s19, v26;
	v45 =	vld.idx.msk [tilespmem:v45+s17+$0x0], $0xffff  }
0x197: {  	v57 =	vor.u32 v33, v56;
	[tilespmem:v59+s25+$0x0] =	vst.idx.msk $0xffff, v41  }
0x198: {  	v60 =	vor.u32 s21, v26;
	v58 =	vor.u32 s20, v26;
	[tilespmem:v61+s25+$0x0] =	vst.idx.msk $0xffff, v47;
	v59 =	vor.u32 v2, v39;
	v43 =	vld.idx.msk [tilespmem:v46+s17+$0x0], $0xffff  }
0x199: {  	v61 =	vor.u32 v2, v36;
	v48 =	vld.idx.msk [tilespmem:v49+s17+$0x0], $0xffff;
	v47 =	vor.u32 v33, v59;
	[tilespmem:v63+s25+$0x0] =	vst.idx.msk $0xffff, v42  }
0x19a: {  	v62 =	vor.u32 v33, v61;
	v63 =	vor.u32 s22, v26;
	v40 =	vld.idx.msk [tilespmem:v54+s17+$0x0], $0xffff;
	v54 =	vor.u32 v2, v38  }
0x19b: {  	v37 =	vor.u32 v1, v37;
	[tilespmem:v55+s25+$0x0] =	vst.idx.msk $0xffff, v45;
	v55 =	vor.u32 v33, v54  }
0x19c: {  	v37 =	vor.u32 v33, v37  }
0x19d: {  	v56 =	vor.u32 s19, v27;
	v39 =	vor.u32 v1, v39;
	[tilespmem:v58+s25+$0x0] =	vst.idx.msk $0xffff, v43;
	v41 =	vld.idx.msk [tilespmem:v57+s17+$0x0], $0xffff  }
0x19e: {  	v36 =	vor.u32 v1, v36;
	[tilespmem:v60+s25+$0x0] =	vst.idx.msk $0xffff, v48;
	v57 =	vor.u32 s20, v27;
	v46 =	vld.idx.msk [tilespmem:v47+s17+$0x0], $0xffff  }
0x19f: {  	v39 =	vor.u32 v33, v39;
	v58 =	vor.u32 s21, v27;
	v42 =	vld.idx.msk [tilespmem:v62+s17+$0x0], $0xffff;
	[tilespmem:v63+s25+$0x0] =	vst.idx.msk $0xffff, v40  }
0x1a0: {  	v36 =	vor.u32 v33, v36;
	v59 =	vor.u32 s22, v27;
	v38 =	vor.u32 v1, v38;
	v44 =	vld.idx.msk [tilespmem:v55+s17+$0x0], $0xffff  }
0x1a1: {  	v38 =	vor.u32 v33, v38  }
0x1a2: {  	[tilespmem:v56+s25+$0x0] =	vst.idx.msk $0xffff, v41  }
0x1a3: {  	v60 =	vor.u32 s19, v28;
	[tilespmem:v57+s25+$0x0] =	vst.idx.msk $0xffff, v46;
	v37 =	vld.idx.msk [tilespmem:v37+s17+$0x0], $0xffff  }
0x1a4: {  	v61 =	vor.u32 s20, v28;
	[tilespmem:v58+s25+$0x0] =	vst.idx.msk $0xffff, v42;
	v39 =	vld.idx.msk [tilespmem:v39+s17+$0x0], $0xffff  }
0x1a5: {  	v62 =	vor.u32 s21, v28;
	v36 =	vld.idx.msk [tilespmem:v36+s17+$0x0], $0xffff;
	[tilespmem:v59+s25+$0x0] =	vst.idx.msk $0xffff, v44  }
0x1a6: {  	p1 =	por p0, p0;
	v63 =	vor.u32 s22, v28;
	v38 =	vld.idx.msk [tilespmem:v38+s17+$0x0], $0xffff  }
.Ltmp1:
0x1a7: {  	_ = 	snop;
	(pc) =	sbr.rel @p1 .LBB2_5-.Ltmp1, $4  }
0x1a8: {  	[tilespmem:v60+s25+$0x0] =	vst.idx.msk $0xffff, v37  }
0x1a9: {  	[tilespmem:v61+s25+$0x0] =	vst.idx.msk $0xffff, v39  }
0x1aa: {  	[tilespmem:v62+s25+$0x0] =	vst.idx.msk $0xffff, v36  }
0x1ab: {  	p0 =	por $0x0, $0x0;
	s19 =	simm.s32 $0x40;
	[tilespmem:v63+s25+$0x0] =	vst.idx.msk $0xffff, v38  }
0x1ac: {  	s18 =	sor.u32 $0x1000, s0;
	s19 =	simm.s32 $0x0;
	p0 =	por $0x1, $0x1  }
.LBB2_7:
0x1ad: {  	v36 =	vmov s19  }
0x1ae: {  	s20 =	sor.u32 $0x10, s19;
	v37 =	vshll.u32 v36, $0x6  }
0x1af: {  	s21 =	sor.u32 $0x20, s19;
	v52 =	vmov s20;
	v38 =	vor.u32 v31, v37  }
0x1b0: {  	s22 =	sor.u32 $0x30, s19;
	v53 =	vmov s21;
	v39 =	vshll.u32 v52, $0x6;
	v40 =	vor.u32 v34, v38  }
0x1b1: {  	v42 =	vmov s22;
	v36 =	vshll.u32 v53, $0x6;
	v54 =	vor.u32 v31, v39  }
0x1b2: {  	v55 =	vor.u32 v31, v36;
	v38 =	vshll.u32 v42, $0x6;
	v41 =	vor.u32 v34, v54  }
0x1b3: {  	v43 =	vor.u32 v34, v55;
	v42 =	vor.u32 v31, v38  }
0x1b4: {  	s19 =	sor.u32 s18, s19;
	v42 =	vor.u32 v34, v42  }
0x1b5: {  	v44 =	vor.u32 s19, v32;
	v45 =	vor.u32 v13, v37;
	v40 =	vld.idx.msk [tilespmem:v40+s17+$0x0], $0xffff  }
0x1b6: {  	s20 =	sor.u32 s18, s20;
	v45 =	vor.u32 v34, v45  }
0x1b7: {  	s21 =	sor.u32 s18, s21;
	v46 =	vor.u32 s20, v32;
	v47 =	vor.u32 v13, v39;
	v41 =	vld.idx.msk [tilespmem:v41+s17+$0x0], $0xffff  }
0x1b8: {  	s22 =	sor.u32 s18, s22;
	v48 =	vor.u32 s21, v32;
	v49 =	vor.u32 v13, v36;
	v47 =	vor.u32 v34, v47;
	v43 =	vld.idx.msk [tilespmem:v43+s17+$0x0], $0xffff  }
0x1b9: {  	v50 =	vor.u32 s22, v32;
	v49 =	vor.u32 v34, v49;
	v51 =	vor.u32 v13, v38;
	v42 =	vld.idx.msk [tilespmem:v42+s17+$0x0], $0xffff  }
0x1ba: {  	v57 =	vor.u32 v34, v51;
	[tilespmem:v44+s25+$0x0] =	vst.idx.msk $0xffff, v40  }
0x1bb: {  	v58 =	vor.u32 s19, v14;
	v56 =	vor.u32 v12, v37;
	v45 =	vld.idx.msk [tilespmem:v45+s17+$0x0], $0xffff  }
0x1bc: {  	v40 =	vor.u32 v34, v56;
	[tilespmem:v46+s25+$0x0] =	vst.idx.msk $0xffff, v41  }
0x1bd: {  	v59 =	vor.u32 s20, v14;
	v63 =	vor.u32 s21, v14;
	v60 =	vor.u32 v12, v39;
	[tilespmem:v48+s25+$0x0] =	vst.idx.msk $0xffff, v43;
	v41 =	vld.idx.msk [tilespmem:v47+s17+$0x0], $0xffff  }
0x1be: {  	v61 =	vor.u32 v34, v60;
	v54 =	vor.u32 v12, v36;
	v62 =	vld.idx.msk [tilespmem:v49+s17+$0x0], $0xffff;
	[tilespmem:v50+s25+$0x0] =	vst.idx.msk $0xffff, v42  }
0x1bf: {  	v55 =	vor.u32 s22, v14;
	v56 =	vor.u32 v12, v38;
	v49 =	vor.u32 v34, v54;
	v42 =	vld.idx.msk [tilespmem:v57+s17+$0x0], $0xffff  }
0x1c0: {  	v50 =	vor.u32 v34, v56;
	[tilespmem:v58+s25+$0x0] =	vst.idx.msk $0xffff, v45  }
0x1c1: {  	v57 =	vor.u32 v11, v37;
	v58 =	vor.u32 s19, v15;
	v40 =	vld.idx.msk [tilespmem:v40+s17+$0x0], $0xffff  }
0x1c2: {  	v60 =	vor.u32 v11, v39;
	v45 =	vor.u32 v34, v57;
	[tilespmem:v59+s25+$0x0] =	vst.idx.msk $0xffff, v41  }
0x1c3: {  	v46 =	vor.u32 v34, v60;
	v59 =	vor.u32 s20, v15;
	[tilespmem:v63+s25+$0x0] =	vst.idx.msk $0xffff, v62;
	v41 =	vld.idx.msk [tilespmem:v61+s17+$0x0], $0xffff  }
0x1c4: {  	v62 =	vor.u32 v11, v36;
	v47 =	vld.idx.msk [tilespmem:v49+s17+$0x0], $0xffff;
	v61 =	vor.u32 s21, v15;
	[tilespmem:v55+s25+$0x0] =	vst.idx.msk $0xffff, v42  }
0x1c5: {  	v54 =	vor.u32 v11, v38;
	v63 =	vor.u32 s22, v15;
	v49 =	vor.u32 v34, v62;
	v42 =	vld.idx.msk [tilespmem:v50+s17+$0x0], $0xffff  }
0x1c6: {  	v50 =	vor.u32 v34, v54;
	[tilespmem:v58+s25+$0x0] =	vst.idx.msk $0xffff, v40  }
0x1c7: {  	v56 =	vor.u32 s19, v16;
	v55 =	vor.u32 v30, v37;
	v45 =	vld.idx.msk [tilespmem:v45+s17+$0x0], $0xffff  }
0x1c8: {  	v60 =	vor.u32 v30, v36;
	v40 =	vor.u32 v34, v55;
	[tilespmem:v59+s25+$0x0] =	vst.idx.msk $0xffff, v41  }
0x1c9: {  	v57 =	vor.u32 s20, v16;
	v58 =	vor.u32 v30, v39;
	[tilespmem:v61+s25+$0x0] =	vst.idx.msk $0xffff, v47;
	v41 =	vld.idx.msk [tilespmem:v46+s17+$0x0], $0xffff  }
0x1ca: {  	v59 =	vor.u32 s21, v16;
	v46 =	vor.u32 v34, v58;
	v47 =	vld.idx.msk [tilespmem:v49+s17+$0x0], $0xffff;
	[tilespmem:v63+s25+$0x0] =	vst.idx.msk $0xffff, v42  }
0x1cb: {  	v62 =	vor.u32 v30, v38;
	v61 =	vor.u32 s22, v16;
	v49 =	vor.u32 v34, v60;
	v42 =	vld.idx.msk [tilespmem:v50+s17+$0x0], $0xffff  }
0x1cc: {  	v50 =	vor.u32 v34, v62;
	[tilespmem:v56+s25+$0x0] =	vst.idx.msk $0xffff, v45  }
0x1cd: {  	v54 =	vor.u32 s19, v17;
	v63 =	vor.u32 v0, v37;
	v40 =	vld.idx.msk [tilespmem:v40+s17+$0x0], $0xffff  }
0x1ce: {  	v55 =	vor.u32 s20, v17;
	v45 =	vor.u32 v34, v63;
	[tilespmem:v57+s25+$0x0] =	vst.idx.msk $0xffff, v41  }
0x1cf: {  	v58 =	vor.u32 v0, v36;
	v56 =	vor.u32 v0, v39;
	[tilespmem:v59+s25+$0x0] =	vst.idx.msk $0xffff, v47;
	v41 =	vld.idx.msk [tilespmem:v46+s17+$0x0], $0xffff  }
0x1d0: {  	v57 =	vor.u32 s21, v17;
	v46 =	vor.u32 v34, v56;
	v47 =	vld.idx.msk [tilespmem:v49+s17+$0x0], $0xffff;
	[tilespmem:v61+s25+$0x0] =	vst.idx.msk $0xffff, v42  }
0x1d1: {  	v60 =	vor.u32 v0, v38;
	v59 =	vor.u32 s22, v17;
	v49 =	vor.u32 v34, v58;
	v42 =	vld.idx.msk [tilespmem:v50+s17+$0x0], $0xffff  }
0x1d2: {  	v50 =	vor.u32 v34, v60;
	[tilespmem:v54+s25+$0x0] =	vst.idx.msk $0xffff, v40  }
0x1d3: {  	v62 =	vor.u32 s19, v18;
	v61 =	vor.u32 v10, v37;
	v45 =	vld.idx.msk [tilespmem:v45+s17+$0x0], $0xffff  }
0x1d4: {  	v63 =	vor.u32 s20, v18;
	v40 =	vor.u32 v34, v61;
	[tilespmem:v55+s25+$0x0] =	vst.idx.msk $0xffff, v41  }
0x1d5: {  	v56 =	vor.u32 v10, v36;
	v54 =	vor.u32 v10, v39;
	[tilespmem:v57+s25+$0x0] =	vst.idx.msk $0xffff, v47;
	v41 =	vld.idx.msk [tilespmem:v46+s17+$0x0], $0xffff  }
0x1d6: {  	v55 =	vor.u32 s21, v18;
	v46 =	vor.u32 v34, v54;
	v47 =	vld.idx.msk [tilespmem:v49+s17+$0x0], $0xffff;
	[tilespmem:v59+s25+$0x0] =	vst.idx.msk $0xffff, v42  }
0x1d7: {  	v58 =	vor.u32 v10, v38;
	v57 =	vor.u32 s22, v18;
	v49 =	vor.u32 v34, v56;
	v42 =	vld.idx.msk [tilespmem:v50+s17+$0x0], $0xffff  }
0x1d8: {  	v50 =	vor.u32 v34, v58;
	[tilespmem:v62+s25+$0x0] =	vst.idx.msk $0xffff, v45  }
0x1d9: {  	v60 =	vor.u32 s19, v19;
	v59 =	vor.u32 v9, v37;
	v40 =	vld.idx.msk [tilespmem:v40+s17+$0x0], $0xffff  }
0x1da: {  	v61 =	vor.u32 s20, v19;
	v45 =	vor.u32 v34, v59;
	[tilespmem:v63+s25+$0x0] =	vst.idx.msk $0xffff, v41  }
0x1db: {  	v54 =	vor.u32 v9, v36;
	v62 =	vor.u32 v9, v39;
	[tilespmem:v55+s25+$0x0] =	vst.idx.msk $0xffff, v47;
	v41 =	vld.idx.msk [tilespmem:v46+s17+$0x0], $0xffff  }
0x1dc: {  	v63 =	vor.u32 s21, v19;
	v46 =	vor.u32 v34, v62;
	v47 =	vld.idx.msk [tilespmem:v49+s17+$0x0], $0xffff;
	[tilespmem:v57+s25+$0x0] =	vst.idx.msk $0xffff, v42  }
0x1dd: {  	v56 =	vor.u32 v9, v38;
	v55 =	vor.u32 s22, v19;
	v49 =	vor.u32 v34, v54;
	v42 =	vld.idx.msk [tilespmem:v50+s17+$0x0], $0xffff  }
0x1de: {  	v50 =	vor.u32 v34, v56;
	[tilespmem:v60+s25+$0x0] =	vst.idx.msk $0xffff, v40  }
0x1df: {  	v58 =	vor.u32 s19, v20;
	v57 =	vor.u32 v8, v37;
	v45 =	vld.idx.msk [tilespmem:v45+s17+$0x0], $0xffff  }
0x1e0: {  	v59 =	vor.u32 s20, v20;
	v40 =	vor.u32 v34, v57;
	[tilespmem:v61+s25+$0x0] =	vst.idx.msk $0xffff, v41  }
0x1e1: {  	v62 =	vor.u32 v8, v36;
	v60 =	vor.u32 v8, v39;
	[tilespmem:v63+s25+$0x0] =	vst.idx.msk $0xffff, v47;
	v41 =	vld.idx.msk [tilespmem:v46+s17+$0x0], $0xffff  }
0x1e2: {  	v61 =	vor.u32 s21, v20;
	v46 =	vor.u32 v34, v60;
	v47 =	vld.idx.msk [tilespmem:v49+s17+$0x0], $0xffff;
	[tilespmem:v55+s25+$0x0] =	vst.idx.msk $0xffff, v42  }
0x1e3: {  	v54 =	vor.u32 v8, v38;
	v63 =	vor.u32 s22, v20;
	v49 =	vor.u32 v34, v62;
	v42 =	vld.idx.msk [tilespmem:v50+s17+$0x0], $0xffff  }
0x1e4: {  	v50 =	vor.u32 v34, v54;
	[tilespmem:v58+s25+$0x0] =	vst.idx.msk $0xffff, v45  }
0x1e5: {  	v56 =	vor.u32 s19, v21;
	v55 =	vor.u32 v7, v37;
	v40 =	vld.idx.msk [tilespmem:v40+s17+$0x0], $0xffff  }
0x1e6: {  	v57 =	vor.u32 s20, v21;
	v45 =	vor.u32 v34, v55;
	[tilespmem:v59+s25+$0x0] =	vst.idx.msk $0xffff, v41  }
0x1e7: {  	v60 =	vor.u32 v7, v36;
	v58 =	vor.u32 v7, v39;
	[tilespmem:v61+s25+$0x0] =	vst.idx.msk $0xffff, v47;
	v41 =	vld.idx.msk [tilespmem:v46+s17+$0x0], $0xffff  }
0x1e8: {  	v59 =	vor.u32 s21, v21;
	v46 =	vor.u32 v34, v58;
	v47 =	vld.idx.msk [tilespmem:v49+s17+$0x0], $0xffff;
	[tilespmem:v63+s25+$0x0] =	vst.idx.msk $0xffff, v42  }
0x1e9: {  	v62 =	vor.u32 v7, v38;
	v61 =	vor.u32 s22, v21;
	v49 =	vor.u32 v34, v60;
	v42 =	vld.idx.msk [tilespmem:v50+s17+$0x0], $0xffff  }
0x1ea: {  	v50 =	vor.u32 v34, v62;
	[tilespmem:v56+s25+$0x0] =	vst.idx.msk $0xffff, v40  }
0x1eb: {  	v54 =	vor.u32 s19, v22;
	v63 =	vor.u32 v6, v37;
	v45 =	vld.idx.msk [tilespmem:v45+s17+$0x0], $0xffff  }
0x1ec: {  	v55 =	vor.u32 s20, v22;
	v40 =	vor.u32 v34, v63;
	[tilespmem:v57+s25+$0x0] =	vst.idx.msk $0xffff, v41  }
0x1ed: {  	v58 =	vor.u32 v6, v36;
	v56 =	vor.u32 v6, v39;
	[tilespmem:v59+s25+$0x0] =	vst.idx.msk $0xffff, v47;
	v41 =	vld.idx.msk [tilespmem:v46+s17+$0x0], $0xffff  }
0x1ee: {  	v57 =	vor.u32 s21, v22;
	v46 =	vor.u32 v34, v56;
	v47 =	vld.idx.msk [tilespmem:v49+s17+$0x0], $0xffff;
	[tilespmem:v61+s25+$0x0] =	vst.idx.msk $0xffff, v42  }
0x1ef: {  	v60 =	vor.u32 v6, v38;
	v59 =	vor.u32 s22, v22;
	v49 =	vor.u32 v34, v58;
	v42 =	vld.idx.msk [tilespmem:v50+s17+$0x0], $0xffff  }
0x1f0: {  	v50 =	vor.u32 v34, v60;
	[tilespmem:v54+s25+$0x0] =	vst.idx.msk $0xffff, v45  }
0x1f1: {  	v62 =	vor.u32 s19, v23;
	v61 =	vor.u32 v5, v37;
	v40 =	vld.idx.msk [tilespmem:v40+s17+$0x0], $0xffff  }
0x1f2: {  	v63 =	vor.u32 s20, v23;
	v45 =	vor.u32 v34, v61;
	[tilespmem:v55+s25+$0x0] =	vst.idx.msk $0xffff, v41  }
0x1f3: {  	v56 =	vor.u32 v5, v36;
	v54 =	vor.u32 v5, v39;
	[tilespmem:v57+s25+$0x0] =	vst.idx.msk $0xffff, v47;
	v41 =	vld.idx.msk [tilespmem:v46+s17+$0x0], $0xffff  }
0x1f4: {  	v55 =	vor.u32 s21, v23;
	v46 =	vor.u32 v34, v54;
	v47 =	vld.idx.msk [tilespmem:v49+s17+$0x0], $0xffff;
	[tilespmem:v59+s25+$0x0] =	vst.idx.msk $0xffff, v42  }
0x1f5: {  	v58 =	vor.u32 v5, v38;
	v57 =	vor.u32 s22, v23;
	v49 =	vor.u32 v34, v56;
	v42 =	vld.idx.msk [tilespmem:v50+s17+$0x0], $0xffff  }
0x1f6: {  	v50 =	vor.u32 v34, v58;
	[tilespmem:v62+s25+$0x0] =	vst.idx.msk $0xffff, v40  }
0x1f7: {  	v60 =	vor.u32 s19, v24;
	v59 =	vor.u32 v4, v37;
	v45 =	vld.idx.msk [tilespmem:v45+s17+$0x0], $0xffff  }
0x1f8: {  	v61 =	vor.u32 s20, v24;
	v40 =	vor.u32 v34, v59;
	[tilespmem:v63+s25+$0x0] =	vst.idx.msk $0xffff, v41  }
0x1f9: {  	v54 =	vor.u32 v4, v36;
	v62 =	vor.u32 v4, v39;
	[tilespmem:v55+s25+$0x0] =	vst.idx.msk $0xffff, v47;
	v41 =	vld.idx.msk [tilespmem:v46+s17+$0x0], $0xffff  }
0x1fa: {  	v63 =	vor.u32 s21, v24;
	v46 =	vor.u32 v34, v62;
	v47 =	vld.idx.msk [tilespmem:v49+s17+$0x0], $0xffff;
	[tilespmem:v57+s25+$0x0] =	vst.idx.msk $0xffff, v42  }
0x1fb: {  	v56 =	vor.u32 v4, v38;
	v55 =	vor.u32 s22, v24;
	v49 =	vor.u32 v34, v54;
	v42 =	vld.idx.msk [tilespmem:v50+s17+$0x0], $0xffff  }
0x1fc: {  	v50 =	vor.u32 v34, v56;
	[tilespmem:v60+s25+$0x0] =	vst.idx.msk $0xffff, v45  }
0x1fd: {  	v58 =	vor.u32 s19, v25;
	v57 =	vor.u32 v3, v37;
	v40 =	vld.idx.msk [tilespmem:v40+s17+$0x0], $0xffff  }
0x1fe: {  	v59 =	vor.u32 s20, v25;
	v45 =	vor.u32 v34, v57;
	[tilespmem:v61+s25+$0x0] =	vst.idx.msk $0xffff, v41  }
0x1ff: {  	v62 =	vor.u32 v3, v36;
	v60 =	vor.u32 v3, v39;
	[tilespmem:v63+s25+$0x0] =	vst.idx.msk $0xffff, v47;
	v41 =	vld.idx.msk [tilespmem:v46+s17+$0x0], $0xffff  }
0x200: {  	v61 =	vor.u32 s21, v25;
	v46 =	vor.u32 v34, v60;
	v47 =	vld.idx.msk [tilespmem:v49+s17+$0x0], $0xffff;
	[tilespmem:v55+s25+$0x0] =	vst.idx.msk $0xffff, v42  }
0x201: {  	v53 =	vor.u32 v3, v38;
	v63 =	vor.u32 s22, v25;
	v49 =	vor.u32 v34, v62;
	v42 =	vld.idx.msk [tilespmem:v50+s17+$0x0], $0xffff  }
0x202: {  	v54 =	vor.u32 v34, v53;
	[tilespmem:v58+s25+$0x0] =	vst.idx.msk $0xffff, v40  }
0x203: {  	v56 =	vor.u32 v2, v37;
	v55 =	vor.u32 s19, v26;
	v45 =	vld.idx.msk [tilespmem:v45+s17+$0x0], $0xffff  }
0x204: {  	v57 =	vor.u32 v34, v56;
	[tilespmem:v59+s25+$0x0] =	vst.idx.msk $0xffff, v41  }
0x205: {  	v60 =	vor.u32 s21, v26;
	v58 =	vor.u32 s20, v26;
	[tilespmem:v61+s25+$0x0] =	vst.idx.msk $0xffff, v47;
	v59 =	vor.u32 v2, v39;
	v43 =	vld.idx.msk [tilespmem:v46+s17+$0x0], $0xffff  }
0x206: {  	v61 =	vor.u32 v2, v36;
	v48 =	vld.idx.msk [tilespmem:v49+s17+$0x0], $0xffff;
	v47 =	vor.u32 v34, v59;
	[tilespmem:v63+s25+$0x0] =	vst.idx.msk $0xffff, v42  }
0x207: {  	v62 =	vor.u32 v34, v61;
	v63 =	vor.u32 s22, v26;
	v40 =	vld.idx.msk [tilespmem:v54+s17+$0x0], $0xffff;
	v54 =	vor.u32 v2, v38  }
0x208: {  	v37 =	vor.u32 v1, v37;
	[tilespmem:v55+s25+$0x0] =	vst.idx.msk $0xffff, v45;
	v55 =	vor.u32 v34, v54  }
0x209: {  	v37 =	vor.u32 v34, v37  }
0x20a: {  	v56 =	vor.u32 s19, v27;
	v39 =	vor.u32 v1, v39;
	[tilespmem:v58+s25+$0x0] =	vst.idx.msk $0xffff, v43;
	v41 =	vld.idx.msk [tilespmem:v57+s17+$0x0], $0xffff  }
0x20b: {  	v36 =	vor.u32 v1, v36;
	[tilespmem:v60+s25+$0x0] =	vst.idx.msk $0xffff, v48;
	v57 =	vor.u32 s20, v27;
	v46 =	vld.idx.msk [tilespmem:v47+s17+$0x0], $0xffff  }
0x20c: {  	v39 =	vor.u32 v34, v39;
	v58 =	vor.u32 s21, v27;
	v42 =	vld.idx.msk [tilespmem:v62+s17+$0x0], $0xffff;
	[tilespmem:v63+s25+$0x0] =	vst.idx.msk $0xffff, v40  }
0x20d: {  	v36 =	vor.u32 v34, v36;
	v59 =	vor.u32 s22, v27;
	v38 =	vor.u32 v1, v38;
	v44 =	vld.idx.msk [tilespmem:v55+s17+$0x0], $0xffff  }
0x20e: {  	v38 =	vor.u32 v34, v38  }
0x20f: {  	[tilespmem:v56+s25+$0x0] =	vst.idx.msk $0xffff, v41  }
0x210: {  	v60 =	vor.u32 s19, v28;
	[tilespmem:v57+s25+$0x0] =	vst.idx.msk $0xffff, v46;
	v37 =	vld.idx.msk [tilespmem:v37+s17+$0x0], $0xffff  }
0x211: {  	v61 =	vor.u32 s20, v28;
	[tilespmem:v58+s25+$0x0] =	vst.idx.msk $0xffff, v42;
	v39 =	vld.idx.msk [tilespmem:v39+s17+$0x0], $0xffff  }
0x212: {  	v62 =	vor.u32 s21, v28;
	v36 =	vld.idx.msk [tilespmem:v36+s17+$0x0], $0xffff;
	[tilespmem:v59+s25+$0x0] =	vst.idx.msk $0xffff, v44  }
0x213: {  	p1 =	por p0, p0;
	v63 =	vor.u32 s22, v28;
	v38 =	vld.idx.msk [tilespmem:v38+s17+$0x0], $0xffff  }
.Ltmp2:
0x214: {  	_ = 	snop;
	(pc) =	sbr.rel @p1 .LBB2_7-.Ltmp2, $4  }
0x215: {  	[tilespmem:v60+s25+$0x0] =	vst.idx.msk $0xffff, v37  }
0x216: {  	[tilespmem:v61+s25+$0x0] =	vst.idx.msk $0xffff, v39  }
0x217: {  	[tilespmem:v62+s25+$0x0] =	vst.idx.msk $0xffff, v36  }
0x218: {  	p0 =	por $0x0, $0x0;
	s19 =	simm.s32 $0x40;
	[tilespmem:v63+s25+$0x0] =	vst.idx.msk $0xffff, v38  }
0x219: {  	s18 =	sor.u32 $0x1800, s0;
	s19 =	simm.s32 $0x0;
	p0 =	por $0x1, $0x1  }
.LBB2_9:
0x21a: {  	v36 =	vmov s19  }
0x21b: {  	s20 =	sor.u32 $0x10, s19;
	v37 =	vshll.u32 v36, $0x6  }
0x21c: {  	s21 =	sor.u32 $0x20, s19;
	v52 =	vmov s20;
	v38 =	vor.u32 v31, v37  }
0x21d: {  	s22 =	sor.u32 $0x30, s19;
	v53 =	vmov s21;
	v39 =	vshll.u32 v52, $0x6;
	v40 =	vor.u32 v35, v38  }
0x21e: {  	v42 =	vmov s22;
	v36 =	vshll.u32 v53, $0x6;
	v54 =	vor.u32 v31, v39  }
0x21f: {  	v55 =	vor.u32 v31, v36;
	v38 =	vshll.u32 v42, $0x6;
	v41 =	vor.u32 v35, v54  }
0x220: {  	v43 =	vor.u32 v35, v55;
	v42 =	vor.u32 v31, v38  }
0x221: {  	s19 =	sor.u32 s18, s19;
	v42 =	vor.u32 v35, v42  }
0x222: {  	v44 =	vor.u32 s19, v32;
	v45 =	vor.u32 v13, v37;
	v40 =	vld.idx.msk [tilespmem:v40+s17+$0x0], $0xffff  }
0x223: {  	s20 =	sor.u32 s18, s20;
	v45 =	vor.u32 v35, v45  }
0x224: {  	s21 =	sor.u32 s18, s21;
	v46 =	vor.u32 s20, v32;
	v47 =	vor.u32 v13, v39;
	v41 =	vld.idx.msk [tilespmem:v41+s17+$0x0], $0xffff  }
0x225: {  	s22 =	sor.u32 s18, s22;
	v48 =	vor.u32 s21, v32;
	v49 =	vor.u32 v13, v36;
	v47 =	vor.u32 v35, v47;
	v43 =	vld.idx.msk [tilespmem:v43+s17+$0x0], $0xffff  }
0x226: {  	v50 =	vor.u32 s22, v32;
	v49 =	vor.u32 v35, v49;
	v51 =	vor.u32 v13, v38;
	v42 =	vld.idx.msk [tilespmem:v42+s17+$0x0], $0xffff  }
0x227: {  	v57 =	vor.u32 v35, v51;
	[tilespmem:v44+s25+$0x0] =	vst.idx.msk $0xffff, v40  }
0x228: {  	v58 =	vor.u32 s19, v14;
	v56 =	vor.u32 v12, v37;
	v45 =	vld.idx.msk [tilespmem:v45+s17+$0x0], $0xffff  }
0x229: {  	v40 =	vor.u32 v35, v56;
	[tilespmem:v46+s25+$0x0] =	vst.idx.msk $0xffff, v41  }
0x22a: {  	v59 =	vor.u32 s20, v14;
	v63 =	vor.u32 s21, v14;
	v60 =	vor.u32 v12, v39;
	[tilespmem:v48+s25+$0x0] =	vst.idx.msk $0xffff, v43;
	v41 =	vld.idx.msk [tilespmem:v47+s17+$0x0], $0xffff  }
0x22b: {  	v61 =	vor.u32 v35, v60;
	v54 =	vor.u32 v12, v36;
	v62 =	vld.idx.msk [tilespmem:v49+s17+$0x0], $0xffff;
	[tilespmem:v50+s25+$0x0] =	vst.idx.msk $0xffff, v42  }
0x22c: {  	v55 =	vor.u32 s22, v14;
	v56 =	vor.u32 v12, v38;
	v49 =	vor.u32 v35, v54;
	v42 =	vld.idx.msk [tilespmem:v57+s17+$0x0], $0xffff  }
0x22d: {  	v50 =	vor.u32 v35, v56;
	[tilespmem:v58+s25+$0x0] =	vst.idx.msk $0xffff, v45  }
0x22e: {  	v57 =	vor.u32 v11, v37;
	v58 =	vor.u32 s19, v15;
	v40 =	vld.idx.msk [tilespmem:v40+s17+$0x0], $0xffff  }
0x22f: {  	v60 =	vor.u32 v11, v39;
	v45 =	vor.u32 v35, v57;
	[tilespmem:v59+s25+$0x0] =	vst.idx.msk $0xffff, v41  }
0x230: {  	v46 =	vor.u32 v35, v60;
	v59 =	vor.u32 s20, v15;
	[tilespmem:v63+s25+$0x0] =	vst.idx.msk $0xffff, v62;
	v41 =	vld.idx.msk [tilespmem:v61+s17+$0x0], $0xffff  }
0x231: {  	v62 =	vor.u32 v11, v36;
	v47 =	vld.idx.msk [tilespmem:v49+s17+$0x0], $0xffff;
	v61 =	vor.u32 s21, v15;
	[tilespmem:v55+s25+$0x0] =	vst.idx.msk $0xffff, v42  }
0x232: {  	v54 =	vor.u32 v11, v38;
	v63 =	vor.u32 s22, v15;
	v49 =	vor.u32 v35, v62;
	v42 =	vld.idx.msk [tilespmem:v50+s17+$0x0], $0xffff  }
0x233: {  	v50 =	vor.u32 v35, v54;
	[tilespmem:v58+s25+$0x0] =	vst.idx.msk $0xffff, v40  }
0x234: {  	v56 =	vor.u32 s19, v16;
	v55 =	vor.u32 v30, v37;
	v45 =	vld.idx.msk [tilespmem:v45+s17+$0x0], $0xffff  }
0x235: {  	v60 =	vor.u32 v30, v36;
	v40 =	vor.u32 v35, v55;
	[tilespmem:v59+s25+$0x0] =	vst.idx.msk $0xffff, v41  }
0x236: {  	v57 =	vor.u32 s20, v16;
	v58 =	vor.u32 v30, v39;
	[tilespmem:v61+s25+$0x0] =	vst.idx.msk $0xffff, v47;
	v41 =	vld.idx.msk [tilespmem:v46+s17+$0x0], $0xffff  }
0x237: {  	v59 =	vor.u32 s21, v16;
	v46 =	vor.u32 v35, v58;
	v47 =	vld.idx.msk [tilespmem:v49+s17+$0x0], $0xffff;
	[tilespmem:v63+s25+$0x0] =	vst.idx.msk $0xffff, v42  }
0x238: {  	v62 =	vor.u32 v30, v38;
	v61 =	vor.u32 s22, v16;
	v49 =	vor.u32 v35, v60;
	v42 =	vld.idx.msk [tilespmem:v50+s17+$0x0], $0xffff  }
0x239: {  	v50 =	vor.u32 v35, v62;
	[tilespmem:v56+s25+$0x0] =	vst.idx.msk $0xffff, v45  }
0x23a: {  	v54 =	vor.u32 s19, v17;
	v63 =	vor.u32 v0, v37;
	v40 =	vld.idx.msk [tilespmem:v40+s17+$0x0], $0xffff  }
0x23b: {  	v55 =	vor.u32 s20, v17;
	v45 =	vor.u32 v35, v63;
	[tilespmem:v57+s25+$0x0] =	vst.idx.msk $0xffff, v41  }
0x23c: {  	v58 =	vor.u32 v0, v36;
	v56 =	vor.u32 v0, v39;
	[tilespmem:v59+s25+$0x0] =	vst.idx.msk $0xffff, v47;
	v41 =	vld.idx.msk [tilespmem:v46+s17+$0x0], $0xffff  }
0x23d: {  	v57 =	vor.u32 s21, v17;
	v46 =	vor.u32 v35, v56;
	v47 =	vld.idx.msk [tilespmem:v49+s17+$0x0], $0xffff;
	[tilespmem:v61+s25+$0x0] =	vst.idx.msk $0xffff, v42  }
0x23e: {  	v60 =	vor.u32 v0, v38;
	v59 =	vor.u32 s22, v17;
	v49 =	vor.u32 v35, v58;
	v42 =	vld.idx.msk [tilespmem:v50+s17+$0x0], $0xffff  }
0x23f: {  	v50 =	vor.u32 v35, v60;
	[tilespmem:v54+s25+$0x0] =	vst.idx.msk $0xffff, v40  }
0x240: {  	v62 =	vor.u32 s19, v18;
	v61 =	vor.u32 v10, v37;
	v45 =	vld.idx.msk [tilespmem:v45+s17+$0x0], $0xffff  }
0x241: {  	v63 =	vor.u32 s20, v18;
	v40 =	vor.u32 v35, v61;
	[tilespmem:v55+s25+$0x0] =	vst.idx.msk $0xffff, v41  }
0x242: {  	v56 =	vor.u32 v10, v36;
	v54 =	vor.u32 v10, v39;
	[tilespmem:v57+s25+$0x0] =	vst.idx.msk $0xffff, v47;
	v41 =	vld.idx.msk [tilespmem:v46+s17+$0x0], $0xffff  }
0x243: {  	v55 =	vor.u32 s21, v18;
	v46 =	vor.u32 v35, v54;
	v47 =	vld.idx.msk [tilespmem:v49+s17+$0x0], $0xffff;
	[tilespmem:v59+s25+$0x0] =	vst.idx.msk $0xffff, v42  }
0x244: {  	v58 =	vor.u32 v10, v38;
	v57 =	vor.u32 s22, v18;
	v49 =	vor.u32 v35, v56;
	v42 =	vld.idx.msk [tilespmem:v50+s17+$0x0], $0xffff  }
0x245: {  	v50 =	vor.u32 v35, v58;
	[tilespmem:v62+s25+$0x0] =	vst.idx.msk $0xffff, v45  }
0x246: {  	v60 =	vor.u32 s19, v19;
	v59 =	vor.u32 v9, v37;
	v40 =	vld.idx.msk [tilespmem:v40+s17+$0x0], $0xffff  }
0x247: {  	v61 =	vor.u32 s20, v19;
	v45 =	vor.u32 v35, v59;
	[tilespmem:v63+s25+$0x0] =	vst.idx.msk $0xffff, v41  }
0x248: {  	v54 =	vor.u32 v9, v36;
	v62 =	vor.u32 v9, v39;
	[tilespmem:v55+s25+$0x0] =	vst.idx.msk $0xffff, v47;
	v41 =	vld.idx.msk [tilespmem:v46+s17+$0x0], $0xffff  }
0x249: {  	v63 =	vor.u32 s21, v19;
	v46 =	vor.u32 v35, v62;
	v47 =	vld.idx.msk [tilespmem:v49+s17+$0x0], $0xffff;
	[tilespmem:v57+s25+$0x0] =	vst.idx.msk $0xffff, v42  }
0x24a: {  	v56 =	vor.u32 v9, v38;
	v55 =	vor.u32 s22, v19;
	v49 =	vor.u32 v35, v54;
	v42 =	vld.idx.msk [tilespmem:v50+s17+$0x0], $0xffff  }
0x24b: {  	v50 =	vor.u32 v35, v56;
	[tilespmem:v60+s25+$0x0] =	vst.idx.msk $0xffff, v40  }
0x24c: {  	v58 =	vor.u32 s19, v20;
	v57 =	vor.u32 v8, v37;
	v45 =	vld.idx.msk [tilespmem:v45+s17+$0x0], $0xffff  }
0x24d: {  	v59 =	vor.u32 s20, v20;
	v40 =	vor.u32 v35, v57;
	[tilespmem:v61+s25+$0x0] =	vst.idx.msk $0xffff, v41  }
0x24e: {  	v62 =	vor.u32 v8, v36;
	v60 =	vor.u32 v8, v39;
	[tilespmem:v63+s25+$0x0] =	vst.idx.msk $0xffff, v47;
	v41 =	vld.idx.msk [tilespmem:v46+s17+$0x0], $0xffff  }
0x24f: {  	v61 =	vor.u32 s21, v20;
	v46 =	vor.u32 v35, v60;
	v47 =	vld.idx.msk [tilespmem:v49+s17+$0x0], $0xffff;
	[tilespmem:v55+s25+$0x0] =	vst.idx.msk $0xffff, v42  }
0x250: {  	v54 =	vor.u32 v8, v38;
	v63 =	vor.u32 s22, v20;
	v49 =	vor.u32 v35, v62;
	v42 =	vld.idx.msk [tilespmem:v50+s17+$0x0], $0xffff  }
0x251: {  	v50 =	vor.u32 v35, v54;
	[tilespmem:v58+s25+$0x0] =	vst.idx.msk $0xffff, v45  }
0x252: {  	v56 =	vor.u32 s19, v21;
	v55 =	vor.u32 v7, v37;
	v40 =	vld.idx.msk [tilespmem:v40+s17+$0x0], $0xffff  }
0x253: {  	v57 =	vor.u32 s20, v21;
	v45 =	vor.u32 v35, v55;
	[tilespmem:v59+s25+$0x0] =	vst.idx.msk $0xffff, v41  }
0x254: {  	v60 =	vor.u32 v7, v36;
	v58 =	vor.u32 v7, v39;
	[tilespmem:v61+s25+$0x0] =	vst.idx.msk $0xffff, v47;
	v41 =	vld.idx.msk [tilespmem:v46+s17+$0x0], $0xffff  }
0x255: {  	v59 =	vor.u32 s21, v21;
	v46 =	vor.u32 v35, v58;
	v47 =	vld.idx.msk [tilespmem:v49+s17+$0x0], $0xffff;
	[tilespmem:v63+s25+$0x0] =	vst.idx.msk $0xffff, v42  }
0x256: {  	v62 =	vor.u32 v7, v38;
	v61 =	vor.u32 s22, v21;
	v49 =	vor.u32 v35, v60;
	v42 =	vld.idx.msk [tilespmem:v50+s17+$0x0], $0xffff  }
0x257: {  	v50 =	vor.u32 v35, v62;
	[tilespmem:v56+s25+$0x0] =	vst.idx.msk $0xffff, v40  }
0x258: {  	v54 =	vor.u32 s19, v22;
	v63 =	vor.u32 v6, v37;
	v45 =	vld.idx.msk [tilespmem:v45+s17+$0x0], $0xffff  }
0x259: {  	v55 =	vor.u32 s20, v22;
	v40 =	vor.u32 v35, v63;
	[tilespmem:v57+s25+$0x0] =	vst.idx.msk $0xffff, v41  }
0x25a: {  	v58 =	vor.u32 v6, v36;
	v56 =	vor.u32 v6, v39;
	[tilespmem:v59+s25+$0x0] =	vst.idx.msk $0xffff, v47;
	v41 =	vld.idx.msk [tilespmem:v46+s17+$0x0], $0xffff  }
0x25b: {  	v57 =	vor.u32 s21, v22;
	v46 =	vor.u32 v35, v56;
	v47 =	vld.idx.msk [tilespmem:v49+s17+$0x0], $0xffff;
	[tilespmem:v61+s25+$0x0] =	vst.idx.msk $0xffff, v42  }
0x25c: {  	v60 =	vor.u32 v6, v38;
	v59 =	vor.u32 s22, v22;
	v49 =	vor.u32 v35, v58;
	v42 =	vld.idx.msk [tilespmem:v50+s17+$0x0], $0xffff  }
0x25d: {  	v50 =	vor.u32 v35, v60;
	[tilespmem:v54+s25+$0x0] =	vst.idx.msk $0xffff, v45  }
0x25e: {  	v62 =	vor.u32 s19, v23;
	v61 =	vor.u32 v5, v37;
	v40 =	vld.idx.msk [tilespmem:v40+s17+$0x0], $0xffff  }
0x25f: {  	v63 =	vor.u32 s20, v23;
	v45 =	vor.u32 v35, v61;
	[tilespmem:v55+s25+$0x0] =	vst.idx.msk $0xffff, v41  }
0x260: {  	v56 =	vor.u32 v5, v36;
	v54 =	vor.u32 v5, v39;
	[tilespmem:v57+s25+$0x0] =	vst.idx.msk $0xffff, v47;
	v41 =	vld.idx.msk [tilespmem:v46+s17+$0x0], $0xffff  }
0x261: {  	v55 =	vor.u32 s21, v23;
	v46 =	vor.u32 v35, v54;
	v47 =	vld.idx.msk [tilespmem:v49+s17+$0x0], $0xffff;
	[tilespmem:v59+s25+$0x0] =	vst.idx.msk $0xffff, v42  }
0x262: {  	v58 =	vor.u32 v5, v38;
	v57 =	vor.u32 s22, v23;
	v49 =	vor.u32 v35, v56;
	v42 =	vld.idx.msk [tilespmem:v50+s17+$0x0], $0xffff  }
0x263: {  	v50 =	vor.u32 v35, v58;
	[tilespmem:v62+s25+$0x0] =	vst.idx.msk $0xffff, v40  }
0x264: {  	v60 =	vor.u32 s19, v24;
	v59 =	vor.u32 v4, v37;
	v45 =	vld.idx.msk [tilespmem:v45+s17+$0x0], $0xffff  }
0x265: {  	v61 =	vor.u32 s20, v24;
	v40 =	vor.u32 v35, v59;
	[tilespmem:v63+s25+$0x0] =	vst.idx.msk $0xffff, v41  }
0x266: {  	v54 =	vor.u32 v4, v36;
	v62 =	vor.u32 v4, v39;
	[tilespmem:v55+s25+$0x0] =	vst.idx.msk $0xffff, v47;
	v41 =	vld.idx.msk [tilespmem:v46+s17+$0x0], $0xffff  }
0x267: {  	v63 =	vor.u32 s21, v24;
	v46 =	vor.u32 v35, v62;
	v47 =	vld.idx.msk [tilespmem:v49+s17+$0x0], $0xffff;
	[tilespmem:v57+s25+$0x0] =	vst.idx.msk $0xffff, v42  }
0x268: {  	v56 =	vor.u32 v4, v38;
	v55 =	vor.u32 s22, v24;
	v49 =	vor.u32 v35, v54;
	v42 =	vld.idx.msk [tilespmem:v50+s17+$0x0], $0xffff  }
0x269: {  	v50 =	vor.u32 v35, v56;
	[tilespmem:v60+s25+$0x0] =	vst.idx.msk $0xffff, v45  }
0x26a: {  	v58 =	vor.u32 s19, v25;
	v57 =	vor.u32 v3, v37;
	v40 =	vld.idx.msk [tilespmem:v40+s17+$0x0], $0xffff  }
0x26b: {  	v59 =	vor.u32 s20, v25;
	v45 =	vor.u32 v35, v57;
	[tilespmem:v61+s25+$0x0] =	vst.idx.msk $0xffff, v41  }
0x26c: {  	v62 =	vor.u32 v3, v36;
	v60 =	vor.u32 v3, v39;
	[tilespmem:v63+s25+$0x0] =	vst.idx.msk $0xffff, v47;
	v41 =	vld.idx.msk [tilespmem:v46+s17+$0x0], $0xffff  }
0x26d: {  	v61 =	vor.u32 s21, v25;
	v46 =	vor.u32 v35, v60;
	v47 =	vld.idx.msk [tilespmem:v49+s17+$0x0], $0xffff;
	[tilespmem:v55+s25+$0x0] =	vst.idx.msk $0xffff, v42  }
0x26e: {  	v53 =	vor.u32 v3, v38;
	v63 =	vor.u32 s22, v25;
	v49 =	vor.u32 v35, v62;
	v42 =	vld.idx.msk [tilespmem:v50+s17+$0x0], $0xffff  }
0x26f: {  	v54 =	vor.u32 v35, v53;
	[tilespmem:v58+s25+$0x0] =	vst.idx.msk $0xffff, v40  }
0x270: {  	v56 =	vor.u32 v2, v37;
	v55 =	vor.u32 s19, v26;
	v45 =	vld.idx.msk [tilespmem:v45+s17+$0x0], $0xffff  }
0x271: {  	v57 =	vor.u32 v35, v56;
	[tilespmem:v59+s25+$0x0] =	vst.idx.msk $0xffff, v41  }
0x272: {  	v60 =	vor.u32 s21, v26;
	v58 =	vor.u32 s20, v26;
	[tilespmem:v61+s25+$0x0] =	vst.idx.msk $0xffff, v47;
	v59 =	vor.u32 v2, v39;
	v43 =	vld.idx.msk [tilespmem:v46+s17+$0x0], $0xffff  }
0x273: {  	v61 =	vor.u32 v2, v36;
	v48 =	vld.idx.msk [tilespmem:v49+s17+$0x0], $0xffff;
	v47 =	vor.u32 v35, v59;
	[tilespmem:v63+s25+$0x0] =	vst.idx.msk $0xffff, v42  }
0x274: {  	v62 =	vor.u32 v35, v61;
	v63 =	vor.u32 s22, v26;
	v40 =	vld.idx.msk [tilespmem:v54+s17+$0x0], $0xffff;
	v54 =	vor.u32 v2, v38  }
0x275: {  	v37 =	vor.u32 v1, v37;
	[tilespmem:v55+s25+$0x0] =	vst.idx.msk $0xffff, v45;
	v55 =	vor.u32 v35, v54  }
0x276: {  	v37 =	vor.u32 v35, v37  }
0x277: {  	v56 =	vor.u32 s19, v27;
	v39 =	vor.u32 v1, v39;
	[tilespmem:v58+s25+$0x0] =	vst.idx.msk $0xffff, v43;
	v41 =	vld.idx.msk [tilespmem:v57+s17+$0x0], $0xffff  }
0x278: {  	v36 =	vor.u32 v1, v36;
	[tilespmem:v60+s25+$0x0] =	vst.idx.msk $0xffff, v48;
	v57 =	vor.u32 s20, v27;
	v46 =	vld.idx.msk [tilespmem:v47+s17+$0x0], $0xffff  }
0x279: {  	v39 =	vor.u32 v35, v39;
	v58 =	vor.u32 s21, v27;
	v42 =	vld.idx.msk [tilespmem:v62+s17+$0x0], $0xffff;
	[tilespmem:v63+s25+$0x0] =	vst.idx.msk $0xffff, v40  }
0x27a: {  	v36 =	vor.u32 v35, v36;
	v59 =	vor.u32 s22, v27;
	v38 =	vor.u32 v1, v38;
	v44 =	vld.idx.msk [tilespmem:v55+s17+$0x0], $0xffff  }
0x27b: {  	v38 =	vor.u32 v35, v38  }
0x27c: {  	[tilespmem:v56+s25+$0x0] =	vst.idx.msk $0xffff, v41  }
0x27d: {  	v60 =	vor.u32 s19, v28;
	[tilespmem:v57+s25+$0x0] =	vst.idx.msk $0xffff, v46;
	v37 =	vld.idx.msk [tilespmem:v37+s17+$0x0], $0xffff  }
0x27e: {  	v61 =	vor.u32 s20, v28;
	[tilespmem:v58+s25+$0x0] =	vst.idx.msk $0xffff, v42;
	v39 =	vld.idx.msk [tilespmem:v39+s17+$0x0], $0xffff  }
0x27f: {  	v62 =	vor.u32 s21, v28;
	v36 =	vld.idx.msk [tilespmem:v36+s17+$0x0], $0xffff;
	[tilespmem:v59+s25+$0x0] =	vst.idx.msk $0xffff, v44  }
0x280: {  	p1 =	por p0, p0;
	v63 =	vor.u32 s22, v28;
	v38 =	vld.idx.msk [tilespmem:v38+s17+$0x0], $0xffff  }
.Ltmp3:
0x281: {  	_ = 	snop;
	(pc) =	sbr.rel @p1 .LBB2_9-.Ltmp3, $4  }
0x282: {  	[tilespmem:v60+s25+$0x0] =	vst.idx.msk $0xffff, v37  }
0x283: {  	[tilespmem:v61+s25+$0x0] =	vst.idx.msk $0xffff, v39  }
0x284: {  	[tilespmem:v62+s25+$0x0] =	vst.idx.msk $0xffff, v36  }
0x285: {  	p0 =	por $0x0, $0x0;
	s19 =	simm.s32 $0x40;
	[tilespmem:v63+s25+$0x0] =	vst.idx.msk $0xffff, v38  }
0x286: {  	s17 =	sshll.u32 s31, $0xF  }
0x287: {  	s17 =	sor.u32 s6, s17  }
0x288: {  	s1 =	sadd.s32 $0x7, s1;
	s19 =	sadd.s32 $0x12400, s0;
	s18 =	sadd.s32 s2, s17  }
0x289: {  	[hbm4b:s18+s3] =	stream.linear.scatter [tilespmem:s19], [sflag:s1], $0x400, $0x38;
	[tilespmem:$0x18400] =	vst v63  }
0x28a: {  	s20 =	sadd.s32 $0x12800, s0;
	s19 =	sadd.s32 s17, s7  }
0x28b: {  	[hbm4b:s19+s3] =	stream.linear.scatter [tilespmem:s20], [sflag:s1], $0x400, $0x38;
	[tilespmem:$0x18400] =	vst v63  }
0x28c: {  	s22 =	sadd.s32 $0x12C00, s0;
	s21 =	sadd.s32 s17, s8  }
0x28d: {  	[hbm4b:s21+s3] =	stream.linear.scatter [tilespmem:s22], [sflag:s1], $0x400, $0x38;
	[tilespmem:$0x18400] =	vst v63  }
0x28e: {  	s19 =	sadd.s32 s17, s9;
	s20 =	sadd.s32 $0x13000, s0  }
0x28f: {  	[hbm4b:s19+s3] =	stream.linear.scatter [tilespmem:s20], [sflag:s1], $0x400, $0x38;
	[tilespmem:$0x18400] =	vst v63  }
0x290: {  	p0 =	sgt.u32 s31, $0xC2;
	s21 =	sadd.s32 s17, s10;
	s22 =	sadd.s32 $0x13400, s0  }
0x291: {  	[hbm4b:s21+s3] =	stream.linear.scatter [tilespmem:s22], [sflag:s1], $0x400, $0x38;
	[tilespmem:$0x18400] =	vst v63  }
0x292: {  	s18 =	sadd.s32 @!p0 $0x5, s31;
	s20 =	sadd.s32 s17, s11;
	s21 =	sadd.s32 $0x13800, s0  }
0x293: {  	[hbm4b:s20+s3] =	stream.linear.scatter [tilespmem:s21], [sflag:s1], $0x400, $0x38;
	[tilespmem:$0x18400] =	vst v63  }
0x294: {  	s22 =	sadd.s32 s17, s12;
	s20 =	sadd.s32 $0x13C00, s0;
	s21 =	smul.u32 @!p0 $0xAB, s18  }
0x295: {  	[hbm4b:s22+s3] =	stream.linear.scatter [tilespmem:s20], [sflag:s1], $0x400, $0x38;
	[tilespmem:$0x18400] =	vst v63  }
0x296: {  	s19 =	sshrl.u32 @!p0 s21, $0xA  }
0x297: {  	s19 =	sand.u32 @!p0 $0x3F, s19  }
0x298: {  	s17 =	sadd.s32 s17, s13;
	s22 =	sadd.s32 $0x14000, s0;
	s19 =	smul.u32 @!p0 $0x6, s19  }
0x299: {  	[hbm4b:s17+s3] =	stream.linear.scatter [tilespmem:s22], [sflag:s1], $0x400, $0x38;
	[tilespmem:$0x18400] =	vst v63  }
0x29a: {  	s0 =	ssub.s32 @!p0 s18, s19  }
0x29b: {  	s17 =	sshll.u32 @!p0 s18, $0x7;
	s0 =	sand.u32 @!p0 $0xFF, s0  }
0x29c: {  	s31 =	sadd.s32 $0x1, s31;
	s17 =	sand.u32 @!p0 $0x3FFFFF80, s17;
	s1 =	sshll.u32 @!p0 s0, $0xD  }
0x29d: {  	s18 =	simm.s32 @!p0 $0x80;
	s0 =	sadd.s32 @!p0 $0x1, s0;
	s1 =	sadd.s32 @!p0 $0x6400, s1  }
0x29e: {  	[tilespmem:s1], [sflag:s0] =	stream.indirect.gather @!p0 [hbm4b:s4+s18], $0x40, s17, s18, $0xb8;
	[tilespmem:$0x18400] =	vst v63  }
0x29f: {  	p0 =	sne.s32 s31, $0xC8  }
.Ltmp4:
0x2a0: {  	_ = 	snop;
	(pc) =	sbr.rel @p0 .LBB2_2-.Ltmp4, $1  }
0x2a1: {  	_ =	sdelay $0x3  }
0x2a2: {  	_ =	swait.ge [sflag:s26], $0x400  }
0x2a3: {  	[sflag:s26] =	ssyncset.done $0x0  }
0x2a4: {  	[sflag:s26] =	ssyncadd.s32 $0xFFFFFC00  }
0x2a5: {  	_ =	swait.ge [sflag:s26], $0x400  }
0x2a6: {  	[sflag:s26] =	ssyncset.done $0x0  }
0x2a7: {  	[sflag:s26] =	ssyncadd.s32 $0xFFFFFC00  }
0x2a8: {  	_ =	swait.ge [sflag:s26], $0x400  }
0x2a9: {  	[sflag:s26] =	ssyncset.done $0x0  }
0x2aa: {  	[sflag:s26] =	ssyncadd.s32 $0xFFFFFC00  }
0x2ab: {  	_ =	swait.ge [sflag:s26], $0x400  }
0x2ac: {  	[sflag:s26] =	ssyncset.done $0x0  }
0x2ad: {  	[sflag:s26] =	ssyncadd.s32 $0xFFFFFC00  }
0x2ae: {  	_ =	swait.ge [sflag:s26], $0x400  }
0x2af: {  	[sflag:s26] =	ssyncset.done $0x0  }
0x2b0: {  	[sflag:s26] =	ssyncadd.s32 $0xFFFFFC00  }
0x2b1: {  	_ =	swait.ge [sflag:s26], $0x400  }
0x2b2: {  	[sflag:s26] =	ssyncset.done $0x0  }
0x2b3: {  	[sflag:s26] =	ssyncadd.s32 $0xFFFFFC00  }
0x2b4: {  	_ =	swait.ge [sflag:s26], $0x400  }
0x2b5: {  	[sflag:s26] =	ssyncset.done $0x0  }
0x2b6: {  	[sflag:s26] =	ssyncadd.s32 $0xFFFFFC00  }
0x2b7: {  	_ =	swait.ge [sflag:s26], $0x400  }
0x2b8: {  	[sflag:s26] =	ssyncset.done $0x0  }
0x2b9: {  	[sflag:s26] =	ssyncadd.s32 $0xFFFFFC00  }
0x2ba: {  	_ =	swait.ge [sflag:s28], $0x400  }
0x2bb: {  	[sflag:s28] =	ssyncset.done $0x0  }
0x2bc: {  	[sflag:s28] =	ssyncadd.s32 $0xFFFFFC00  }
0x2bd: {  	_ =	swait.ge [sflag:s28], $0x400  }
0x2be: {  	[sflag:s28] =	ssyncset.done $0x0  }
0x2bf: {  	[sflag:s28] =	ssyncadd.s32 $0xFFFFFC00  }
0x2c0: {  	_ =	swait.ge [sflag:s28], $0x400  }
0x2c1: {  	[sflag:s28] =	ssyncset.done $0x0  }
0x2c2: {  	[sflag:s28] =	ssyncadd.s32 $0xFFFFFC00  }
0x2c3: {  	_ =	swait.ge [sflag:s28], $0x400  }
0x2c4: {  	[sflag:s28] =	ssyncset.done $0x0  }
0x2c5: {  	[sflag:s28] =	ssyncadd.s32 $0xFFFFFC00  }
0x2c6: {  	_ =	swait.ge [sflag:s28], $0x400  }
0x2c7: {  	[sflag:s28] =	ssyncset.done $0x0  }
0x2c8: {  	[sflag:s28] =	ssyncadd.s32 $0xFFFFFC00  }
0x2c9: {  	_ =	swait.ge [sflag:s28], $0x400  }
0x2ca: {  	[sflag:s28] =	ssyncset.done $0x0  }
0x2cb: {  	[sflag:s28] =	ssyncadd.s32 $0xFFFFFC00  }
0x2cc: {  	_ =	swait.ge [sflag:s28], $0x400  }
0x2cd: {  	[sflag:s28] =	ssyncset.done $0x0  }
0x2ce: {  	[sflag:s28] =	ssyncadd.s32 $0xFFFFFC00  }
0x2cf: {  	_ =	swait.ge [sflag:s28], $0x400  }
0x2d0: {  	[sflag:s28] =	ssyncset.done $0x0  }
0x2d1: {  	[sflag:s28] =	ssyncadd.s32 $0xFFFFFC00  }
0x2d2: {  	_ =	swait.ge [sflag:s29], $0x400  }
0x2d3: {  	[sflag:s29] =	ssyncset.done $0x0  }
0x2d4: {  	[sflag:s29] =	ssyncadd.s32 $0xFFFFFC00  }
0x2d5: {  	_ =	swait.ge [sflag:s29], $0x400  }
0x2d6: {  	[sflag:s29] =	ssyncset.done $0x0  }
0x2d7: {  	[sflag:s29] =	ssyncadd.s32 $0xFFFFFC00  }
0x2d8: {  	_ =	swait.ge [sflag:s29], $0x400  }
0x2d9: {  	[sflag:s29] =	ssyncset.done $0x0  }
0x2da: {  	[sflag:s29] =	ssyncadd.s32 $0xFFFFFC00  }
0x2db: {  	_ =	swait.ge [sflag:s29], $0x400  }
0x2dc: {  	[sflag:s29] =	ssyncset.done $0x0  }
0x2dd: {  	[sflag:s29] =	ssyncadd.s32 $0xFFFFFC00  }
0x2de: {  	_ =	swait.ge [sflag:s29], $0x400  }
0x2df: {  	[sflag:s29] =	ssyncset.done $0x0  }
0x2e0: {  	[sflag:s29] =	ssyncadd.s32 $0xFFFFFC00  }
0x2e1: {  	_ =	swait.ge [sflag:s29], $0x400  }
0x2e2: {  	[sflag:s29] =	ssyncset.done $0x0  }
0x2e3: {  	s30 =	sadd.s32 $0x1, s30;
	[sflag:s29] =	ssyncadd.s32 $0xFFFFFC00  }
0x2e4: {  	p0 =	sne.s32 s30, s14;
	_ =	swait.ge [sflag:s29], $0x400  }
.Ltmp5:
0x2e5: {  	[sflag:s29] =	ssyncset.done $0x0;
	(pc) =	sbr.rel @p0 .LBB2_1-.Ltmp5, $4  }
0x2e6: {  	[sflag:s29] =	ssyncadd.s32 $0xFFFFFC00  }
0x2e7: {  	_ =	swait.ge [sflag:s29], $0x400  }
0x2e8: {  	[sflag:s29] =	ssyncset.done $0x0  }
0x2e9: {  	[sflag:s29] =	ssyncadd.s32 $0xFFFFFC00  }
0x2ea: {  	_ =	sfence.sel $0x180000  }
0x2eb: {  	[bflag:$0x0] =	sbarrier.arrive $0xFFFF  }
0x2ec: {  	_ =	strace $0x90000047  }
0x2ed: {  	s0 =	stileid.u32;
	[bflag:$0x2] =	sbarrier.arrive $0xFFFF  }
0x2ee: {  	p0 =	sne.s32 s0, $0x0;
	s0 =	rddreg [dreg:$0x2]  }
0x2ef: {  	s0 =	sadd.s32 @!p0 $0x100000, s0  }
0x2f0: {  	[sflag:s0] =	ssyncadd.tile.s32 @!p0 $0x1;
	_ =	shalt  }
.Lfunc_end2:
_tile_overlayer_lowered:
.L_overlay_start_2:
0x2f1: {  	(tag) =	ssettag $0x2  }
0x2f2: {  	s0 =	rddreg [dreg:$0x0];
	s2 =	stileid.u32  }
0x2f3: {  	s1 =	rddreg [dreg:$0x1];
	p0 =	sne.s32 s2, $0x0  }
0x2f4: {  	s3 =	rddreg [dreg:$0x2];
	[bflag:$0x3] =	sbarrier.arrive $0xFFFF;
	s2 =	simm.s32 @!p0 $0x1C0A  }
0x2f5: {  	[timem:s3], [sflag:s2] =	dma.local @!p0 [hbm:s0], s1  }
0x2f6: {  	s0 =	simm.s32 @!p0 $0xA  }
0x2f7: {  	_ =	swait.ge @!p0 [sflag:s0], s1  }
0x2f8: {  	s1 =	ssub.s32 @!p0 $0x0, s1;
	[sflag:s0] =	ssyncset.done @!p0 $0x0  }
0x2f9: {  	[sflag:s0] =	ssyncadd.s32 @!p0 s1  }
0x2fa: {  	[bflag:$0x3] =	sbarrier.arrive $0xFFFF  }
0x2fb: {  	_ =	shalt  }

</sc_bundles>
